<compile_context>
chip_gen: v7x
topology: tpu7x:2x2x1
jax: 0.10.2.dev20260603
libtpu: 0.0.44.dev20260713+nightly
codegen_flags: <defaults>
</compile_context>

<pallas_src>
import jax
import jax.numpy as jnp
from jax import lax
from jax.experimental import pallas as pl
from jax.experimental.pallas import tpu as pltpu
from jax.experimental.pallas import tpu_sc as plsc

_N = 10000
_D = 128
_E = 160000
_NPAD = 10240
_NC = 2
_NS = 16
_L = 16
_CH = 80
_TE = _CH * 128
_EP = _TE * _NS
_SL = _EP // 8
_GC = 40

_mesh = plsc.VectorSubcoreMesh(
    core_axis_name="c", subcore_axis_name="s", num_cores=_NC, num_subcores=_NS
)


def _rsqrt16(d):
    i = plsc.bitcast(d, jnp.int32)
    magic = jnp.full((_L,), 0x5F3759DF, jnp.int32)
    one = jnp.full((_L,), 1, jnp.int32)
    y = plsc.bitcast(magic - lax.shift_right_logical(i, one), jnp.float32)
    h = 0.5 * d
    y = y * (1.5 - h * y * y)
    y = y * (1.5 - h * y * y)
    y = y * (1.5 - h * y * y)
    return jnp.where(d > 0.0, y, 0.0)


def _deg_body(idx_hbm, norms_hbm, deg, idxb, accb, tmpb, part):
    c = lax.axis_index("c")
    s = lax.axis_index("s")
    a = 2 * c + s // 8
    slot = s % 8
    zeros16 = jnp.zeros((_L,), jnp.float32)
    ones16 = jnp.ones((_L,), jnp.float32)

    def z(k, _):
        for u in range(4):
            deg[pl.ds((4 * k + u) * _L, _L)] = zeros16
        return 0

    lax.fori_loop(0, _NPAD // _L // 4, z, 0)

    pltpu.sync_copy(idx_hbm.at[pl.ds(a * _EP + slot * _SL, _SL)], idxb)

    def cnt(k, _):
        for u in range(8):
            iv = idxb[pl.ds((8 * k + u) * _L, _L)]
            plsc.addupdate_scatter(deg, [iv], ones16)
        return 0

    lax.fori_loop(0, _SL // _L // 8, cnt, 0)

    pltpu.sync_copy(deg, part.at[s])
    plsc.subcore_barrier()

    nseg = _NPAD // 8
    base = slot * nseg
    row0 = (s // 8) * 8
    pltpu.sync_copy(part.at[row0, pl.ds(base, nseg)], accb)

    def red(r, _):
        pltpu.sync_copy(part.at[row0 + r, pl.ds(base, nseg)], tmpb)

        def add(k, __):
            for u in range(4):
                q = pl.ds((4 * k + u) * _L, _L)
                accb[q] = accb[q] + tmpb[q]
            return 0

        lax.fori_loop(0, nseg // _L // 4, add, 0)
        return 0

    lax.fori_loop(1, 8, red, 0)

    def nrm(k, _):
        accb[pl.ds(k * _L, _L)] = _rsqrt16(accb[pl.ds(k * _L, _L)])
        return 0

    lax.fori_loop(0, nseg // _L, nrm, 0)
    pltpu.sync_copy(accb, norms_hbm.at[pl.ds(a * _NPAD + base, nseg)])


def _agg_body(x_hbm, norms_hbm, src_hbm, dst_hbm, xs_hbm, out_hbm,
              srcb, dstb, rows0, rows1, nsb, acc, gs0, gs1):
    c = lax.axis_index("c")
    s = lax.axis_index("s")
    base_rows = c * (_NS * _CH) + s * _CH
    nrows = _NPAD // _NS

    pltpu.sync_copy(norms_hbm.at[pl.ds(2 * c * _NPAD + s * nrows, nrows)], nsb)

    def sc_chunk(k, _):
        pltpu.sync_copy(x_hbm.at[pl.ds(s * nrows + k * 128, 128)], rows0)

        def rowgrp(g, __):
            wv = nsb[pl.ds(k * 128 + g * _L, _L)]
            for j in range(_L):
                r = g * _L + j
                w = wv[j]
                for v in range(_D // _L):
                    rows0[r, pl.ds(v * _L, _L)] = rows0[r, pl.ds(v * _L, _L)] * w
            return 0

        lax.fori_loop(0, 128 // _L, rowgrp, 0)
        pltpu.sync_copy(rows0, xs_hbm.at[pl.ds(c * _NPAD + s * nrows + k * 128, 128)])
        return 0

    lax.fori_loop(0, nrows // 128, sc_chunk, 0)

    zeros16 = jnp.zeros((_L,), jnp.float32)

    def z(t, _):
        rows0[t // 8, pl.ds((t % 8) * _L, _L)] = zeros16
        return 0

    lax.fori_loop(0, 1024, z, 0)

    def zc(k, _):
        pltpu.sync_copy(rows0, acc.at[pl.ds(s * nrows + k * 128, 128)])
        return 0

    lax.fori_loop(0, nrows // 128, zc, 0)
    plsc.subcore_barrier()

    def g_start(j, buf, sem):
        pltpu.async_copy(xs_hbm.at[srcb.at[j]], buf, sem)

    def g_wait(j, buf, sem):
        pltpu.make_async_copy(xs_hbm.at[srcb.at[j]], buf, sem).wait()

    def s_add(j, buf):
        pltpu.sync_copy(buf, acc.at[dstb.at[j]], add=True)

    def group(g, _):
        pltpu.sync_copy(src_hbm.at[pl.ds(base_rows + g * _GC, _GC)], srcb)
        pltpu.sync_copy(dst_hbm.at[pl.ds(base_rows + g * _GC, _GC)], dstb)
        g_start(0, rows0, gs0)

        def body(i, __):
            j0 = 2 * i
            g_start(j0 + 1, rows1, gs1)
            g_wait(j0, rows0, gs0)
            s_add(j0, rows0)

            @pl.when(i < _GC // 2 - 1)
            def _():
                g_start(j0 + 2, rows0, gs0)

            g_wait(j0 + 1, rows1, gs1)
            s_add(j0 + 1, rows1)
            return 0

        lax.fori_loop(0, _GC // 2, body, 0)
        return 0

    lax.fori_loop(0, _CH // _GC, group, 0)
    plsc.subcore_barrier()

    def dr(k, _):
        pltpu.sync_copy(acc.at[pl.ds(s * nrows + k * 128, 128)],
                        out_hbm.at[pl.ds(c * _NPAD + s * nrows + k * 128, 128)])
        return 0

    lax.fori_loop(0, nrows // 128, dr, 0)


_sc_params = pltpu.CompilerParams(needs_layout_passes=False)

_deg_kernel = pl.kernel(
    _deg_body,
    out_type=jax.ShapeDtypeStruct((4 * _NPAD,), jnp.float32),
    mesh=_mesh,
    compiler_params=_sc_params,
    scratch_types=[
        pltpu.VMEM((_NPAD,), jnp.float32),
        pltpu.VMEM((_SL,), jnp.int32),
        pltpu.VMEM((_NPAD // 8,), jnp.float32),
        pltpu.VMEM((_NPAD // 8,), jnp.float32),
        pltpu.VMEM_SHARED((_NS, _NPAD), jnp.float32),
    ],
)

_agg_kernel = pl.kernel(
    _agg_body,
    out_type=(
        jax.ShapeDtypeStruct((2 * _NPAD, _D), jnp.float32),
        jax.ShapeDtypeStruct((2 * _NPAD, _D), jnp.float32),
    ),
    mesh=_mesh,
    compiler_params=_sc_params,
    scratch_types=[
        pltpu.VMEM((_GC, 128), jnp.int32),
        pltpu.VMEM((_GC, 128), jnp.int32),
        pltpu.VMEM((128, _D), jnp.float32),
        pltpu.VMEM((128, _D), jnp.float32),
        pltpu.VMEM((_NPAD // _NS,), jnp.float32),
        pltpu.VMEM_SHARED((_NPAD, _D), jnp.float32),
        pltpu.SemaphoreType.DMA,
        pltpu.SemaphoreType.DMA,
    ],
)


_BR = 1024
_SUB = _BR // 128


def _colmat(row):
    ones = jnp.ones((1, 128), jnp.float32)
    return lax.dot_general(row, ones, (((0,), (0,)), ((), ())),
                           preferred_element_type=jnp.float32)


def _final_body(af_ref, al_ref, nf_ref, nl_ref, wf_ref, wl_ref, bf_ref, bl_ref, o_ref):
    mf = jnp.concatenate([_colmat(nf_ref[0, r:r + 1, :]) for r in range(_SUB)], axis=0)
    ml = jnp.concatenate([_colmat(nl_ref[0, r:r + 1, :]) for r in range(_SUB)], axis=0)
    h = (jnp.dot(af_ref[...] * mf, wf_ref[...], preferred_element_type=jnp.float32)
         + jnp.dot(al_ref[...] * ml, wl_ref[...], preferred_element_type=jnp.float32)
         + bf_ref[...] + bl_ref[...])
    o_ref[...] = jnp.maximum(h, 0.0)


_GB = _NPAD // _BR


def _final_call(agg, norms3, wf, wl, bf2, bl2):
    return pl.pallas_call(
        _final_body,
        grid=(_GB,),
        in_specs=[
            pl.BlockSpec((_BR, _D), lambda i: (i, 0)),
            pl.BlockSpec((_BR, _D), lambda i: (i + _GB, 0)),
            pl.BlockSpec((1, _SUB, 128), lambda i: (_GB + i, 0, 0)),
            pl.BlockSpec((1, _SUB, 128), lambda i: (3 * _GB + i, 0, 0)),
            pl.BlockSpec((_D, _D), lambda i: (0, 0)),
            pl.BlockSpec((_D, _D), lambda i: (0, 0)),
            pl.BlockSpec((1, 128), lambda i: (0, 0)),
            pl.BlockSpec((1, 128), lambda i: (0, 0)),
        ],
        out_specs=pl.BlockSpec((_BR, _D), lambda i: (i, 0)),
        out_shape=jax.ShapeDtypeStruct((_N, _D), jnp.float32),
    )(agg, agg, norms3, norms3, wf, wl, bf2, bl2)


def kernel(x, edge_index_follows, edge_index_likes, W_follows, b_follows, W_likes, b_likes):
    i32 = jnp.int32
    x_pad = jnp.concatenate([x, jnp.zeros((_NPAD - _N, _D), x.dtype)], axis=0)
    pad = jnp.full((_EP - _E,), _N, i32)
    srcf = jnp.concatenate([edge_index_follows[0], pad])
    dstf = jnp.concatenate([edge_index_follows[1], pad])
    srcl = jnp.concatenate([edge_index_likes[0], pad])
    dstl = jnp.concatenate([edge_index_likes[1], pad])

    idx_all = jnp.concatenate([srcf, dstf, srcl, dstl])
    norms = _deg_kernel(idx_all)

    src_c = jnp.concatenate([srcf, srcl + _NPAD]).reshape(2 * _NS * _CH, 128)
    dst_c = jnp.concatenate([dstf, dstl]).reshape(2 * _NS * _CH, 128)
    _, agg = _agg_kernel(x_pad, norms, src_c, dst_c)

    out = _final_call(agg, norms.reshape(4 * _GB, _SUB, 128), W_follows, W_likes,
                      b_follows.reshape(1, _D), b_likes.reshape(1, _D))
    return out

# --- scband reference (transcript-rebuilt; emitter-appended) ---
"""Pipeline reference for scband-rgcn-1778116460979 (READ-ONLY COPY).

The authoritative reference and input builder live on the scoring server;
editing this copy changes nothing except your own understanding.
"""

import jax, jax.numpy as jnp
import numpy as np

N = 10000
D_IN = 128
D_HID = 128
E = 160000


def setup_inputs(seed: int = 0) -> dict:
    key = jax.random.key(seed)
    ks = jax.random.split(key, 8)
    x = jax.random.normal(ks[0], (N, D_IN), dtype=jnp.float32)
    edge_index_follows = jax.random.randint(ks[1], (2, E), 0, N, dtype=jnp.int32)
    edge_index_likes = jax.random.randint(ks[2], (2, E), 0, N, dtype=jnp.int32)
    # learned params: one GraphConv (weight + bias) per relation
    scale = 1.0 / np.sqrt(D_IN)
    W_follows = jax.random.normal(ks[3], (D_IN, D_HID), dtype=jnp.float32) * scale
    b_follows = jnp.zeros((D_HID,), dtype=jnp.float32)
    W_likes = jax.random.normal(ks[4], (D_IN, D_HID), dtype=jnp.float32) * scale
    b_likes = jnp.zeros((D_HID,), dtype=jnp.float32)
    return {
        "x": x,
        "edge_index_follows": edge_index_follows,
        "edge_index_likes": edge_index_likes,
        "W_follows": W_follows,
        "b_follows": b_follows,
        "W_likes": W_likes,
        "b_likes": b_likes,
    }


def _graph_conv(x, edge_index, W, b):
    # DGL GraphConv with norm='both': D_dst^{-1/2} (A (D_src^{-1/2} X)) W + b
    src = edge_index[0]
    dst = edge_index[1]
    ones = jnp.ones((src.shape[0],), dtype=x.dtype)
    deg_out = jax.ops.segment_sum(ones, src, num_segments=N)
    deg_in = jax.ops.segment_sum(ones, dst, num_segments=N)
    norm_src = jnp.where(deg_out > 0, jnp.power(jnp.maximum(deg_out, 1.0), -0.5), 0.0)
    norm_dst = jnp.where(deg_in > 0, jnp.power(jnp.maximum(deg_in, 1.0), -0.5), 0.0)
    h = x * norm_src[:, None]
    msgs = jnp.take(h, src, axis=0)
    agg = jax.ops.segment_sum(msgs, dst, num_segments=N)
    agg = agg * norm_dst[:, None]
    return agg @ W + b


def reference(x, edge_index_follows, edge_index_likes, W_follows, b_follows, W_likes, b_likes):
    # HeteroGraphConv with aggregate='sum' over relations, then ReLU
    h = _graph_conv(x, edge_index_follows, W_follows, b_follows)
    h = h + _graph_conv(x, edge_index_likes, W_likes, b_likes)
    return jax.nn.relu(h)

if __name__ == "__main__":
    import jax
    _d = setup_inputs()
    print(jax.jit(kernel)(*tuple(_d.values())))

</pallas_src>

<mosaic_0001>
#map = affine_map<(d0, d1) -> (0, 0)>
#map1 = affine_map<(d0, d1) -> (0)>
module attributes {stable_mosaic.version = 14 : i64} {
  func.func @_agg_body(%arg0: i32, %arg1: i32, %arg2: memref<10240x128xf32, #tpu.memory_space<hbm>>, %arg3: memref<40960xf32, #tpu.memory_space<hbm>>, %arg4: memref<2560x128xi32, #tpu.memory_space<hbm>>, %arg5: memref<2560x128xi32, #tpu.memory_space<hbm>>, %arg6: memref<20480x128xf32, #tpu.memory_space<hbm>>, %arg7: memref<20480x128xf32, #tpu.memory_space<hbm>>, %arg8: memref<40x128xi32, #tpu.memory_space<vmem>>, %arg9: memref<40x128xi32, #tpu.memory_space<vmem>>, %arg10: memref<128x128xf32, #tpu.memory_space<vmem>>, %arg11: memref<128x128xf32, #tpu.memory_space<vmem>>, %arg12: memref<640xf32, #tpu.memory_space<vmem>>, %arg13: memref<10240x128xf32, #tpu.memory_space<vmem_shared>>, %arg14: memref<!tpu.dma_semaphore, #tpu.memory_space<semaphore_mem>>, %arg15: memref<!tpu.dma_semaphore, #tpu.memory_space<semaphore_mem>>) attributes {dimension_semantics = [#tpu.dimension_semantics<core_parallel>, #tpu.dimension_semantics<subcore_parallel>], iteration_bounds = array<i64: 2, 16>, scalar_prefetch = 0 : i64, scratch_operands = 8 : i64, tpu.core_type = #tpu.core_type<sc_vector_subcore>, window_params = [{transform_indices = #map}, {transform_indices = #map1}, {transform_indices = #map}, {transform_indices = #map}, {transform_indices = #map}, {transform_indices = #map}]} {
    %mul3A = arith.constant 1280 : i32
    %mul3A_0 = arith.muli %arg0, %mul3A : i32
    %mul3A_1 = arith.constant 80 : i32
    %mul3A_2 = arith.muli %arg1, %mul3A_1 : i32
    %add3A = arith.addi %mul3A_0, %mul3A_2 : i32
    %mul3A_3 = arith.constant 2 : i32
    %mul3A_4 = arith.muli %mul3A_3, %arg0 : i32
    %mul3A_5 = arith.constant 10240 : i32
    %mul3A_6 = arith.muli %mul3A_4, %mul3A_5 : i32
    %mul3A_7 = arith.constant 640 : i32
    %mul3A_8 = arith.muli %arg1, %mul3A_7 : i32
    %add3A_9 = arith.addi %mul3A_6, %mul3A_8 : i32
    "tpu.region"() ({
      %run_scoped3A = tpu.sem_alloc : memref<!tpu.dma_semaphore, #tpu.memory_space<semaphore_mem>>
      %dma_start3A = tpu.memref_slice %arg3[%add3A_9] : memref<40960xf32, #tpu.memory_space<hbm>> -> memref<640xf32, #tpu.memory_space<hbm>>
      %dma_start3A_46 = tpu.memref_slice %arg3[%add3A_9] : memref<40960xf32, #tpu.memory_space<hbm>> -> memref<640xf32, #tpu.memory_space<hbm>>
      tpu.enqueue_dma source(%dma_start3A_46 : memref<640xf32, #tpu.memory_space<hbm>>) target(%arg12 : memref<640xf32, #tpu.memory_space<vmem>>) target_semaphore(%run_scoped3A : memref<!tpu.dma_semaphore, #tpu.memory_space<semaphore_mem>>)
      %dma_wait3A = tpu.memref_slice %arg3[%add3A_9] : memref<40960xf32, #tpu.memory_space<hbm>> -> memref<640xf32, #tpu.memory_space<hbm>>
      %dma_wait3A_47 = tpu.memref_slice %arg3[%add3A_9] : memref<40960xf32, #tpu.memory_space<hbm>> -> memref<640xf32, #tpu.memory_space<hbm>>
      tpu.wait_dma2 semaphore(%run_scoped3A : memref<!tpu.dma_semaphore, #tpu.memory_space<semaphore_mem>>) src(%dma_wait3A_47 : memref<640xf32, #tpu.memory_space<hbm>>) dst(%arg12 : memref<640xf32, #tpu.memory_space<vmem>>)
      tpu.yield
    }) : () -> ()
    %scan3A = arith.constant 0 : i32
    %scan3A_10 = arith.constant 0 : i32
    %scan3A_11 = arith.constant 5 : i32
    %scan3A_12 = arith.addi %scan3A_10, %scan3A_11 : i32
    %scan3A_13 = arith.constant 1 : i32
    %scan3A_14 = scf.for %scan3A_46 = %scan3A_10 to %scan3A_12 step %scan3A_13 iter_args(%scan3A_47 = %scan3A) -> (i32)  : i32 {
      %mul3A_48 = arith.constant 640 : i32
      %mul3A_49 = arith.muli %arg1, %mul3A_48 : i32
      %mul3A_50 = arith.constant 128 : i32
      %mul3A_51 = arith.muli %scan3A_46, %mul3A_50 : i32
      %add3A_52 = arith.addi %mul3A_49, %mul3A_51 : i32
      "tpu.region"() ({
        %run_scoped3A = tpu.sem_alloc : memref<!tpu.dma_semaphore, #tpu.memory_space<semaphore_mem>>
        %dma_start3A = arith.constant 0 : i32
        %dma_start3A_69 = tpu.memref_slice %arg2[%add3A_52, %dma_start3A] : memref<10240x128xf32, #tpu.memory_space<hbm>> -> memref<128x128xf32, #tpu.memory_space<hbm>>
        %dma_start3A_70 = arith.constant 0 : i32
        %dma_start3A_71 = tpu.memref_slice %arg2[%add3A_52, %dma_start3A_70] : memref<10240x128xf32, #tpu.memory_space<hbm>> -> memref<128x128xf32, #tpu.memory_space<hbm>>
        tpu.enqueue_dma source(%dma_start3A_71 : memref<128x128xf32, #tpu.memory_space<hbm>>) target(%arg10 : memref<128x128xf32, #tpu.memory_space<vmem>>) target_semaphore(%run_scoped3A : memref<!tpu.dma_semaphore, #tpu.memory_space<semaphore_mem>>)
        %dma_wait3A = arith.constant 0 : i32
        %dma_wait3A_72 = tpu.memref_slice %arg2[%add3A_52, %dma_wait3A] : memref<10240x128xf32, #tpu.memory_space<hbm>> -> memref<128x128xf32, #tpu.memory_space<hbm>>
        %dma_wait3A_73 = arith.constant 0 : i32
        %dma_wait3A_74 = tpu.memref_slice %arg2[%add3A_52, %dma_wait3A_73] : memref<10240x128xf32, #tpu.memory_space<hbm>> -> memref<128x128xf32, #tpu.memory_space<hbm>>
        tpu.wait_dma2 semaphore(%run_scoped3A : memref<!tpu.dma_semaphore, #tpu.memory_space<semaphore_mem>>) src(%dma_wait3A_74 : memref<128x128xf32, #tpu.memory_space<hbm>>) dst(%arg10 : memref<128x128xf32, #tpu.memory_space<vmem>>)
        tpu.yield
      }) : () -> ()
      %scan3A_53 = arith.constant 0 : i32
      %scan3A_54 = arith.constant 0 : i32
      %scan3A_55 = arith.constant 8 : i32
      %scan3A_56 = arith.addi %scan3A_54, %scan3A_55 : i32
      %scan3A_57 = arith.constant 1 : i32
      %scan3A_58 = scf.for %scan3A_69 = %scan3A_54 to %scan3A_56 step %scan3A_57 iter_args(%scan3A_70 = %scan3A_53) -> (i32)  : i32 {
        %mul3A_71 = arith.constant 128 : i32
        %mul3A_72 = arith.muli %scan3A_46, %mul3A_71 : i32
        %mul3A_73 = arith.constant 16 : i32
        %mul3A_74 = arith.muli %scan3A_69, %mul3A_73 : i32
        %add3A_75 = arith.addi %mul3A_72, %mul3A_74 : i32
        %get3A = arith.index_cast %add3A_75 : i32 to index
        %get3A_76 = tpu.vector_load %arg12[%get3A] {strides = array<i32>} : memref<640xf32, #tpu.memory_space<vmem>>, vector<16xf32>,
        %mul3A_77 = arith.constant 16 : i32
        %mul3A_78 = arith.muli %scan3A_69, %mul3A_77 : i32
        %add3A_79 = arith.constant 0 : i32
        %add3A_80 = arith.addi %mul3A_78, %add3A_79 : i32
        %slice3A = vector.extract_strided_slice %get3A_76 {offsets = [0], sizes = [1], strides = [1]} : vector<16xf32> to vector<1xf32>
        %squeeze3A = vector.extract %slice3A[0] : f32 from vector<1xf32>
        %get3A_81 = arith.index_cast %add3A_80 : i32 to index
        %get3A_82 = arith.constant 0 : index
        %get3A_83 = tpu.vector_load %arg10[%get3A_81, %get3A_82] {strides = array<i32>} : memref<128x128xf32, #tpu.memory_space<vmem>>, vector<16xf32>,
        %mul3A_84 = vector.broadcast %squeeze3A : f32 to vector<16xf32>
        %mul3A_85 = arith.mulf %get3A_83, %mul3A_84 : vector<16xf32>
        %swap3A = arith.index_cast %add3A_80 : i32 to index
        %swap3A_86 = arith.constant 0 : index
        %swap3A_87 = tpu.vector_load %arg10[%swap3A, %swap3A_86] {strides = array<i32>} : memref<128x128xf32, #tpu.memory_space<vmem>>, vector<16xf32>,
        tpu.vector_store %arg10[%swap3A, %swap3A_86], %mul3A_85 {strides = array<i32>} : memref<128x128xf32, #tpu.memory_space<vmem>>, vector<16xf32>,
        %get3A_88 = arith.index_cast %add3A_80 : i32 to index
        %get3A_89 = arith.constant 16 : index
        %get3A_90 = tpu.vector_load %arg10[%get3A_88, %get3A_89] {strides = array<i32>} : memref<128x128xf32, #tpu.memory_space<vmem>>, vector<16xf32>,
        %mul3A_91 = vector.broadcast %squeeze3A : f32 to vector<16xf32>
        %mul3A_92 = arith.mulf %get3A_90, %mul3A_91 : vector<16xf32>
        %swap3A_93 = arith.index_cast %add3A_80 : i32 to index
        %swap3A_94 = arith.constant 16 : index
        %swap3A_95 = tpu.vector_load %arg10[%swap3A_93, %swap3A_94] {strides = array<i32>} : memref<128x128xf32, #tpu.memory_space<vmem>>, vector<16xf32>,
        tpu.vector_store %arg10[%swap3A_93, %swap3A_94], %mul3A_92 {strides = array<i32>} : memref<128x128xf32, #tpu.memory_space<vmem>>, vector<16xf32>,
        %get3A_96 = arith.index_cast %add3A_80 : i32 to index
        %get3A_97 = arith.constant 32 : index
        %get3A_98 = tpu.vector_load %arg10[%get3A_96, %get3A_97] {strides = array<i32>} : memref<128x128xf32, #tpu.memory_space<vmem>>, vector<16xf32>,
        %mul3A_99 = vector.broadcast %squeeze3A : f32 to vector<16xf32>
        %mul3A_100 = arith.mulf %get3A_98, %mul3A_99 : vector<16xf32>
        %swap3A_101 = arith.index_cast %add3A_80 : i32 to index
        %swap3A_102 = arith.constant 32 : index
        %swap3A_103 = tpu.vector_load %arg10[%swap3A_101, %swap3A_102] {strides = array<i32>} : memref<128x128xf32, #tpu.memory_space<vmem>>, vector<16xf32>,
        tpu.vector_store %arg10[%swap3A_101, %swap3A_102], %mul3A_100 {strides = array<i32>} : memref<128x128xf32, #tpu.memory_space<vmem>>, vector<16xf32>,
        %get3A_104 = arith.index_cast %add3A_80 : i32 to index
        %get3A_105 = arith.constant 48 : index
        %get3A_106 = tpu.vector_load %arg10[%get3A_104, %get3A_105] {strides = array<i32>} : memref<128x128xf32, #tpu.memory_space<vmem>>, vector<16xf32>,
        %mul3A_107 = vector.broadcast %squeeze3A : f32 to vector<16xf32>
        %mul3A_108 = arith.mulf %get3A_106, %mul3A_107 : vector<16xf32>
        %swap3A_109 = arith.index_cast %add3A_80 : i32 to index
        %swap3A_110 = arith.constant 48 : index
        %swap3A_111 = tpu.vector_load %arg10[%swap3A_109, %swap3A_110] {strides = array<i32>} : memref<128x128xf32, #tpu.memory_space<vmem>>, vector<16xf32>,
        tpu.vector_store %arg10[%swap3A_109, %swap3A_110], %mul3A_108 {strides = array<i32>} : memref<128x128xf32, #tpu.memory_space<vmem>>, vector<16xf32>,
        %get3A_112 = arith.index_cast %add3A_80 : i32 to index
        %get3A_113 = arith.constant 64 : index
        %get3A_114 = tpu.vector_load %arg10[%get3A_112, %get3A_113] {strides = array<i32>} : memref<128x128xf32, #tpu.memory_space<vmem>>, vector<16xf32>,
        %mul3A_115 = vector.broadcast %squeeze3A : f32 to vector<16xf32>
        %mul3A_116 = arith.mulf %get3A_114, %mul3A_115 : vector<16xf32>
        %swap3A_117 = arith.index_cast %add3A_80 : i32 to index
        %swap3A_118 = arith.constant 64 : index
        %swap3A_119 = tpu.vector_load %arg10[%swap3A_117, %swap3A_118] {strides = array<i32>} : memref<128x128xf32, #tpu.memory_space<vmem>>, vector<16xf32>,
        tpu.vector_store %arg10[%swap3A_117, %swap3A_118], %mul3A_116 {strides = array<i32>} : memref<128x128xf32, #tpu.memory_space<vmem>>, vector<16xf32>,
        %get3A_120 = arith.index_cast %add3A_80 : i32 to index
        %get3A_121 = arith.constant 80 : index
        %get3A_122 = tpu.vector_load %arg10[%get3A_120, %get3A_121] {strides = array<i32>} : memref<128x128xf32, #tpu.memory_space<vmem>>, vector<16xf32>,
        %mul3A_123 = vector.broadcast %squeeze3A : f32 to vector<16xf32>
        %mul3A_124 = arith.mulf %get3A_122, %mul3A_123 : vector<16xf32>
        %swap3A_125 = arith.index_cast %add3A_80 : i32 to index
        %swap3A_126 = arith.constant 80 : index
        %swap3A_127 = tpu.vector_load %arg10[%swap3A_125, %swap3A_126] {strides = array<i32>} : memref<128x128xf32, #tpu.memory_space<vmem>>, vector<16xf32>,
        tpu.vector_store %arg10[%swap3A_125, %swap3A_126], %mul3A_124 {strides = array<i32>} : memref<128x128xf32, #tpu.memory_space<vmem>>, vector<16xf32>,
        %get3A_128 = arith.index_cast %add3A_80 : i32 to index
        %get3A_129 = arith.constant 96 : index
        %get3A_130 = tpu.vector_load %arg10[%get3A_128, %get3A_129] {strides = array<i32>} : memref<128x128xf32, #tpu.memory_space<vmem>>, vector<16xf32>,
        %mul3A_131 = vector.broadcast %squeeze3A : f32 to vector<16xf32>
        %mul3A_132 = arith.mulf %get3A_130, %mul3A_131 : vector<16xf32>
        %swap3A_133 = arith.index_cast %add3A_80 : i32 to index
        %swap3A_134 = arith.constant 96 : index
        %swap3A_135 = tpu.vector_load %arg10[%swap3A_133, %swap3A_134] {strides = array<i32>} : memref<128x128xf32, #tpu.memory_space<vmem>>, vector<16xf32>,
        tpu.vector_store %arg10[%swap3A_133, %swap3A_134], %mul3A_132 {strides = array<i32>} : memref<128x128xf32, #tpu.memory_space<vmem>>, vector<16xf32>,
        %get3A_136 = arith.index_cast %add3A_80 : i32 to index
        %get3A_137 = arith.constant 112 : index
        %get3A_138 = tpu.vector_load %arg10[%get3A_136, %get3A_137] {strides = array<i32>} : memref<128x128xf32, #tpu.memory_space<vmem>>, vector<16xf32>,
        %mul3A_139 = vector.broadcast %squeeze3A : f32 to vector<16xf32>
        %mul3A_140 = arith.mulf %get3A_138, %mul3A_139 : vector<16xf32>
        %swap3A_141 = arith.index_cast %add3A_80 : i32 to index
        %swap3A_142 = arith.constant 112 : index
        %swap3A_143 = tpu.vector_load %arg10[%swap3A_141, %swap3A_142] {strides = array<i32>} : memref<128x128xf32, #tpu.memory_space<vmem>>, vector<16xf32>,
        tpu.vector_store %arg10[%swap3A_141, %swap3A_142], %mul3A_140 {strides = array<i32>} : memref<128x128xf32, #tpu.memory_space<vmem>>, vector<16xf32>,
        %mul3A_144 = arith.constant 16 : i32
        %mul3A_145 = arith.muli %scan3A_69, %mul3A_144 : i32
        %add3A_146 = arith.constant 1 : i32
        %add3A_147 = arith.addi %mul3A_145, %add3A_146 : i32
        %slice3A_148 = vector.extract_strided_slice %get3A_76 {offsets = [1], sizes = [1], strides = [1]} : vector<16xf32> to vector<1xf32>
        %squeeze3A_149 = vector.extract %slice3A_148[0] : f32 from vector<1xf32>
        %get3A_150 = arith.index_cast %add3A_147 : i32 to index
        %get3A_151 = arith.constant 0 : index
        %get3A_152 = tpu.vector_load %arg10[%get3A_150, %get3A_151] {strides = array<i32>} : memref<128x128xf32, #tpu.memory_space<vmem>>, vector<16xf32>,
        %mul3A_153 = vector.broadcast %squeeze3A_149 : f32 to vector<16xf32>
        %mul3A_154 = arith.mulf %get3A_152, %mul3A_153 : vector<16xf32>
        %swap3A_155 = arith.index_cast %add3A_147 : i32 to index
        %swap3A_156 = arith.constant 0 : index
        %swap3A_157 = tpu.vector_load %arg10[%swap3A_155, %swap3A_156] {strides = array<i32>} : memref<128x128xf32, #tpu.memory_space<vmem>>, vector<16xf32>,
        tpu.vector_store %arg10[%swap3A_155, %swap3A_156], %mul3A_154 {strides = array<i32>} : memref<128x128xf32, #tpu.memory_space<vmem>>, vector<16xf32>,
        %get3A_158 = arith.index_cast %add3A_147 : i32 to index
        %get3A_159 = arith.constant 16 : index
        %get3A_160 = tpu.vector_load %arg10[%get3A_158, %get3A_159] {strides = array<i32>} : memref<128x128xf32, #tpu.memory_space<vmem>>, vector<16xf32>,
        %mul3A_161 = vector.broadcast %squeeze3A_149 : f32 to vector<16xf32>
        %mul3A_162 = arith.mulf %get3A_160, %mul3A_161 : vector<16xf32>
        %swap3A_163 = arith.index_cast %add3A_147 : i32 to index
        %swap3A_164 = arith.constant 16 : index
        %swap3A_165 = tpu.vector_load %arg10[%swap3A_163, %swap3A_164] {strides = array<i32>} : memref<128x128xf32, #tpu.memory_space<vmem>>, vector<16xf32>,
        tpu.vector_store %arg10[%swap3A_163, %swap3A_164], %mul3A_162 {strides = array<i32>} : memref<128x128xf32, #tpu.memory_space<vmem>>, vector<16xf32>,
        %get3A_166 = arith.index_cast %add3A_147 : i32 to index
        %get3A_167 = arith.constant 32 : index
        %get3A_168 = tpu.vector_load %arg10[%get3A_166, %get3A_167] {strides = array<i32>} : memref<128x128xf32, #tpu.memory_space<vmem>>, vector<16xf32>,
        %mul3A_169 = vector.broadcast %squeeze3A_149 : f32 to vector<16xf32>
        %mul3A_170 = arith.mulf %get3A_168, %mul3A_169 : vector<16xf32>
        %swap3A_171 = arith.index_cast %add3A_147 : i32 to index
        %swap3A_172 = arith.constant 32 : index
        %swap3A_173 = tpu.vector_load %arg10[%swap3A_171, %swap3A_172] {strides = array<i32>} : memref<128x128xf32, #tpu.memory_space<vmem>>, vector<16xf32>,
        tpu.vector_store %arg10[%swap3A_171, %swap3A_172], %mul3A_170 {strides = array<i32>} : memref<128x128xf32, #tpu.memory_space<vmem>>, vector<16xf32>,
        %get3A_174 = arith.index_cast %add3A_147 : i32 to index
        %get3A_175 = arith.constant 48 : index
        %get3A_176 = tpu.vector_load %arg10[%get3A_174, %get3A_175] {strides = array<i32>} : memref<128x128xf32, #tpu.memory_space<vmem>>, vector<16xf32>,
        %mul3A_177 = vector.broadcast %squeeze3A_149 : f32 to vector<16xf32>
        %mul3A_178 = arith.mulf %get3A_176, %mul3A_177 : vector<16xf32>
        %swap3A_179 = arith.index_cast %add3A_147 : i32 to index
        %swap3A_180 = arith.constant 48 : index
        %swap3A_181 = tpu.vector_load %arg10[%swap3A_179, %swap3A_180] {strides = array<i32>} : memref<128x128xf32, #tpu.memory_space<vmem>>, vector<16xf32>,
        tpu.vector_store %arg10[%swap3A_179, %swap3A_180], %mul3A_178 {strides = array<i32>} : memref<128x128xf32, #tpu.memory_space<vmem>>, vector<16xf32>,
        %get3A_182 = arith.index_cast %add3A_147 : i32 to index
        %get3A_183 = arith.constant 64 : index
        %get3A_184 = tpu.vector_load %arg10[%get3A_182, %get3A_183] {strides = array<i32>} : memref<128x128xf32, #tpu.memory_space<vmem>>, vector<16xf32>,
        %mul3A_185 = vector.broadcast %squeeze3A_149 : f32 to vector<16xf32>
        %mul3A_186 = arith.mulf %get3A_184, %mul3A_185 : vector<16xf32>
        %swap3A_187 = arith.index_cast %add3A_147 : i32 to index
        %swap3A_188 = arith.constant 64 : index
        %swap3A_189 = tpu.vector_load %arg10[%swap3A_187, %swap3A_188] {strides = array<i32>} : memref<128x128xf32, #tpu.memory_space<vmem>>, vector<16xf32>,
        tpu.vector_store %arg10[%swap3A_187, %swap3A_188], %mul3A_186 {strides = array<i32>} : memref<128x128xf32, #tpu.memory_space<vmem>>, vector<16xf32>,
        %get3A_190 = arith.index_cast %add3A_147 : i32 to index
        %get3A_191 = arith.constant 80 : index
        %get3A_192 = tpu.vector_load %arg10[%get3A_190, %get3A_191] {strides = array<i32>} : memref<128x128xf32, #tpu.memory_space<vmem>>, vector<16xf32>,
        %mul3A_193 = vector.broadcast %squeeze3A_149 : f32 to vector<16xf32>
        %mul3A_194 = arith.mulf %get3A_192, %mul3A_193 : vector<16xf32>
        %swap3A_195 = arith.index_cast %add3A_147 : i32 to index
        %swap3A_196 = arith.constant 80 : index
        %swap3A_197 = tpu.vector_load %arg10[%swap3A_195, %swap3A_196] {strides = array<i32>} : memref<128x128xf32, #tpu.memory_space<vmem>>, vector<16xf32>,
        tpu.vector_store %arg10[%swap3A_195, %swap3A_196], %mul3A_194 {strides = array<i32>} : memref<128x128xf32, #tpu.memory_space<vmem>>, vector<16xf32>,
        %get3A_198 = arith.index_cast %add3A_147 : i32 to index
        %get3A_199 = arith.constant 96 : index
        %get3A_200 = tpu.vector_load %arg10[%get3A_198, %get3A_199] {strides = array<i32>} : memref<128x128xf32, #tpu.memory_space<vmem>>, vector<16xf32>,
        %mul3A_201 = vector.broadcast %squeeze3A_149 : f32 to vector<16xf32>
        %mul3A_202 = arith.mulf %get3A_200, %mul3A_201 : vector<16xf32>
        %swap3A_203 = arith.index_cast %add3A_147 : i32 to index
        %swap3A_204 = arith.constant 96 : index
        %swap3A_205 = tpu.vector_load %arg10[%swap3A_203, %swap3A_204] {strides = array<i32>} : memref<128x128xf32, #tpu.memory_space<vmem>>, vector<16xf32>,
        tpu.vector_store %arg10[%swap3A_203, %swap3A_204], %mul3A_202 {strides = array<i32>} : memref<128x128xf32, #tpu.memory_space<vmem>>, vector<16xf32>,
        %get3A_206 = arith.index_cast %add3A_147 : i32 to index
        %get3A_207 = arith.constant 112 : index
        %get3A_208 = tpu.vector_load %arg10[%get3A_206, %get3A_207] {strides = array<i32>} : memref<128x128xf32, #tpu.memory_space<vmem>>, vector<16xf32>,
        %mul3A_209 = vector.broadcast %squeeze3A_149 : f32 to vector<16xf32>
        %mul3A_210 = arith.mulf %get3A_208, %mul3A_209 : vector<16xf32>
        %swap3A_211 = arith.index_cast %add3A_147 : i32 to index
        %swap3A_212 = arith.constant 112 : index
        %swap3A_213 = tpu.vector_load %arg10[%swap3A_211, %swap3A_212] {strides = array<i32>} : memref<128x128xf32, #tpu.memory_space<vmem>>, vector<16xf32>,
        tpu.vector_store %arg10[%swap3A_211, %swap3A_212], %mul3A_210 {strides = array<i32>} : memref<128x128xf32, #tpu.memory_space<vmem>>, vector<16xf32>,
        %mul3A_214 = arith.constant 16 : i32
        %mul3A_215 = arith.muli %scan3A_69, %mul3A_214 : i32
        %add3A_216 = arith.constant 2 : i32
        %add3A_217 = arith.addi %mul3A_215, %add3A_216 : i32
        %slice3A_218 = vector.extract_strided_slice %get3A_76 {offsets = [2], sizes = [1], strides = [1]} : vector<16xf32> to vector<1xf32>
        %squeeze3A_219 = vector.extract %slice3A_218[0] : f32 from vector<1xf32>
        %get3A_220 = arith.index_cast %add3A_217 : i32 to index
        %get3A_221 = arith.constant 0 : index
        %get3A_222 = tpu.vector_load %arg10[%get3A_220, %get3A_221] {strides = array<i32>} : memref<128x128xf32, #tpu.memory_space<vmem>>, vector<16xf32>,
        %mul3A_223 = vector.broadcast %squeeze3A_219 : f32 to vector<16xf32>
        %mul3A_224 = arith.mulf %get3A_222, %mul3A_223 : vector<16xf32>
        %swap3A_225 = arith.index_cast %add3A_217 : i32 to index
        %swap3A_226 = arith.constant 0 : index
        %swap3A_227 = tpu.vector_load %arg10[%swap3A_225, %swap3A_226] {strides = array<i32>} : memref<128x128xf32, #tpu.memory_space<vmem>>, vector<16xf32>,
        tpu.vector_store %arg10[%swap3A_225, %swap3A_226], %mul3A_224 {strides = array<i32>} : memref<128x128xf32, #tpu.memory_space<vmem>>, vector<16xf32>,
        %get3A_228 = arith.index_cast %add3A_217 : i32 to index
        %get3A_229 = arith.constant 16 : index
        %get3A_230 = tpu.vector_load %arg10[%get3A_228, %get3A_229] {strides = array<i32>} : memref<128x128xf32, #tpu.memory_space<vmem>>, vector<16xf32>,
        %mul3A_231 = vector.broadcast %squeeze3A_219 : f32 to vector<16xf32>
        %mul3A_232 = arith.mulf %get3A_230, %mul3A_231 : vector<16xf32>
        %swap3A_233 = arith.index_cast %add3A_217 : i32 to index
        %swap3A_234 = arith.constant 16 : index
        %swap3A_235 = tpu.vector_load %arg10[%swap3A_233, %swap3A_234] {strides = array<i32>} : memref<128x128xf32, #tpu.memory_space<vmem>>, vector<16xf32>,
        tpu.vector_store %arg10[%swap3A_233, %swap3A_234], %mul3A_232 {strides = array<i32>} : memref<128x128xf32, #tpu.memory_space<vmem>>, vector<16xf32>,
        %get3A_236 = arith.index_cast %add3A_217 : i32 to index
        %get3A_237 = arith.constant 32 : index
        %get3A_238 = tpu.vector_load %arg10[%get3A_236, %get3A_237] {strides = array<i32>} : memref<128x128xf32, #tpu.memory_space<vmem>>, vector<16xf32>,
        %mul3A_239 = vector.broadcast %squeeze3A_219 : f32 to vector<16xf32>
        %mul3A_240 = arith.mulf %get3A_238, %mul3A_239 : vector<16xf32>
        %swap3A_241 = arith.index_cast %add3A_217 : i32 to index
        %swap3A_242 = arith.constant 32 : index
        %swap3A_243 = tpu.vector_load %arg10[%swap3A_241, %swap3A_242] {strides = array<i32>} : memref<128x128xf32, #tpu.memory_space<vmem>>, vector<16xf32>,
        tpu.vector_store %arg10[%swap3A_241, %swap3A_242], %mul3A_240 {strides = array<i32>} : memref<128x128xf32, #tpu.memory_space<vmem>>, vector<16xf32>,
        %get3A_244 = arith.index_cast %add3A_217 : i32 to index
        %get3A_245 = arith.constant 48 : index
        %get3A_246 = tpu.vector_load %arg10[%get3A_244, %get3A_245] {strides = array<i32>} : memref<128x128xf32, #tpu.memory_space<vmem>>, vector<16xf32>,
        %mul3A_247 = vector.broadcast %squeeze3A_219 : f32 to vector<16xf32>
        %mul3A_248 = arith.mulf %get3A_246, %mul3A_247 : vector<16xf32>
        %swap3A_249 = arith.index_cast %add3A_217 : i32 to index
        %swap3A_250 = arith.constant 48 : index
        %swap3A_251 = tpu.vector_load %arg10[%swap3A_249, %swap3A_250] {strides = array<i32>} : memref<128x128xf32, #tpu.memory_space<vmem>>, vector<16xf32>,
        tpu.vector_store %arg10[%swap3A_249, %swap3A_250], %mul3A_248 {strides = array<i32>} : memref<128x128xf32, #tpu.memory_space<vmem>>, vector<16xf32>,
        %get3A_252 = arith.index_cast %add3A_217 : i32 to index
        %get3A_253 = arith.constant 64 : index
        %get3A_254 = tpu.vector_load %arg10[%get3A_252, %get3A_253] {strides = array<i32>} : memref<128x128xf32, #tpu.memory_space<vmem>>, vector<16xf32>,
        %mul3A_255 = vector.broadcast %squeeze3A_219 : f32 to vector<16xf32>
        %mul3A_256 = arith.mulf %get3A_254, %mul3A_255 : vector<16xf32>
        %swap3A_257 = arith.index_cast %add3A_217 : i32 to index
        %swap3A_258 = arith.constant 64 : index
        %swap3A_259 = tpu.vector_load %arg10[%swap3A_257, %swap3A_258] {strides = array<i32>} : memref<128x128xf32, #tpu.memory_space<vmem>>, vector<16xf32>,
        tpu.vector_store %arg10[%swap3A_257, %swap3A_258], %mul3A_256 {strides = array<i32>} : memref<128x128xf32, #tpu.memory_space<vmem>>, vector<16xf32>,
        %get3A_260 = arith.index_cast %add3A_217 : i32 to index
        %get3A_261 = arith.constant 80 : index
        %get3A_262 = tpu.vector_load %arg10[%get3A_260, %get3A_261] {strides = array<i32>} : memref<128x128xf32, #tpu.memory_space<vmem>>, vector<16xf32>,
        %mul3A_263 = vector.broadcast %squeeze3A_219 : f32 to vector<16xf32>
        %mul3A_264 = arith.mulf %get3A_262, %mul3A_263 : vector<16xf32>
        %swap3A_265 = arith.index_cast %add3A_217 : i32 to index
        %swap3A_266 = arith.constant 80 : index
        %swap3A_267 = tpu.vector_load %arg10[%swap3A_265, %swap3A_266] {strides = array<i32>} : memref<128x128xf32, #tpu.memory_space<vmem>>, vector<16xf32>,
        tpu.vector_store %arg10[%swap3A_265, %swap3A_266], %mul3A_264 {strides = array<i32>} : memref<128x128xf32, #tpu.memory_space<vmem>>, vector<16xf32>,
        %get3A_268 = arith.index_cast %add3A_217 : i32 to index
        %get3A_269 = arith.constant 96 : index
        %get3A_270 = tpu.vector_load %arg10[%get3A_268, %get3A_269] {strides = array<i32>} : memref<128x128xf32, #tpu.memory_space<vmem>>, vector<16xf32>,
        %mul3A_271 = vector.broadcast %squeeze3A_219 : f32 to vector<16xf32>
        %mul3A_272 = arith.mulf %get3A_270, %mul3A_271 : vector<16xf32>
        %swap3A_273 = arith.index_cast %add3A_217 : i32 to index
        %swap3A_274 = arith.constant 96 : index
        %swap3A_275 = tpu.vector_load %arg10[%swap3A_273, %swap3A_274] {strides = array<i32>} : memref<128x128xf32, #tpu.memory_space<vmem>>, vector<16xf32>,
        tpu.vector_store %arg10[%swap3A_273, %swap3A_274], %mul3A_272 {strides = array<i32>} : memref<128x128xf32, #tpu.memory_space<vmem>>, vector<16xf32>,
        %get3A_276 = arith.index_cast %add3A_217 : i32 to index
        %get3A_277 = arith.constant 112 : index
        %get3A_278 = tpu.vector_load %arg10[%get3A_276, %get3A_277] {strides = array<i32>} : memref<128x128xf32, #tpu.memory_space<vmem>>, vector<16xf32>,
        %mul3A_279 = vector.broadcast %squeeze3A_219 : f32 to vector<16xf32>
        %mul3A_280 = arith.mulf %get3A_278, %mul3A_279 : vector<16xf32>
        %swap3A_281 = arith.index_cast %add3A_217 : i32 to index
        %swap3A_282 = arith.constant 112 : index
        %swap3A_283 = tpu.vector_load %arg10[%swap3A_281, %swap3A_282] {strides = array<i32>} : memref<128x128xf32, #tpu.memory_space<vmem>>, vector<16xf32>,
        tpu.vector_store %arg10[%swap3A_281, %swap3A_282], %mul3A_280 {strides = array<i32>} : memref<128x128xf32, #tpu.memory_space<vmem>>, vector<16xf32>,
        %mul3A_284 = arith.constant 16 : i32
        %mul3A_285 = arith.muli %scan3A_69, %mul3A_284 : i32
        %add3A_286 = arith.constant 3 : i32
        %add3A_287 = arith.addi %mul3A_285, %add3A_286 : i32
        %slice3A_288 = vector.extract_strided_slice %get3A_76 {offsets = [3], sizes = [1], strides = [1]} : vector<16xf32> to vector<1xf32>
        %squeeze3A_289 = vector.extract %slice3A_288[0] : f32 from vector<1xf32>
        %get3A_290 = arith.index_cast %add3A_287 : i32 to index
        %get3A_291 = arith.constant 0 : index
        %get3A_292 = tpu.vector_load %arg10[%get3A_290, %get3A_291] {strides = array<i32>} : memref<128x128xf32, #tpu.memory_space<vmem>>, vector<16xf32>,
        %mul3A_293 = vector.broadcast %squeeze3A_289 : f32 to vector<16xf32>
        %mul3A_294 = arith.mulf %get3A_292, %mul3A_293 : vector<16xf32>
        %swap3A_295 = arith.index_cast %add3A_287 : i32 to index
        %swap3A_296 = arith.constant 0 : index
        %swap3A_297 = tpu.vector_load %arg10[%swap3A_295, %swap3A_296] {strides = array<i32>} : memref<128x128xf32, #tpu.memory_space<vmem>>, vector<16xf32>,
        tpu.vector_store %arg10[%swap3A_295, %swap3A_296], %mul3A_294 {strides = array<i32>} : memref<128x128xf32, #tpu.memory_space<vmem>>, vector<16xf32>,
        %get3A_298 = arith.index_cast %add3A_287 : i32 to index
        %get3A_299 = arith.constant 16 : index
        %get3A_300 = tpu.vector_load %arg10[%get3A_298, %get3A_299] {strides = array<i32>} : memref<128x128xf32, #tpu.memory_space<vmem>>, vector<16xf32>,
        %mul3A_301 = vector.broadcast %squeeze3A_289 : f32 to vector<16xf32>
        %mul3A_302 = arith.mulf %get3A_300, %mul3A_301 : vector<16xf32>
        %swap3A_303 = arith.index_cast %add3A_287 : i32 to index
        %swap3A_304 = arith.constant 16 : index
        %swap3A_305 = tpu.vector_load %arg10[%swap3A_303, %swap3A_304] {strides = array<i32>} : memref<128x128xf32, #tpu.memory_space<vmem>>, vector<16xf32>,
        tpu.vector_store %arg10[%swap3A_303, %swap3A_304], %mul3A_302 {strides = array<i32>} : memref<128x128xf32, #tpu.memory_space<vmem>>, vector<16xf32>,
        %get3A_306 = arith.index_cast %add3A_287 : i32 to index
        %get3A_307 = arith.constant 32 : index
        %get3A_308 = tpu.vector_load %arg10[%get3A_306, %get3A_307] {strides = array<i32>} : memref<128x128xf32, #tpu.memory_space<vmem>>, vector<16xf32>,
        %mul3A_309 = vector.broadcast %squeeze3A_289 : f32 to vector<16xf32>
        %mul3A_310 = arith.mulf %get3A_308, %mul3A_309 : vector<16xf32>
        %swap3A_311 = arith.index_cast %add3A_287 : i32 to index
        %swap3A_312 = arith.constant 32 : index
        %swap3A_313 = tpu.vector_load %arg10[%swap3A_311, %swap3A_312] {strides = array<i32>} : memref<128x128xf32, #tpu.memory_space<vmem>>, vector<16xf32>,
        tpu.vector_store %arg10[%swap3A_311, %swap3A_312], %mul3A_310 {strides = array<i32>} : memref<128x128xf32, #tpu.memory_space<vmem>>, vector<16xf32>,
        %get3A_314 = arith.index_cast %add3A_287 : i32 to index
        %get3A_315 = arith.constant 48 : index
        %get3A_316 = tpu.vector_load %arg10[%get3A_314, %get3A_315] {strides = array<i32>} : memref<128x128xf32, #tpu.memory_space<vmem>>, vector<16xf32>,
        %mul3A_317 = vector.broadcast %squeeze3A_289 : f32 to vector<16xf32>
        %mul3A_318 = arith.mulf %get3A_316, %mul3A_317 : vector<16xf32>
        %swap3A_319 = arith.index_cast %add3A_287 : i32 to index
        %swap3A_320 = arith.constant 48 : index
        %swap3A_321 = tpu.vector_load %arg10[%swap3A_319, %swap3A_320] {strides = array<i32>} : memref<128x128xf32, #tpu.memory_space<vmem>>, vector<16xf32>,
        tpu.vector_store %arg10[%swap3A_319, %swap3A_320], %mul3A_318 {strides = array<i32>} : memref<128x128xf32, #tpu.memory_space<vmem>>, vector<16xf32>,
        %get3A_322 = arith.index_cast %add3A_287 : i32 to index
        %get3A_323 = arith.constant 64 : index
        %get3A_324 = tpu.vector_load %arg10[%get3A_322, %get3A_323] {strides = array<i32>} : memref<128x128xf32, #tpu.memory_space<vmem>>, vector<16xf32>,
        %mul3A_325 = vector.broadcast %squeeze3A_289 : f32 to vector<16xf32>
        %mul3A_326 = arith.mulf %get3A_324, %mul3A_325 : vector<16xf32>
        %swap3A_327 = arith.index_cast %add3A_287 : i32 to index
        %swap3A_328 = arith.constant 64 : index
        %swap3A_329 = tpu.vector_load %arg10[%swap3A_327, %swap3A_328] {strides = array<i32>} : memref<128x128xf32, #tpu.memory_space<vmem>>, vector<16xf32>,
        tpu.vector_store %arg10[%swap3A_327, %swap3A_328], %mul3A_326 {strides = array<i32>} : memref<128x128xf32, #tpu.memory_space<vmem>>, vector<16xf32>,
        %get3A_330 = arith.index_cast %add3A_287 : i32 to index
        %get3A_331 = arith.constant 80 : index
        %get3A_332 = tpu.vector_load %arg10[%get3A_330, %get3A_331] {strides = array<i32>} : memref<128x128xf32, #tpu.memory_space<vmem>>, vector<16xf32>,
        %mul3A_333 = vector.broadcast %squeeze3A_289 : f32 to vector<16xf32>
        %mul3A_334 = arith.mulf %get3A_332, %mul3A_333 : vector<16xf32>
        %swap3A_335 = arith.index_cast %add3A_287 : i32 to index
        %swap3A_336 = arith.constant 80 : index
        %swap3A_337 = tpu.vector_load %arg10[%swap3A_335, %swap3A_336] {strides = array<i32>} : memref<128x128xf32, #tpu.memory_space<vmem>>, vector<16xf32>,
        tpu.vector_store %arg10[%swap3A_335, %swap3A_336], %mul3A_334 {strides = array<i32>} : memref<128x128xf32, #tpu.memory_space<vmem>>, vector<16xf32>,
        %get3A_338 = arith.index_cast %add3A_287 : i32 to index
        %get3A_339 = arith.constant 96 : index
        %get3A_340 = tpu.vector_load %arg10[%get3A_338, %get3A_339] {strides = array<i32>} : memref<128x128xf32, #tpu.memory_space<vmem>>, vector<16xf32>,
        %mul3A_341 = vector.broadcast %squeeze3A_289 : f32 to vector<16xf32>
        %mul3A_342 = arith.mulf %get3A_340, %mul3A_341 : vector<16xf32>
        %swap3A_343 = arith.index_cast %add3A_287 : i32 to index
        %swap3A_344 = arith.constant 96 : index
        %swap3A_345 = tpu.vector_load %arg10[%swap3A_343, %swap3A_344] {strides = array<i32>} : memref<128x128xf32, #tpu.memory_space<vmem>>, vector<16xf32>,
        tpu.vector_store %arg10[%swap3A_343, %swap3A_344], %mul3A_342 {strides = array<i32>} : memref<128x128xf32, #tpu.memory_space<vmem>>, vector<16xf32>,
        %get3A_346 = arith.index_cast %add3A_287 : i32 to index
        %get3A_347 = arith.constant 112 : index
        %get3A_348 = tpu.vector_load %arg10[%get3A_346, %get3A_347] {strides = array<i32>} : memref<128x128xf32, #tpu.memory_space<vmem>>, vector<16xf32>,
        %mul3A_349 = vector.broadcast %squeeze3A_289 : f32 to vector<16xf32>
        %mul3A_350 = arith.mulf %get3A_348, %mul3A_349 : vector<16xf32>
        %swap3A_351 = arith.index_cast %add3A_287 : i32 to index
        %swap3A_352 = arith.constant 112 : index
        %swap3A_353 = tpu.vector_load %arg10[%swap3A_351, %swap3A_352] {strides = array<i32>} : memref<128x128xf32, #tpu.memory_space<vmem>>, vector<16xf32>,
        tpu.vector_store %arg10[%swap3A_351, %swap3A_352], %mul3A_350 {strides = array<i32>} : memref<128x128xf32, #tpu.memory_space<vmem>>, vector<16xf32>,
        %mul3A_354 = arith.constant 16 : i32
        %mul3A_355 = arith.muli %scan3A_69, %mul3A_354 : i32
        %add3A_356 = arith.constant 4 : i32
        %add3A_357 = arith.addi %mul3A_355, %add3A_356 : i32
        %slice3A_358 = vector.extract_strided_slice %get3A_76 {offsets = [4], sizes = [1], strides = [1]} : vector<16xf32> to vector<1xf32>
        %squeeze3A_359 = vector.extract %slice3A_358[0] : f32 from vector<1xf32>
        %get3A_360 = arith.index_cast %add3A_357 : i32 to index
        %get3A_361 = arith.constant 0 : index
        %get3A_362 = tpu.vector_load %arg10[%get3A_360, %get3A_361] {strides = array<i32>} : memref<128x128xf32, #tpu.memory_space<vmem>>, vector<16xf32>,
        %mul3A_363 = vector.broadcast %squeeze3A_359 : f32 to vector<16xf32>
        %mul3A_364 = arith.mulf %get3A_362, %mul3A_363 : vector<16xf32>
        %swap3A_365 = arith.index_cast %add3A_357 : i32 to index
        %swap3A_366 = arith.constant 0 : index
        %swap3A_367 = tpu.vector_load %arg10[%swap3A_365, %swap3A_366] {strides = array<i32>} : memref<128x128xf32, #tpu.memory_space<vmem>>, vector<16xf32>,
        tpu.vector_store %arg10[%swap3A_365, %swap3A_366], %mul3A_364 {strides = array<i32>} : memref<128x128xf32, #tpu.memory_space<vmem>>, vector<16xf32>,
        %get3A_368 = arith.index_cast %add3A_357 : i32 to index
        %get3A_369 = arith.constant 16 : index
        %get3A_370 = tpu.vector_load %arg10[%get3A_368, %get3A_369] {strides = array<i32>} : memref<128x128xf32, #tpu.memory_space<vmem>>, vector<16xf32>,
        %mul3A_371 = vector.broadcast %squeeze3A_359 : f32 to vector<16xf32>
        %mul3A_372 = arith.mulf %get3A_370, %mul3A_371 : vector<16xf32>
        %swap3A_373 = arith.index_cast %add3A_357 : i32 to index
        %swap3A_374 = arith.constant 16 : index
        %swap3A_375 = tpu.vector_load %arg10[%swap3A_373, %swap3A_374] {strides = array<i32>} : memref<128x128xf32, #tpu.memory_space<vmem>>, vector<16xf32>,
        tpu.vector_store %arg10[%swap3A_373, %swap3A_374], %mul3A_372 {strides = array<i32>} : memref<128x128xf32, #tpu.memory_space<vmem>>, vector<16xf32>,
        %get3A_376 = arith.index_cast %add3A_357 : i32 to index
        %get3A_377 = arith.constant 32 : index
        %get3A_378 = tpu.vector_load %arg10[%get3A_376, %get3A_377] {strides = array<i32>} : memref<128x128xf32, #tpu.memory_space<vmem>>, vector<16xf32>,
        %mul3A_379 = vector.broadcast %squeeze3A_359 : f32 to vector<16xf32>
        %mul3A_380 = arith.mulf %get3A_378, %mul3A_379 : vector<16xf32>
        %swap3A_381 = arith.index_cast %add3A_357 : i32 to index
        %swap3A_382 = arith.constant 32 : index
        %swap3A_383 = tpu.vector_load %arg10[%swap3A_381, %swap3A_382] {strides = array<i32>} : memref<128x128xf32, #tpu.memory_space<vmem>>, vector<16xf32>,
        tpu.vector_store %arg10[%swap3A_381, %swap3A_382], %mul3A_380 {strides = array<i32>} : memref<128x128xf32, #tpu.memory_space<vmem>>, vector<16xf32>,
        %get3A_384 = arith.index_cast %add3A_357 : i32 to index
        %get3A_385 = arith.constant 48 : index
        %get3A_386 = tpu.vector_load %arg10[%get3A_384, %get3A_385] {strides = array<i32>} : memref<128x128xf32, #tpu.memory_space<vmem>>, vector<16xf32>,
        %mul3A_387 = vector.broadcast %squeeze3A_359 : f32 to vector<16xf32>
        %mul3A_388 = arith.mulf %get3A_386, %mul3A_387 : vector<16xf32>
        %swap3A_389 = arith.index_cast %add3A_357 : i32 to index
        %swap3A_390 = arith.constant 48 : index
        %swap3A_391 = tpu.vector_load %arg10[%swap3A_389, %swap3A_390] {strides = array<i32>} : memref<128x128xf32, #tpu.memory_space<vmem>>, vector<16xf32>,
        tpu.vector_store %arg10[%swap3A_389, %swap3A_390], %mul3A_388 {strides = array<i32>} : memref<128x128xf32, #tpu.memory_space<vmem>>, vector<16xf32>,
        %get3A_392 = arith.index_cast %add3A_357 : i32 to index
        %get3A_393 = arith.constant 64 : index
        %get3A_394 = tpu.vector_load %arg10[%get3A_392, %get3A_393] {strides = array<i32>} : memref<128x128xf32, #tpu.memory_space<vmem>>, vector<16xf32>,
        %mul3A_395 = vector.broadcast %squeeze3A_359 : f32 to vector<16xf32>
        %mul3A_396 = arith.mulf %get3A_394, %mul3A_395 : vector<16xf32>
        %swap3A_397 = arith.index_cast %add3A_357 : i32 to index
        %swap3A_398 = arith.constant 64 : index
        %swap3A_399 = tpu.vector_load %arg10[%swap3A_397, %swap3A_398] {strides = array<i32>} : memref<128x128xf32, #tpu.memory_space<vmem>>, vector<16xf32>,
        tpu.vector_store %arg10[%swap3A_397, %swap3A_398], %mul3A_396 {strides = array<i32>} : memref<128x128xf32, #tpu.memory_space<vmem>>, vector<16xf32>,
        %get3A_400 = arith.index_cast %add3A_357 : i32 to index
        %get3A_401 = arith.constant 80 : index
        %get3A_402 = tpu.vector_load %arg10[%get3A_400, %get3A_401] {strides = array<i32>} : memref<128x128xf32, #tpu.memory_space<vmem>>, vector<16xf32>,
        %mul3A_403 = vector.broadcast %squeeze3A_359 : f32 to vector<16xf32>
        %mul3A_404 = arith.mulf %get3A_402, %mul3A_403 : vector<16xf32>
        %swap3A_405 = arith.index_cast %add3A_357 : i32 to index
        %swap3A_406 = arith.constant 80 : index
        %swap3A_407 = tpu.vector_load %arg10[%swap3A_405, %swap3A_406] {strides = array<i32>} : memref<128x128xf32, #tpu.memory_space<vmem>>, vector<16xf32>,
        tpu.vector_store %arg10[%swap3A_405, %swap3A_406], %mul3A_404 {strides = array<i32>} : memref<128x128xf32, #tpu.memory_space<vmem>>, vector<16xf32>,
        %get3A_408 = arith.index_cast %add3A_357 : i32 to index
        %get3A_409 = arith.constant 96 : index
        %get3A_410 = tpu.vector_load %arg10[%get3A_408, %get3A_409] {strides = array<i32>} : memref<128x128xf32, #tpu.memory_space<vmem>>, vector<16xf32>,
        %mul3A_411 = vector.broadcast %squeeze3A_359 : f32 to vector<16xf32>
        %mul3A_412 = arith.mulf %get3A_410, %mul3A_411 : vector<16xf32>
        %swap3A_413 = arith.index_cast %add3A_357 : i32 to index
        %swap3A_414 = arith.constant 96 : index
        %swap3A_415 = tpu.vector_load %arg10[%swap3A_413, %swap3A_414] {strides = array<i32>} : memref<128x128xf32, #tpu.memory_space<vmem>>, vector<16xf32>,
        tpu.vector_store %arg10[%swap3A_413, %swap3A_414], %mul3A_412 {strides = array<i32>} : memref<128x128xf32, #tpu.memory_space<vmem>>, vector<16xf32>,
        %get3A_416 = arith.index_cast %add3A_357 : i32 to index
        %get3A_417 = arith.constant 112 : index
        %get3A_418 = tpu.vector_load %arg10[%get3A_416, %get3A_417] {strides = array<i32>} : memref<128x128xf32, #tpu.memory_space<vmem>>, vector<16xf32>,
        %mul3A_419 = vector.broadcast %squeeze3A_359 : f32 to vector<16xf32>
        %mul3A_420 = arith.mulf %get3A_418, %mul3A_419 : vector<16xf32>
        %swap3A_421 = arith.index_cast %add3A_357 : i32 to index
        %swap3A_422 = arith.constant 112 : index
        %swap3A_423 = tpu.vector_load %arg10[%swap3A_421, %swap3A_422] {strides = array<i32>} : memref<128x128xf32, #tpu.memory_space<vmem>>, vector<16xf32>,
        tpu.vector_store %arg10[%swap3A_421, %swap3A_422], %mul3A_420 {strides = array<i32>} : memref<128x128xf32, #tpu.memory_space<vmem>>, vector<16xf32>,
        %mul3A_424 = arith.constant 16 : i32
        %mul3A_425 = arith.muli %scan3A_69, %mul3A_424 : i32
        %add3A_426 = arith.constant 5 : i32
        %add3A_427 = arith.addi %mul3A_425, %add3A_426 : i32
        %slice3A_428 = vector.extract_strided_slice %get3A_76 {offsets = [5], sizes = [1], strides = [1]} : vector<16xf32> to vector<1xf32>
        %squeeze3A_429 = vector.extract %slice3A_428[0] : f32 from vector<1xf32>
        %get3A_430 = arith.index_cast %add3A_427 : i32 to index
        %get3A_431 = arith.constant 0 : index
        %get3A_432 = tpu.vector_load %arg10[%get3A_430, %get3A_431] {strides = array<i32>} : memref<128x128xf32, #tpu.memory_space<vmem>>, vector<16xf32>,
        %mul3A_433 = vector.broadcast %squeeze3A_429 : f32 to vector<16xf32>
        %mul3A_434 = arith.mulf %get3A_432, %mul3A_433 : vector<16xf32>
        %swap3A_435 = arith.index_cast %add3A_427 : i32 to index
        %swap3A_436 = arith.constant 0 : index
        %swap3A_437 = tpu.vector_load %arg10[%swap3A_435, %swap3A_436] {strides = array<i32>} : memref<128x128xf32, #tpu.memory_space<vmem>>, vector<16xf32>,
        tpu.vector_store %arg10[%swap3A_435, %swap3A_436], %mul3A_434 {strides = array<i32>} : memref<128x128xf32, #tpu.memory_space<vmem>>, vector<16xf32>,
        %get3A_438 = arith.index_cast %add3A_427 : i32 to index
        %get3A_439 = arith.constant 16 : index
        %get3A_440 = tpu.vector_load %arg10[%get3A_438, %get3A_439] {strides = array<i32>} : memref<128x128xf32, #tpu.memory_space<vmem>>, vector<16xf32>,
        %mul3A_441 = vector.broadcast %squeeze3A_429 : f32 to vector<16xf32>
        %mul3A_442 = arith.mulf %get3A_440, %mul3A_441 : vector<16xf32>
        %swap3A_443 = arith.index_cast %add3A_427 : i32 to index
        %swap3A_444 = arith.constant 16 : index
        %swap3A_445 = tpu.vector_load %arg10[%swap3A_443, %swap3A_444] {strides = array<i32>} : memref<128x128xf32, #tpu.memory_space<vmem>>, vector<16xf32>,
        tpu.vector_store %arg10[%swap3A_443, %swap3A_444], %mul3A_442 {strides = array<i32>} : memref<128x128xf32, #tpu.memory_space<vmem>>, vector<16xf32>,
        %get3A_446 = arith.index_cast %add3A_427 : i32 to index
        %get3A_447 = arith.constant 32 : index
        %get3A_448 = tpu.vector_load %arg10[%get3A_446, %get3A_447] {strides = array<i32>} : memref<128x128xf32, #tpu.memory_space<vmem>>, vector<16xf32>,
        %mul3A_449 = vector.broadcast %squeeze3A_429 : f32 to vector<16xf32>
        %mul3A_450 = arith.mulf %get3A_448, %mul3A_449 : vector<16xf32>
        %swap3A_451 = arith.index_cast %add3A_427 : i32 to index
        %swap3A_452 = arith.constant 32 : index
        %swap3A_453 = tpu.vector_load %arg10[%swap3A_451, %swap3A_452] {strides = array<i32>} : memref<128x128xf32, #tpu.memory_space<vmem>>, vector<16xf32>,
        tpu.vector_store %arg10[%swap3A_451, %swap3A_452], %mul3A_450 {strides = array<i32>} : memref<128x128xf32, #tpu.memory_space<vmem>>, vector<16xf32>,
        %get3A_454 = arith.index_cast %add3A_427 : i32 to index
        %get3A_455 = arith.constant 48 : index
        %get3A_456 = tpu.vector_load %arg10[%get3A_454, %get3A_455] {strides = array<i32>} : memref<128x128xf32, #tpu.memory_space<vmem>>, vector<16xf32>,
        %mul3A_457 = vector.broadcast %squeeze3A_429 : f32 to vector<16xf32>
        %mul3A_458 = arith.mulf %get3A_456, %mul3A_457 : vector<16xf32>
        %swap3A_459 = arith.index_cast %add3A_427 : i32 to index
        %swap3A_460 = arith.constant 48 : index
        %swap3A_461 = tpu.vector_load %arg10[%swap3A_459, %swap3A_460] {strides = array<i32>} : memref<128x128xf32, #tpu.memory_space<vmem>>, vector<16xf32>,
        tpu.vector_store %arg10[%swap3A_459, %swap3A_460], %mul3A_458 {strides = array<i32>} : memref<128x128xf32, #tpu.memory_space<vmem>>, vector<16xf32>,
        %get3A_462 = arith.index_cast %add3A_427 : i32 to index
        %get3A_463 = arith.constant 64 : index
        %get3A_464 = tpu.vector_load %arg10[%get3A_462, %get3A_463] {strides = array<i32>} : memref<128x128xf32, #tpu.memory_space<vmem>>, vector<16xf32>,
        %mul3A_465 = vector.broadcast %squeeze3A_429 : f32 to vector<16xf32>
        %mul3A_466 = arith.mulf %get3A_464, %mul3A_465 : vector<16xf32>
        %swap3A_467 = arith.index_cast %add3A_427 : i32 to index
        %swap3A_468 = arith.constant 64 : index
        %swap3A_469 = tpu.vector_load %arg10[%swap3A_467, %swap3A_468] {strides = array<i32>} : memref<128x128xf32, #tpu.memory_space<vmem>>, vector<16xf32>,
        tpu.vector_store %arg10[%swap3A_467, %swap3A_468], %mul3A_466 {strides = array<i32>} : memref<128x128xf32, #tpu.memory_space<vmem>>, vector<16xf32>,
        %get3A_470 = arith.index_cast %add3A_427 : i32 to index
        %get3A_471 = arith.constant 80 : index
        %get3A_472 = tpu.vector_load %arg10[%get3A_470, %get3A_471] {strides = array<i32>} : memref<128x128xf32, #tpu.memory_space<vmem>>, vector<16xf32>,
        %mul3A_473 = vector.broadcast %squeeze3A_429 : f32 to vector<16xf32>
        %mul3A_474 = arith.mulf %get3A_472, %mul3A_473 : vector<16xf32>
        %swap3A_475 = arith.index_cast %add3A_427 : i32 to index
        %swap3A_476 = arith.constant 80 : index
        %swap3A_477 = tpu.vector_load %arg10[%swap3A_475, %swap3A_476] {strides = array<i32>} : memref<128x128xf32, #tpu.memory_space<vmem>>, vector<16xf32>,
        tpu.vector_store %arg10[%swap3A_475, %swap3A_476], %mul3A_474 {strides = array<i32>} : memref<128x128xf32, #tpu.memory_space<vmem>>, vector<16xf32>,
        %get3A_478 = arith.index_cast %add3A_427 : i32 to index
        %get3A_479 = arith.constant 96 : index
        %get3A_480 = tpu.vector_load %arg10[%get3A_478, %get3A_479] {strides = array<i32>} : memref<128x128xf32, #tpu.memory_space<vmem>>, vector<16xf32>,
        %mul3A_481 = vector.broadcast %squeeze3A_429 : f32 to vector<16xf32>
        %mul3A_482 = arith.mulf %get3A_480, %mul3A_481 : vector<16xf32>
        %swap3A_483 = arith.index_cast %add3A_427 : i32 to index
        %swap3A_484 = arith.constant 96 : index
        %swap3A_485 = tpu.vector_load %arg10[%swap3A_483, %swap3A_484] {strides = array<i32>} : memref<128x128xf32, #tpu.memory_space<vmem>>, vector<16xf32>,
        tpu.vector_store %arg10[%swap3A_483, %swap3A_484], %mul3A_482 {strides = array<i32>} : memref<128x128xf32, #tpu.memory_space<vmem>>, vector<16xf32>,
        %get3A_486 = arith.index_cast %add3A_427 : i32 to index
        %get3A_487 = arith.constant 112 : index
        %get3A_488 = tpu.vector_load %arg10[%get3A_486, %get3A_487] {strides = array<i32>} : memref<128x128xf32, #tpu.memory_space<vmem>>, vector<16xf32>,
        %mul3A_489 = vector.broadcast %squeeze3A_429 : f32 to vector<16xf32>
        %mul3A_490 = arith.mulf %get3A_488, %mul3A_489 : vector<16xf32>
        %swap3A_491 = arith.index_cast %add3A_427 : i32 to index
        %swap3A_492 = arith.constant 112 : index
        %swap3A_493 = tpu.vector_load %arg10[%swap3A_491, %swap3A_492] {strides = array<i32>} : memref<128x128xf32, #tpu.memory_space<vmem>>, vector<16xf32>,
        tpu.vector_store %arg10[%swap3A_491, %swap3A_492], %mul3A_490 {strides = array<i32>} : memref<128x128xf32, #tpu.memory_space<vmem>>, vector<16xf32>,
        %mul3A_494 = arith.constant 16 : i32
        %mul3A_495 = arith.muli %scan3A_69, %mul3A_494 : i32
        %add3A_496 = arith.constant 6 : i32
        %add3A_497 = arith.addi %mul3A_495, %add3A_496 : i32
        %slice3A_498 = vector.extract_strided_slice %get3A_76 {offsets = [6], sizes = [1], strides = [1]} : vector<16xf32> to vector<1xf32>
        %squeeze3A_499 = vector.extract %slice3A_498[0] : f32 from vector<1xf32>
        %get3A_500 = arith.index_cast %add3A_497 : i32 to index
        %get3A_501 = arith.constant 0 : index
        %get3A_502 = tpu.vector_load %arg10[%get3A_500, %get3A_501] {strides = array<i32>} : memref<128x128xf32, #tpu.memory_space<vmem>>, vector<16xf32>,
        %mul3A_503 = vector.broadcast %squeeze3A_499 : f32 to vector<16xf32>
        %mul3A_504 = arith.mulf %get3A_502, %mul3A_503 : vector<16xf32>
        %swap3A_505 = arith.index_cast %add3A_497 : i32 to index
        %swap3A_506 = arith.constant 0 : index
        %swap3A_507 = tpu.vector_load %arg10[%swap3A_505, %swap3A_506] {strides = array<i32>} : memref<128x128xf32, #tpu.memory_space<vmem>>, vector<16xf32>,
        tpu.vector_store %arg10[%swap3A_505, %swap3A_506], %mul3A_504 {strides = array<i32>} : memref<128x128xf32, #tpu.memory_space<vmem>>, vector<16xf32>,
        %get3A_508 = arith.index_cast %add3A_497 : i32 to index
        %get3A_509 = arith.constant 16 : index
        %get3A_510 = tpu.vector_load %arg10[%get3A_508, %get3A_509] {strides = array<i32>} : memref<128x128xf32, #tpu.memory_space<vmem>>, vector<16xf32>,
        %mul3A_511 = vector.broadcast %squeeze3A_499 : f32 to vector<16xf32>
        %mul3A_512 = arith.mulf %get3A_510, %mul3A_511 : vector<16xf32>
        %swap3A_513 = arith.index_cast %add3A_497 : i32 to index
        %swap3A_514 = arith.constant 16 : index
        %swap3A_515 = tpu.vector_load %arg10[%swap3A_513, %swap3A_514] {strides = array<i32>} : memref<128x128xf32, #tpu.memory_space<vmem>>, vector<16xf32>,
        tpu.vector_store %arg10[%swap3A_513, %swap3A_514], %mul3A_512 {strides = array<i32>} : memref<128x128xf32, #tpu.memory_space<vmem>>, vector<16xf32>,
        %get3A_516 = arith.index_cast %add3A_497 : i32 to index
        %get3A_517 = arith.constant 32 : index
        %get3A_518 = tpu.vector_load %arg10[%get3A_516, %get3A_517] {strides = array<i32>} : memref<128x128xf32, #tpu.memory_space<vmem>>, vector<16xf32>,
        %mul3A_519 = vector.broadcast %squeeze3A_499 : f32 to vector<16xf32>
        %mul3A_520 = arith.mulf %get3A_518, %mul3A_519 : vector<16xf32>
        %swap3A_521 = arith.index_cast %add3A_497 : i32 to index
        %swap3A_522 = arith.constant 32 : index
        %swap3A_523 = tpu.vector_load %arg10[%swap3A_521, %swap3A_522] {strides = array<i32>} : memref<128x128xf32, #tpu.memory_space<vmem>>, vector<16xf32>,
        tpu.vector_store %arg10[%swap3A_521, %swap3A_522], %mul3A_520 {strides = array<i32>} : memref<128x128xf32, #tpu.memory_space<vmem>>, vector<16xf32>,
        %get3A_524 = arith.index_cast %add3A_497 : i32 to index
        %get3A_525 = arith.constant 48 : index
        %get3A_526 = tpu.vector_load %arg10[%get3A_524, %get3A_525] {strides = array<i32>} : memref<128x128xf32, #tpu.memory_space<vmem>>, vector<16xf32>,
        %mul3A_527 = vector.broadcast %squeeze3A_499 : f32 to vector<16xf32>
        %mul3A_528 = arith.mulf %get3A_526, %mul3A_527 : vector<16xf32>
        %swap3A_529 = arith.index_cast %add3A_497 : i32 to index
        %swap3A_530 = arith.constant 48 : index
        %swap3A_531 = tpu.vector_load %arg10[%swap3A_529, %swap3A_530] {strides = array<i32>} : memref<128x128xf32, #tpu.memory_space<vmem>>, vector<16xf32>,
        tpu.vector_store %arg10[%swap3A_529, %swap3A_530], %mul3A_528 {strides = array<i32>} : memref<128x128xf32, #tpu.memory_space<vmem>>, vector<16xf32>,
        %get3A_532 = arith.index_cast %add3A_497 : i32 to index
        %get3A_533 = arith.constant 64 : index
        %get3A_534 = tpu.vector_load %arg10[%get3A_532, %get3A_533] {strides = array<i32>} : memref<128x128xf32, #tpu.memory_space<vmem>>, vector<16xf32>,
        %mul3A_535 = vector.broadcast %squeeze3A_499 : f32 to vector<16xf32>
        %mul3A_536 = arith.mulf %get3A_534, %mul3A_535 : vector<16xf32>
        %swap3A_537 = arith.index_cast %add3A_497 : i32 to index
        %swap3A_538 = arith.constant 64 : index
        %swap3A_539 = tpu.vector_load %arg10[%swap3A_537, %swap3A_538] {strides = array<i32>} : memref<128x128xf32, #tpu.memory_space<vmem>>, vector<16xf32>,
        tpu.vector_store %arg10[%swap3A_537, %swap3A_538], %mul3A_536 {strides = array<i32>} : memref<128x128xf32, #tpu.memory_space<vmem>>, vector<16xf32>,
        %get3A_540 = arith.index_cast %add3A_497 : i32 to index
        %get3A_541 = arith.constant 80 : index
        %get3A_542 = tpu.vector_load %arg10[%get3A_540, %get3A_541] {strides = array<i32>} : memref<128x128xf32, #tpu.memory_space<vmem>>, vector<16xf32>,
        %mul3A_543 = vector.broadcast %squeeze3A_499 : f32 to vector<16xf32>
        %mul3A_544 = arith.mulf %get3A_542, %mul3A_543 : vector<16xf32>
        %swap3A_545 = arith.index_cast %add3A_497 : i32 to index
        %swap3A_546 = arith.constant 80 : index
        %swap3A_547 = tpu.vector_load %arg10[%swap3A_545, %swap3A_546] {strides = array<i32>} : memref<128x128xf32, #tpu.memory_space<vmem>>, vector<16xf32>,
        tpu.vector_store %arg10[%swap3A_545, %swap3A_546], %mul3A_544 {strides = array<i32>} : memref<128x128xf32, #tpu.memory_space<vmem>>, vector<16xf32>,
        %get3A_548 = arith.index_cast %add3A_497 : i32 to index
        %get3A_549 = arith.constant 96 : index
        %get3A_550 = tpu.vector_load %arg10[%get3A_548, %get3A_549] {strides = array<i32>} : memref<128x128xf32, #tpu.memory_space<vmem>>, vector<16xf32>,
        %mul3A_551 = vector.broadcast %squeeze3A_499 : f32 to vector<16xf32>
        %mul3A_552 = arith.mulf %get3A_550, %mul3A_551 : vector<16xf32>
        %swap3A_553 = arith.index_cast %add3A_497 : i32 to index
        %swap3A_554 = arith.constant 96 : index
        %swap3A_555 = tpu.vector_load %arg10[%swap3A_553, %swap3A_554] {strides = array<i32>} : memref<128x128xf32, #tpu.memory_space<vmem>>, vector<16xf32>,
        tpu.vector_store %arg10[%swap3A_553, %swap3A_554], %mul3A_552 {strides = array<i32>} : memref<128x128xf32, #tpu.memory_space<vmem>>, vector<16xf32>,
        %get3A_556 = arith.index_cast %add3A_497 : i32 to index
        %get3A_557 = arith.constant 112 : index
        %get3A_558 = tpu.vector_load %arg10[%get3A_556, %get3A_557] {strides = array<i32>} : memref<128x128xf32, #tpu.memory_space<vmem>>, vector<16xf32>,
        %mul3A_559 = vector.broadcast %squeeze3A_499 : f32 to vector<16xf32>
        %mul3A_560 = arith.mulf %get3A_558, %mul3A_559 : vector<16xf32>
        %swap3A_561 = arith.index_cast %add3A_497 : i32 to index
        %swap3A_562 = arith.constant 112 : index
        %swap3A_563 = tpu.vector_load %arg10[%swap3A_561, %swap3A_562] {strides = array<i32>} : memref<128x128xf32, #tpu.memory_space<vmem>>, vector<16xf32>,
        tpu.vector_store %arg10[%swap3A_561, %swap3A_562], %mul3A_560 {strides = array<i32>} : memref<128x128xf32, #tpu.memory_space<vmem>>, vector<16xf32>,
        %mul3A_564 = arith.constant 16 : i32
        %mul3A_565 = arith.muli %scan3A_69, %mul3A_564 : i32
        %add3A_566 = arith.constant 7 : i32
        %add3A_567 = arith.addi %mul3A_565, %add3A_566 : i32
        %slice3A_568 = vector.extract_strided_slice %get3A_76 {offsets = [7], sizes = [1], strides = [1]} : vector<16xf32> to vector<1xf32>
        %squeeze3A_569 = vector.extract %slice3A_568[0] : f32 from vector<1xf32>
        %get3A_570 = arith.index_cast %add3A_567 : i32 to index
        %get3A_571 = arith.constant 0 : index
        %get3A_572 = tpu.vector_load %arg10[%get3A_570, %get3A_571] {strides = array<i32>} : memref<128x128xf32, #tpu.memory_space<vmem>>, vector<16xf32>,
        %mul3A_573 = vector.broadcast %squeeze3A_569 : f32 to vector<16xf32>
        %mul3A_574 = arith.mulf %get3A_572, %mul3A_573 : vector<16xf32>
        %swap3A_575 = arith.index_cast %add3A_567 : i32 to index
        %swap3A_576 = arith.constant 0 : index
        %swap3A_577 = tpu.vector_load %arg10[%swap3A_575, %swap3A_576] {strides = array<i32>} : memref<128x128xf32, #tpu.memory_space<vmem>>, vector<16xf32>,
        tpu.vector_store %arg10[%swap3A_575, %swap3A_576], %mul3A_574 {strides = array<i32>} : memref<128x128xf32, #tpu.memory_space<vmem>>, vector<16xf32>,
        %get3A_578 = arith.index_cast %add3A_567 : i32 to index
        %get3A_579 = arith.constant 16 : index
        %get3A_580 = tpu.vector_load %arg10[%get3A_578, %get3A_579] {strides = array<i32>} : memref<128x128xf32, #tpu.memory_space<vmem>>, vector<16xf32>,
        %mul3A_581 = vector.broadcast %squeeze3A_569 : f32 to vector<16xf32>
        %mul3A_582 = arith.mulf %get3A_580, %mul3A_581 : vector<16xf32>
        %swap3A_583 = arith.index_cast %add3A_567 : i32 to index
        %swap3A_584 = arith.constant 16 : index
        %swap3A_585 = tpu.vector_load %arg10[%swap3A_583, %swap3A_584] {strides = array<i32>} : memref<128x128xf32, #tpu.memory_space<vmem>>, vector<16xf32>,
        tpu.vector_store %arg10[%swap3A_583, %swap3A_584], %mul3A_582 {strides = array<i32>} : memref<128x128xf32, #tpu.memory_space<vmem>>, vector<16xf32>,
        %get3A_586 = arith.index_cast %add3A_567 : i32 to index
        %get3A_587 = arith.constant 32 : index
        %get3A_588 = tpu.vector_load %arg10[%get3A_586, %get3A_587] {strides = array<i32>} : memref<128x128xf32, #tpu.memory_space<vmem>>, vector<16xf32>,
        %mul3A_589 = vector.broadcast %squeeze3A_569 : f32 to vector<16xf32>
        %mul3A_590 = arith.mulf %get3A_588, %mul3A_589 : vector<16xf32>
        %swap3A_591 = arith.index_cast %add3A_567 : i32 to index
        %swap3A_592 = arith.constant 32 : index
        %swap3A_593 = tpu.vector_load %arg10[%swap3A_591, %swap3A_592] {strides = array<i32>} : memref<128x128xf32, #tpu.memory_space<vmem>>, vector<16xf32>,
        tpu.vector_store %arg10[%swap3A_591, %swap3A_592], %mul3A_590 {strides = array<i32>} : memref<128x128xf32, #tpu.memory_space<vmem>>, vector<16xf32>,
        %get3A_594 = arith.index_cast %add3A_567 : i32 to index
        %get3A_595 = arith.constant 48 : index
        %get3A_596 = tpu.vector_load %arg10[%get3A_594, %get3A_595] {strides = array<i32>} : memref<128x128xf32, #tpu.memory_space<vmem>>, vector<16xf32>,
        %mul3A_597 = vector.broadcast %squeeze3A_569 : f32 to vector<16xf32>
        %mul3A_598 = arith.mulf %get3A_596, %mul3A_597 : vector<16xf32>
        %swap3A_599 = arith.index_cast %add3A_567 : i32 to index
        %swap3A_600 = arith.constant 48 : index
        %swap3A_601 = tpu.vector_load %arg10[%swap3A_599, %swap3A_600] {strides = array<i32>} : memref<128x128xf32, #tpu.memory_space<vmem>>, vector<16xf32>,
        tpu.vector_store %arg10[%swap3A_599, %swap3A_600], %mul3A_598 {strides = array<i32>} : memref<128x128xf32, #tpu.memory_space<vmem>>, vector<16xf32>,
        %get3A_602 = arith.index_cast %add3A_567 : i32 to index
        %get3A_603 = arith.constant 64 : index
        %get3A_604 = tpu.vector_load %arg10[%get3A_602, %get3A_603] {strides = array<i32>} : memref<128x128xf32, #tpu.memory_space<vmem>>, vector<16xf32>,
        %mul3A_605 = vector.broadcast %squeeze3A_569 : f32 to vector<16xf32>
        %mul3A_606 = arith.mulf %get3A_604, %mul3A_605 : vector<16xf32>
        %swap3A_607 = arith.index_cast %add3A_567 : i32 to index
        %swap3A_608 = arith.constant 64 : index
        %swap3A_609 = tpu.vector_load %arg10[%swap3A_607, %swap3A_608] {strides = array<i32>} : memref<128x128xf32, #tpu.memory_space<vmem>>, vector<16xf32>,
        tpu.vector_store %arg10[%swap3A_607, %swap3A_608], %mul3A_606 {strides = array<i32>} : memref<128x128xf32, #tpu.memory_space<vmem>>, vector<16xf32>,
        %get3A_610 = arith.index_cast %add3A_567 : i32 to index
        %get3A_611 = arith.constant 80 : index
        %get3A_612 = tpu.vector_load %arg10[%get3A_610, %get3A_611] {strides = array<i32>} : memref<128x128xf32, #tpu.memory_space<vmem>>, vector<16xf32>,
        %mul3A_613 = vector.broadcast %squeeze3A_569 : f32 to vector<16xf32>
        %mul3A_614 = arith.mulf %get3A_612, %mul3A_613 : vector<16xf32>
        %swap3A_615 = arith.index_cast %add3A_567 : i32 to index
        %swap3A_616 = arith.constant 80 : index
        %swap3A_617 = tpu.vector_load %arg10[%swap3A_615, %swap3A_616] {strides = array<i32>} : memref<128x128xf32, #tpu.memory_space<vmem>>, vector<16xf32>,
        tpu.vector_store %arg10[%swap3A_615, %swap3A_616], %mul3A_614 {strides = array<i32>} : memref<128x128xf32, #tpu.memory_space<vmem>>, vector<16xf32>,
        %get3A_618 = arith.index_cast %add3A_567 : i32 to index
        %get3A_619 = arith.constant 96 : index
        %get3A_620 = tpu.vector_load %arg10[%get3A_618, %get3A_619] {strides = array<i32>} : memref<128x128xf32, #tpu.memory_space<vmem>>, vector<16xf32>,
        %mul3A_621 = vector.broadcast %squeeze3A_569 : f32 to vector<16xf32>
        %mul3A_622 = arith.mulf %get3A_620, %mul3A_621 : vector<16xf32>
        %swap3A_623 = arith.index_cast %add3A_567 : i32 to index
        %swap3A_624 = arith.constant 96 : index
        %swap3A_625 = tpu.vector_load %arg10[%swap3A_623, %swap3A_624] {strides = array<i32>} : memref<128x128xf32, #tpu.memory_space<vmem>>, vector<16xf32>,
        tpu.vector_store %arg10[%swap3A_623, %swap3A_624], %mul3A_622 {strides = array<i32>} : memref<128x128xf32, #tpu.memory_space<vmem>>, vector<16xf32>,
        %get3A_626 = arith.index_cast %add3A_567 : i32 to index
        %get3A_627 = arith.constant 112 : index
        %get3A_628 = tpu.vector_load %arg10[%get3A_626, %get3A_627] {strides = array<i32>} : memref<128x128xf32, #tpu.memory_space<vmem>>, vector<16xf32>,
        %mul3A_629 = vector.broadcast %squeeze3A_569 : f32 to vector<16xf32>
        %mul3A_630 = arith.mulf %get3A_628, %mul3A_629 : vector<16xf32>
        %swap3A_631 = arith.index_cast %add3A_567 : i32 to index
        %swap3A_632 = arith.constant 112 : index
        %swap3A_633 = tpu.vector_load %arg10[%swap3A_631, %swap3A_632] {strides = array<i32>} : memref<128x128xf32, #tpu.memory_space<vmem>>, vector<16xf32>,
        tpu.vector_store %arg10[%swap3A_631, %swap3A_632], %mul3A_630 {strides = array<i32>} : memref<128x128xf32, #tpu.memory_space<vmem>>, vector<16xf32>,
        %mul3A_634 = arith.constant 16 : i32
        %mul3A_635 = arith.muli %scan3A_69, %mul3A_634 : i32
        %add3A_636 = arith.constant 8 : i32
        %add3A_637 = arith.addi %mul3A_635, %add3A_636 : i32
        %slice3A_638 = vector.extract_strided_slice %get3A_76 {offsets = [8], sizes = [1], strides = [1]} : vector<16xf32> to vector<1xf32>
        %squeeze3A_639 = vector.extract %slice3A_638[0] : f32 from vector<1xf32>
        %get3A_640 = arith.index_cast %add3A_637 : i32 to index
        %get3A_641 = arith.constant 0 : index
        %get3A_642 = tpu.vector_load %arg10[%get3A_640, %get3A_641] {strides = array<i32>} : memref<128x128xf32, #tpu.memory_space<vmem>>, vector<16xf32>,
        %mul3A_643 = vector.broadcast %squeeze3A_639 : f32 to vector<16xf32>
        %mul3A_644 = arith.mulf %get3A_642, %mul3A_643 : vector<16xf32>
        %swap3A_645 = arith.index_cast %add3A_637 : i32 to index
        %swap3A_646 = arith.constant 0 : index
        %swap3A_647 = tpu.vector_load %arg10[%swap3A_645, %swap3A_646] {strides = array<i32>} : memref<128x128xf32, #tpu.memory_space<vmem>>, vector<16xf32>,
        tpu.vector_store %arg10[%swap3A_645, %swap3A_646], %mul3A_644 {strides = array<i32>} : memref<128x128xf32, #tpu.memory_space<vmem>>, vector<16xf32>,
        %get3A_648 = arith.index_cast %add3A_637 : i32 to index
        %get3A_649 = arith.constant 16 : index
        %get3A_650 = tpu.vector_load %arg10[%get3A_648, %get3A_649] {strides = array<i32>} : memref<128x128xf32, #tpu.memory_space<vmem>>, vector<16xf32>,
        %mul3A_651 = vector.broadcast %squeeze3A_639 : f32 to vector<16xf32>
        %mul3A_652 = arith.mulf %get3A_650, %mul3A_651 : vector<16xf32>
        %swap3A_653 = arith.index_cast %add3A_637 : i32 to index
        %swap3A_654 = arith.constant 16 : index
        %swap3A_655 = tpu.vector_load %arg10[%swap3A_653, %swap3A_654] {strides = array<i32>} : memref<128x128xf32, #tpu.memory_space<vmem>>, vector<16xf32>,
        tpu.vector_store %arg10[%swap3A_653, %swap3A_654], %mul3A_652 {strides = array<i32>} : memref<128x128xf32, #tpu.memory_space<vmem>>, vector<16xf32>,
        %get3A_656 = arith.index_cast %add3A_637 : i32 to index
        %get3A_657 = arith.constant 32 : index
        %get3A_658 = tpu.vector_load %arg10[%get3A_656, %get3A_657] {strides = array<i32>} : memref<128x128xf32, #tpu.memory_space<vmem>>, vector<16xf32>,
        %mul3A_659 = vector.broadcast %squeeze3A_639 : f32 to vector<16xf32>
        %mul3A_660 = arith.mulf %get3A_658, %mul3A_659 : vector<16xf32>
        %swap3A_661 = arith.index_cast %add3A_637 : i32 to index
        %swap3A_662 = arith.constant 32 : index
        %swap3A_663 = tpu.vector_load %arg10[%swap3A_661, %swap3A_662] {strides = array<i32>} : memref<128x128xf32, #tpu.memory_space<vmem>>, vector<16xf32>,
        tpu.vector_store %arg10[%swap3A_661, %swap3A_662], %mul3A_660 {strides = array<i32>} : memref<128x128xf32, #tpu.memory_space<vmem>>, vector<16xf32>,
        %get3A_664 = arith.index_cast %add3A_637 : i32 to index
        %get3A_665 = arith.constant 48 : index
        %get3A_666 = tpu.vector_load %arg10[%get3A_664, %get3A_665] {strides = array<i32>} : memref<128x128xf32, #tpu.memory_space<vmem>>, vector<16xf32>,
        %mul3A_667 = vector.broadcast %squeeze3A_639 : f32 to vector<16xf32>
        %mul3A_668 = arith.mulf %get3A_666, %mul3A_667 : vector<16xf32>
        %swap3A_669 = arith.index_cast %add3A_637 : i32 to index
        %swap3A_670 = arith.constant 48 : index
        %swap3A_671 = tpu.vector_load %arg10[%swap3A_669, %swap3A_670] {strides = array<i32>} : memref<128x128xf32, #tpu.memory_space<vmem>>, vector<16xf32>,
        tpu.vector_store %arg10[%swap3A_669, %swap3A_670], %mul3A_668 {strides = array<i32>} : memref<128x128xf32, #tpu.memory_space<vmem>>, vector<16xf32>,
        %get3A_672 = arith.index_cast %add3A_637 : i32 to index
        %get3A_673 = arith.constant 64 : index
        %get3A_674 = tpu.vector_load %arg10[%get3A_672, %get3A_673] {strides = array<i32>} : memref<128x128xf32, #tpu.memory_space<vmem>>, vector<16xf32>,
        %mul3A_675 = vector.broadcast %squeeze3A_639 : f32 to vector<16xf32>
        %mul3A_676 = arith.mulf %get3A_674, %mul3A_675 : vector<16xf32>
        %swap3A_677 = arith.index_cast %add3A_637 : i32 to index
        %swap3A_678 = arith.constant 64 : index
        %swap3A_679 = tpu.vector_load %arg10[%swap3A_677, %swap3A_678] {strides = array<i32>} : memref<128x128xf32, #tpu.memory_space<vmem>>, vector<16xf32>,
        tpu.vector_store %arg10[%swap3A_677, %swap3A_678], %mul3A_676 {strides = array<i32>} : memref<128x128xf32, #tpu.memory_space<vmem>>, vector<16xf32>,
        %get3A_680 = arith.index_cast %add3A_637 : i32 to index
        %get3A_681 = arith.constant 80 : index
        %get3A_682 = tpu.vector_load %arg10[%get3A_680, %get3A_681] {strides = array<i32>} : memref<128x128xf32, #tpu.memory_space<vmem>>, vector<16xf32>,
        %mul3A_683 = vector.broadcast %squeeze3A_639 : f32 to vector<16xf32>
        %mul3A_684 = arith.mulf %get3A_682, %mul3A_683 : vector<16xf32>
        %swap3A_685 = arith.index_cast %add3A_637 : i32 to index
        %swap3A_686 = arith.constant 80 : index
        %swap3A_687 = tpu.vector_load %arg10[%swap3A_685, %swap3A_686] {strides = array<i32>} : memref<128x128xf32, #tpu.memory_space<vmem>>, vector<16xf32>,
        tpu.vector_store %arg10[%swap3A_685, %swap3A_686], %mul3A_684 {strides = array<i32>} : memref<128x128xf32, #tpu.memory_space<vmem>>, vector<16xf32>,
        %get3A_688 = arith.index_cast %add3A_637 : i32 to index
        %get3A_689 = arith.constant 96 : index
        %get3A_690 = tpu.vector_load %arg10[%get3A_688, %get3A_689] {strides = array<i32>} : memref<128x128xf32, #tpu.memory_space<vmem>>, vector<16xf32>,
        %mul3A_691 = vector.broadcast %squeeze3A_639 : f32 to vector<16xf32>
        %mul3A_692 = arith.mulf %get3A_690, %mul3A_691 : vector<16xf32>
        %swap3A_693 = arith.index_cast %add3A_637 : i32 to index
        %swap3A_694 = arith.constant 96 : index
        %swap3A_695 = tpu.vector_load %arg10[%swap3A_693, %swap3A_694] {strides = array<i32>} : memref<128x128xf32, #tpu.memory_space<vmem>>, vector<16xf32>,
        tpu.vector_store %arg10[%swap3A_693, %swap3A_694], %mul3A_692 {strides = array<i32>} : memref<128x128xf32, #tpu.memory_space<vmem>>, vector<16xf32>,
        %get3A_696 = arith.index_cast %add3A_637 : i32 to index
        %get3A_697 = arith.constant 112 : index
        %get3A_698 = tpu.vector_load %arg10[%get3A_696, %get3A_697] {strides = array<i32>} : memref<128x128xf32, #tpu.memory_space<vmem>>, vector<16xf32>,
        %mul3A_699 = vector.broadcast %squeeze3A_639 : f32 to vector<16xf32>
        %mul3A_700 = arith.mulf %get3A_698, %mul3A_699 : vector<16xf32>
        %swap3A_701 = arith.index_cast %add3A_637 : i32 to index
        %swap3A_702 = arith.constant 112 : index
        %swap3A_703 = tpu.vector_load %arg10[%swap3A_701, %swap3A_702] {strides = array<i32>} : memref<128x128xf32, #tpu.memory_space<vmem>>, vector<16xf32>,
        tpu.vector_store %arg10[%swap3A_701, %swap3A_702], %mul3A_700 {strides = array<i32>} : memref<128x128xf32, #tpu.memory_space<vmem>>, vector<16xf32>,
        %mul3A_704 = arith.constant 16 : i32
        %mul3A_705 = arith.muli %scan3A_69, %mul3A_704 : i32
        %add3A_706 = arith.constant 9 : i32
        %add3A_707 = arith.addi %mul3A_705, %add3A_706 : i32
        %slice3A_708 = vector.extract_strided_slice %get3A_76 {offsets = [9], sizes = [1], strides = [1]} : vector<16xf32> to vector<1xf32>
        %squeeze3A_709 = vector.extract %slice3A_708[0] : f32 from vector<1xf32>
        %get3A_710 = arith.index_cast %add3A_707 : i32 to index
        %get3A_711 = arith.constant 0 : index
        %get3A_712 = tpu.vector_load %arg10[%get3A_710, %get3A_711] {strides = array<i32>} : memref<128x128xf32, #tpu.memory_space<vmem>>, vector<16xf32>,
        %mul3A_713 = vector.broadcast %squeeze3A_709 : f32 to vector<16xf32>
        %mul3A_714 = arith.mulf %get3A_712, %mul3A_713 : vector<16xf32>
        %swap3A_715 = arith.index_cast %add3A_707 : i32 to index
        %swap3A_716 = arith.constant 0 : index
        %swap3A_717 = tpu.vector_load %arg10[%swap3A_715, %swap3A_716] {strides = array<i32>} : memref<128x128xf32, #tpu.memory_space<vmem>>, vector<16xf32>,
        tpu.vector_store %arg10[%swap3A_715, %swap3A_716], %mul3A_714 {strides = array<i32>} : memref<128x128xf32, #tpu.memory_space<vmem>>, vector<16xf32>,
        %get3A_718 = arith.index_cast %add3A_707 : i32 to index
        %get3A_719 = arith.constant 16 : index
        %get3A_720 = tpu.vector_load %arg10[%get3A_718, %get3A_719] {strides = array<i32>} : memref<128x128xf32, #tpu.memory_space<vmem>>, vector<16xf32>,
        %mul3A_721 = vector.broadcast %squeeze3A_709 : f32 to vector<16xf32>
        %mul3A_722 = arith.mulf %get3A_720, %mul3A_721 : vector<16xf32>
        %swap3A_723 = arith.index_cast %add3A_707 : i32 to index
        %swap3A_724 = arith.constant 16 : index
        %swap3A_725 = tpu.vector_load %arg10[%swap3A_723, %swap3A_724] {strides = array<i32>} : memref<128x128xf32, #tpu.memory_space<vmem>>, vector<16xf32>,
        tpu.vector_store %arg10[%swap3A_723, %swap3A_724], %mul3A_722 {strides = array<i32>} : memref<128x128xf32, #tpu.memory_space<vmem>>, vector<16xf32>,
        %get3A_726 = arith.index_cast %add3A_707 : i32 to index
        %get3A_727 = arith.constant 32 : index
        %get3A_728 = tpu.vector_load %arg10[%get3A_726, %get3A_727] {strides = array<i32>} : memref<128x128xf32, #tpu.memory_space<vmem>>, vector<16xf32>,
        %mul3A_729 = vector.broadcast %squeeze3A_709 : f32 to vector<16xf32>
        %mul3A_730 = arith.mulf %get3A_728, %mul3A_729 : vector<16xf32>
        %swap3A_731 = arith.index_cast %add3A_707 : i32 to index
        %swap3A_732 = arith.constant 32 : index
        %swap3A_733 = tpu.vector_load %arg10[%swap3A_731, %swap3A_732] {strides = array<i32>} : memref<128x128xf32, #tpu.memory_space<vmem>>, vector<16xf32>,
        tpu.vector_store %arg10[%swap3A_731, %swap3A_732], %mul3A_730 {strides = array<i32>} : memref<128x128xf32, #tpu.memory_space<vmem>>, vector<16xf32>,
        %get3A_734 = arith.index_cast %add3A_707 : i32 to index
        %get3A_735 = arith.constant 48 : index
        %get3A_736 = tpu.vector_load %arg10[%get3A_734, %get3A_735] {strides = array<i32>} : memref<128x128xf32, #tpu.memory_space<vmem>>, vector<16xf32>,
        %mul3A_737 = vector.broadcast %squeeze3A_709 : f32 to vector<16xf32>
        %mul3A_738 = arith.mulf %get3A_736, %mul3A_737 : vector<16xf32>
        %swap3A_739 = arith.index_cast %add3A_707 : i32 to index
        %swap3A_740 = arith.constant 48 : index
        %swap3A_741 = tpu.vector_load %arg10[%swap3A_739, %swap3A_740] {strides = array<i32>} : memref<128x128xf32, #tpu.memory_space<vmem>>, vector<16xf32>,
        tpu.vector_store %arg10[%swap3A_739, %swap3A_740], %mul3A_738 {strides = array<i32>} : memref<128x128xf32, #tpu.memory_space<vmem>>, vector<16xf32>,
        %get3A_742 = arith.index_cast %add3A_707 : i32 to index
        %get3A_743 = arith.constant 64 : index
        %get3A_744 = tpu.vector_load %arg10[%get3A_742, %get3A_743] {strides = array<i32>} : memref<128x128xf32, #tpu.memory_space<vmem>>, vector<16xf32>,
        %mul3A_745 = vector.broadcast %squeeze3A_709 : f32 to vector<16xf32>
        %mul3A_746 = arith.mulf %get3A_744, %mul3A_745 : vector<16xf32>
        %swap3A_747 = arith.index_cast %add3A_707 : i32 to index
        %swap3A_748 = arith.constant 64 : index
        %swap3A_749 = tpu.vector_load %arg10[%swap3A_747, %swap3A_748] {strides = array<i32>} : memref<128x128xf32, #tpu.memory_space<vmem>>, vector<16xf32>,
        tpu.vector_store %arg10[%swap3A_747, %swap3A_748], %mul3A_746 {strides = array<i32>} : memref<128x128xf32, #tpu.memory_space<vmem>>, vector<16xf32>,
        %get3A_750 = arith.index_cast %add3A_707 : i32 to index
        %get3A_751 = arith.constant 80 : index
        %get3A_752 = tpu.vector_load %arg10[%get3A_750, %get3A_751] {strides = array<i32>} : memref<128x128xf32, #tpu.memory_space<vmem>>, vector<16xf32>,
        %mul3A_753 = vector.broadcast %squeeze3A_709 : f32 to vector<16xf32>
        %mul3A_754 = arith.mulf %get3A_752, %mul3A_753 : vector<16xf32>
        %swap3A_755 = arith.index_cast %add3A_707 : i32 to index
        %swap3A_756 = arith.constant 80 : index
        %swap3A_757 = tpu.vector_load %arg10[%swap3A_755, %swap3A_756] {strides = array<i32>} : memref<128x128xf32, #tpu.memory_space<vmem>>, vector<16xf32>,
        tpu.vector_store %arg10[%swap3A_755, %swap3A_756], %mul3A_754 {strides = array<i32>} : memref<128x128xf32, #tpu.memory_space<vmem>>, vector<16xf32>,
        %get3A_758 = arith.index_cast %add3A_707 : i32 to index
        %get3A_759 = arith.constant 96 : index
        %get3A_760 = tpu.vector_load %arg10[%get3A_758, %get3A_759] {strides = array<i32>} : memref<128x128xf32, #tpu.memory_space<vmem>>, vector<16xf32>,
        %mul3A_761 = vector.broadcast %squeeze3A_709 : f32 to vector<16xf32>
        %mul3A_762 = arith.mulf %get3A_760, %mul3A_761 : vector<16xf32>
        %swap3A_763 = arith.index_cast %add3A_707 : i32 to index
        %swap3A_764 = arith.constant 96 : index
        %swap3A_765 = tpu.vector_load %arg10[%swap3A_763, %swap3A_764] {strides = array<i32>} : memref<128x128xf32, #tpu.memory_space<vmem>>, vector<16xf32>,
        tpu.vector_store %arg10[%swap3A_763, %swap3A_764], %mul3A_762 {strides = array<i32>} : memref<128x128xf32, #tpu.memory_space<vmem>>, vector<16xf32>,
        %get3A_766 = arith.index_cast %add3A_707 : i32 to index
        %get3A_767 = arith.constant 112 : index
        %get3A_768 = tpu.vector_load %arg10[%get3A_766, %get3A_767] {strides = array<i32>} : memref<128x128xf32, #tpu.memory_space<vmem>>, vector<16xf32>,
        %mul3A_769 = vector.broadcast %squeeze3A_709 : f32 to vector<16xf32>
        %mul3A_770 = arith.mulf %get3A_768, %mul3A_769 : vector<16xf32>
        %swap3A_771 = arith.index_cast %add3A_707 : i32 to index
        %swap3A_772 = arith.constant 112 : index
        %swap3A_773 = tpu.vector_load %arg10[%swap3A_771, %swap3A_772] {strides = array<i32>} : memref<128x128xf32, #tpu.memory_space<vmem>>, vector<16xf32>,
        tpu.vector_store %arg10[%swap3A_771, %swap3A_772], %mul3A_770 {strides = array<i32>} : memref<128x128xf32, #tpu.memory_space<vmem>>, vector<16xf32>,
        %mul3A_774 = arith.constant 16 : i32
        %mul3A_775 = arith.muli %scan3A_69, %mul3A_774 : i32
        %add3A_776 = arith.constant 10 : i32
        %add3A_777 = arith.addi %mul3A_775, %add3A_776 : i32
        %slice3A_778 = vector.extract_strided_slice %get3A_76 {offsets = [10], sizes = [1], strides = [1]} : vector<16xf32> to vector<1xf32>
        %squeeze3A_779 = vector.extract %slice3A_778[0] : f32 from vector<1xf32>
        %get3A_780 = arith.index_cast %add3A_777 : i32 to index
        %get3A_781 = arith.constant 0 : index
        %get3A_782 = tpu.vector_load %arg10[%get3A_780, %get3A_781] {strides = array<i32>} : memref<128x128xf32, #tpu.memory_space<vmem>>, vector<16xf32>,
        %mul3A_783 = vector.broadcast %squeeze3A_779 : f32 to vector<16xf32>
        %mul3A_784 = arith.mulf %get3A_782, %mul3A_783 : vector<16xf32>
        %swap3A_785 = arith.index_cast %add3A_777 : i32 to index
        %swap3A_786 = arith.constant 0 : index
        %swap3A_787 = tpu.vector_load %arg10[%swap3A_785, %swap3A_786] {strides = array<i32>} : memref<128x128xf32, #tpu.memory_space<vmem>>, vector<16xf32>,
        tpu.vector_store %arg10[%swap3A_785, %swap3A_786], %mul3A_784 {strides = array<i32>} : memref<128x128xf32, #tpu.memory_space<vmem>>, vector<16xf32>,
        %get3A_788 = arith.index_cast %add3A_777 : i32 to index
        %get3A_789 = arith.constant 16 : index
        %get3A_790 = tpu.vector_load %arg10[%get3A_788, %get3A_789] {strides = array<i32>} : memref<128x128xf32, #tpu.memory_space<vmem>>, vector<16xf32>,
        %mul3A_791 = vector.broadcast %squeeze3A_779 : f32 to vector<16xf32>
        %mul3A_792 = arith.mulf %get3A_790, %mul3A_791 : vector<16xf32>
        %swap3A_793 = arith.index_cast %add3A_777 : i32 to index
        %swap3A_794 = arith.constant 16 : index
        %swap3A_795 = tpu.vector_load %arg10[%swap3A_793, %swap3A_794] {strides = array<i32>} : memref<128x128xf32, #tpu.memory_space<vmem>>, vector<16xf32>,
        tpu.vector_store %arg10[%swap3A_793, %swap3A_794], %mul3A_792 {strides = array<i32>} : memref<128x128xf32, #tpu.memory_space<vmem>>, vector<16xf32>,
        %get3A_796 = arith.index_cast %add3A_777 : i32 to index
        %get3A_797 = arith.constant 32 : index
        %get3A_798 = tpu.vector_load %arg10[%get3A_796, %get3A_797] {strides = array<i32>} : memref<128x128xf32, #tpu.memory_space<vmem>>, vector<16xf32>,
        %mul3A_799 = vector.broadcast %squeeze3A_779 : f32 to vector<16xf32>
        %mul3A_800 = arith.mulf %get3A_798, %mul3A_799 : vector<16xf32>
        %swap3A_801 = arith.index_cast %add3A_777 : i32 to index
        %swap3A_802 = arith.constant 32 : index
        %swap3A_803 = tpu.vector_load %arg10[%swap3A_801, %swap3A_802] {strides = array<i32>} : memref<128x128xf32, #tpu.memory_space<vmem>>, vector<16xf32>,
        tpu.vector_store %arg10[%swap3A_801, %swap3A_802], %mul3A_800 {strides = array<i32>} : memref<128x128xf32, #tpu.memory_space<vmem>>, vector<16xf32>,
        %get3A_804 = arith.index_cast %add3A_777 : i32 to index
        %get3A_805 = arith.constant 48 : index
        %get3A_806 = tpu.vector_load %arg10[%get3A_804, %get3A_805] {strides = array<i32>} : memref<128x128xf32, #tpu.memory_space<vmem>>, vector<16xf32>,
        %mul3A_807 = vector.broadcast %squeeze3A_779 : f32 to vector<16xf32>
        %mul3A_808 = arith.mulf %get3A_806, %mul3A_807 : vector<16xf32>
        %swap3A_809 = arith.index_cast %add3A_777 : i32 to index
        %swap3A_810 = arith.constant 48 : index
        %swap3A_811 = tpu.vector_load %arg10[%swap3A_809, %swap3A_810] {strides = array<i32>} : memref<128x128xf32, #tpu.memory_space<vmem>>, vector<16xf32>,
        tpu.vector_store %arg10[%swap3A_809, %swap3A_810], %mul3A_808 {strides = array<i32>} : memref<128x128xf32, #tpu.memory_space<vmem>>, vector<16xf32>,
        %get3A_812 = arith.index_cast %add3A_777 : i32 to index
        %get3A_813 = arith.constant 64 : index
        %get3A_814 = tpu.vector_load %arg10[%get3A_812, %get3A_813] {strides = array<i32>} : memref<128x128xf32, #tpu.memory_space<vmem>>, vector<16xf32>,
        %mul3A_815 = vector.broadcast %squeeze3A_779 : f32 to vector<16xf32>
        %mul3A_816 = arith.mulf %get3A_814, %mul3A_815 : vector<16xf32>
        %swap3A_817 = arith.index_cast %add3A_777 : i32 to index
        %swap3A_818 = arith.constant 64 : index
        %swap3A_819 = tpu.vector_load %arg10[%swap3A_817, %swap3A_818] {strides = array<i32>} : memref<128x128xf32, #tpu.memory_space<vmem>>, vector<16xf32>,
        tpu.vector_store %arg10[%swap3A_817, %swap3A_818], %mul3A_816 {strides = array<i32>} : memref<128x128xf32, #tpu.memory_space<vmem>>, vector<16xf32>,
        %get3A_820 = arith.index_cast %add3A_777 : i32 to index
        %get3A_821 = arith.constant 80 : index
        %get3A_822 = tpu.vector_load %arg10[%get3A_820, %get3A_821] {strides = array<i32>} : memref<128x128xf32, #tpu.memory_space<vmem>>, vector<16xf32>,
        %mul3A_823 = vector.broadcast %squeeze3A_779 : f32 to vector<16xf32>
        %mul3A_824 = arith.mulf %get3A_822, %mul3A_823 : vector<16xf32>
        %swap3A_825 = arith.index_cast %add3A_777 : i32 to index
        %swap3A_826 = arith.constant 80 : index
        %swap3A_827 = tpu.vector_load %arg10[%swap3A_825, %swap3A_826] {strides = array<i32>} : memref<128x128xf32, #tpu.memory_space<vmem>>, vector<16xf32>,
        tpu.vector_store %arg10[%swap3A_825, %swap3A_826], %mul3A_824 {strides = array<i32>} : memref<128x128xf32, #tpu.memory_space<vmem>>, vector<16xf32>,
        %get3A_828 = arith.index_cast %add3A_777 : i32 to index
        %get3A_829 = arith.constant 96 : index
        %get3A_830 = tpu.vector_load %arg10[%get3A_828, %get3A_829] {strides = array<i32>} : memref<128x128xf32, #tpu.memory_space<vmem>>, vector<16xf32>,
        %mul3A_831 = vector.broadcast %squeeze3A_779 : f32 to vector<16xf32>
        %mul3A_832 = arith.mulf %get3A_830, %mul3A_831 : vector<16xf32>
        %swap3A_833 = arith.index_cast %add3A_777 : i32 to index
        %swap3A_834 = arith.constant 96 : index
        %swap3A_835 = tpu.vector_load %arg10[%swap3A_833, %swap3A_834] {strides = array<i32>} : memref<128x128xf32, #tpu.memory_space<vmem>>, vector<16xf32>,
        tpu.vector_store %arg10[%swap3A_833, %swap3A_834], %mul3A_832 {strides = array<i32>} : memref<128x128xf32, #tpu.memory_space<vmem>>, vector<16xf32>,
        %get3A_836 = arith.index_cast %add3A_777 : i32 to index
        %get3A_837 = arith.constant 112 : index
        %get3A_838 = tpu.vector_load %arg10[%get3A_836, %get3A_837] {strides = array<i32>} : memref<128x128xf32, #tpu.memory_space<vmem>>, vector<16xf32>,
        %mul3A_839 = vector.broadcast %squeeze3A_779 : f32 to vector<16xf32>
        %mul3A_840 = arith.mulf %get3A_838, %mul3A_839 : vector<16xf32>
        %swap3A_841 = arith.index_cast %add3A_777 : i32 to index
        %swap3A_842 = arith.constant 112 : index
        %swap3A_843 = tpu.vector_load %arg10[%swap3A_841, %swap3A_842] {strides = array<i32>} : memref<128x128xf32, #tpu.memory_space<vmem>>, vector<16xf32>,
        tpu.vector_store %arg10[%swap3A_841, %swap3A_842], %mul3A_840 {strides = array<i32>} : memref<128x128xf32, #tpu.memory_space<vmem>>, vector<16xf32>,
        %mul3A_844 = arith.constant 16 : i32
        %mul3A_845 = arith.muli %scan3A_69, %mul3A_844 : i32
        %add3A_846 = arith.constant 11 : i32
        %add3A_847 = arith.addi %mul3A_845, %add3A_846 : i32
        %slice3A_848 = vector.extract_strided_slice %get3A_76 {offsets = [11], sizes = [1], strides = [1]} : vector<16xf32> to vector<1xf32>
        %squeeze3A_849 = vector.extract %slice3A_848[0] : f32 from vector<1xf32>
        %get3A_850 = arith.index_cast %add3A_847 : i32 to index
        %get3A_851 = arith.constant 0 : index
        %get3A_852 = tpu.vector_load %arg10[%get3A_850, %get3A_851] {strides = array<i32>} : memref<128x128xf32, #tpu.memory_space<vmem>>, vector<16xf32>,
        %mul3A_853 = vector.broadcast %squeeze3A_849 : f32 to vector<16xf32>
        %mul3A_854 = arith.mulf %get3A_852, %mul3A_853 : vector<16xf32>
        %swap3A_855 = arith.index_cast %add3A_847 : i32 to index
        %swap3A_856 = arith.constant 0 : index
        %swap3A_857 = tpu.vector_load %arg10[%swap3A_855, %swap3A_856] {strides = array<i32>} : memref<128x128xf32, #tpu.memory_space<vmem>>, vector<16xf32>,
        tpu.vector_store %arg10[%swap3A_855, %swap3A_856], %mul3A_854 {strides = array<i32>} : memref<128x128xf32, #tpu.memory_space<vmem>>, vector<16xf32>,
        %get3A_858 = arith.index_cast %add3A_847 : i32 to index
        %get3A_859 = arith.constant 16 : index
        %get3A_860 = tpu.vector_load %arg10[%get3A_858, %get3A_859] {strides = array<i32>} : memref<128x128xf32, #tpu.memory_space<vmem>>, vector<16xf32>,
        %mul3A_861 = vector.broadcast %squeeze3A_849 : f32 to vector<16xf32>
        %mul3A_862 = arith.mulf %get3A_860, %mul3A_861 : vector<16xf32>
        %swap3A_863 = arith.index_cast %add3A_847 : i32 to index
        %swap3A_864 = arith.constant 16 : index
        %swap3A_865 = tpu.vector_load %arg10[%swap3A_863, %swap3A_864] {strides = array<i32>} : memref<128x128xf32, #tpu.memory_space<vmem>>, vector<16xf32>,
        tpu.vector_store %arg10[%swap3A_863, %swap3A_864], %mul3A_862 {strides = array<i32>} : memref<128x128xf32, #tpu.memory_space<vmem>>, vector<16xf32>,
        %get3A_866 = arith.index_cast %add3A_847 : i32 to index
        %get3A_867 = arith.constant 32 : index
        %get3A_868 = tpu.vector_load %arg10[%get3A_866, %get3A_867] {strides = array<i32>} : memref<128x128xf32, #tpu.memory_space<vmem>>, vector<16xf32>,
        %mul3A_869 = vector.broadcast %squeeze3A_849 : f32 to vector<16xf32>
        %mul3A_870 = arith.mulf %get3A_868, %mul3A_869 : vector<16xf32>
        %swap3A_871 = arith.index_cast %add3A_847 : i32 to index
        %swap3A_872 = arith.constant 32 : index
        %swap3A_873 = tpu.vector_load %arg10[%swap3A_871, %swap3A_872] {strides = array<i32>} : memref<128x128xf32, #tpu.memory_space<vmem>>, vector<16xf32>,
        tpu.vector_store %arg10[%swap3A_871, %swap3A_872], %mul3A_870 {strides = array<i32>} : memref<128x128xf32, #tpu.memory_space<vmem>>, vector<16xf32>,
        %get3A_874 = arith.index_cast %add3A_847 : i32 to index
        %get3A_875 = arith.constant 48 : index
        %get3A_876 = tpu.vector_load %arg10[%get3A_874, %get3A_875] {strides = array<i32>} : memref<128x128xf32, #tpu.memory_space<vmem>>, vector<16xf32>,
        %mul3A_877 = vector.broadcast %squeeze3A_849 : f32 to vector<16xf32>
        %mul3A_878 = arith.mulf %get3A_876, %mul3A_877 : vector<16xf32>
        %swap3A_879 = arith.index_cast %add3A_847 : i32 to index
        %swap3A_880 = arith.constant 48 : index
        %swap3A_881 = tpu.vector_load %arg10[%swap3A_879, %swap3A_880] {strides = array<i32>} : memref<128x128xf32, #tpu.memory_space<vmem>>, vector<16xf32>,
        tpu.vector_store %arg10[%swap3A_879, %swap3A_880], %mul3A_878 {strides = array<i32>} : memref<128x128xf32, #tpu.memory_space<vmem>>, vector<16xf32>,
        %get3A_882 = arith.index_cast %add3A_847 : i32 to index
        %get3A_883 = arith.constant 64 : index
        %get3A_884 = tpu.vector_load %arg10[%get3A_882, %get3A_883] {strides = array<i32>} : memref<128x128xf32, #tpu.memory_space<vmem>>, vector<16xf32>,
        %mul3A_885 = vector.broadcast %squeeze3A_849 : f32 to vector<16xf32>
        %mul3A_886 = arith.mulf %get3A_884, %mul3A_885 : vector<16xf32>
        %swap3A_887 = arith.index_cast %add3A_847 : i32 to index
        %swap3A_888 = arith.constant 64 : index
        %swap3A_889 = tpu.vector_load %arg10[%swap3A_887, %swap3A_888] {strides = array<i32>} : memref<128x128xf32, #tpu.memory_space<vmem>>, vector<16xf32>,
        tpu.vector_store %arg10[%swap3A_887, %swap3A_888], %mul3A_886 {strides = array<i32>} : memref<128x128xf32, #tpu.memory_space<vmem>>, vector<16xf32>,
        %get3A_890 = arith.index_cast %add3A_847 : i32 to index
        %get3A_891 = arith.constant 80 : index
        %get3A_892 = tpu.vector_load %arg10[%get3A_890, %get3A_891] {strides = array<i32>} : memref<128x128xf32, #tpu.memory_space<vmem>>, vector<16xf32>,
        %mul3A_893 = vector.broadcast %squeeze3A_849 : f32 to vector<16xf32>
        %mul3A_894 = arith.mulf %get3A_892, %mul3A_893 : vector<16xf32>
        %swap3A_895 = arith.index_cast %add3A_847 : i32 to index
        %swap3A_896 = arith.constant 80 : index
        %swap3A_897 = tpu.vector_load %arg10[%swap3A_895, %swap3A_896] {strides = array<i32>} : memref<128x128xf32, #tpu.memory_space<vmem>>, vector<16xf32>,
        tpu.vector_store %arg10[%swap3A_895, %swap3A_896], %mul3A_894 {strides = array<i32>} : memref<128x128xf32, #tpu.memory_space<vmem>>, vector<16xf32>,
        %get3A_898 = arith.index_cast %add3A_847 : i32 to index
        %get3A_899 = arith.constant 96 : index
        %get3A_900 = tpu.vector_load %arg10[%get3A_898, %get3A_899] {strides = array<i32>} : memref<128x128xf32, #tpu.memory_space<vmem>>, vector<16xf32>,
        %mul3A_901 = vector.broadcast %squeeze3A_849 : f32 to vector<16xf32>
        %mul3A_902 = arith.mulf %get3A_900, %mul3A_901 : vector<16xf32>
        %swap3A_903 = arith.index_cast %add3A_847 : i32 to index
        %swap3A_904 = arith.constant 96 : index
        %swap3A_905 = tpu.vector_load %arg10[%swap3A_903, %swap3A_904] {strides = array<i32>} : memref<128x128xf32, #tpu.memory_space<vmem>>, vector<16xf32>,
        tpu.vector_store %arg10[%swap3A_903, %swap3A_904], %mul3A_902 {strides = array<i32>} : memref<128x128xf32, #tpu.memory_space<vmem>>, vector<16xf32>,
        %get3A_906 = arith.index_cast %add3A_847 : i32 to index
        %get3A_907 = arith.constant 112 : index
        %get3A_908 = tpu.vector_load %arg10[%get3A_906, %get3A_907] {strides = array<i32>} : memref<128x128xf32, #tpu.memory_space<vmem>>, vector<16xf32>,
        %mul3A_909 = vector.broadcast %squeeze3A_849 : f32 to vector<16xf32>
        %mul3A_910 = arith.mulf %get3A_908, %mul3A_909 : vector<16xf32>
        %swap3A_911 = arith.index_cast %add3A_847 : i32 to index
        %swap3A_912 = arith.constant 112 : index
        %swap3A_913 = tpu.vector_load %arg10[%swap3A_911, %swap3A_912] {strides = array<i32>} : memref<128x128xf32, #tpu.memory_space<vmem>>, vector<16xf32>,
        tpu.vector_store %arg10[%swap3A_911, %swap3A_912], %mul3A_910 {strides = array<i32>} : memref<128x128xf32, #tpu.memory_space<vmem>>, vector<16xf32>,
        %mul3A_914 = arith.constant 16 : i32
        %mul3A_915 = arith.muli %scan3A_69, %mul3A_914 : i32
        %add3A_916 = arith.constant 12 : i32
        %add3A_917 = arith.addi %mul3A_915, %add3A_916 : i32
        %slice3A_918 = vector.extract_strided_slice %get3A_76 {offsets = [12], sizes = [1], strides = [1]} : vector<16xf32> to vector<1xf32>
        %squeeze3A_919 = vector.extract %slice3A_918[0] : f32 from vector<1xf32>
        %get3A_920 = arith.index_cast %add3A_917 : i32 to index
        %get3A_921 = arith.constant 0 : index
        %get3A_922 = tpu.vector_load %arg10[%get3A_920, %get3A_921] {strides = array<i32>} : memref<128x128xf32, #tpu.memory_space<vmem>>, vector<16xf32>,
        %mul3A_923 = vector.broadcast %squeeze3A_919 : f32 to vector<16xf32>
        %mul3A_924 = arith.mulf %get3A_922, %mul3A_923 : vector<16xf32>
        %swap3A_925 = arith.index_cast %add3A_917 : i32 to index
        %swap3A_926 = arith.constant 0 : index
        %swap3A_927 = tpu.vector_load %arg10[%swap3A_925, %swap3A_926] {strides = array<i32>} : memref<128x128xf32, #tpu.memory_space<vmem>>, vector<16xf32>,
        tpu.vector_store %arg10[%swap3A_925, %swap3A_926], %mul3A_924 {strides = array<i32>} : memref<128x128xf32, #tpu.memory_space<vmem>>, vector<16xf32>,
        %get3A_928 = arith.index_cast %add3A_917 : i32 to index
        %get3A_929 = arith.constant 16 : index
        %get3A_930 = tpu.vector_load %arg10[%get3A_928, %get3A_929] {strides = array<i32>} : memref<128x128xf32, #tpu.memory_space<vmem>>, vector<16xf32>,
        %mul3A_931 = vector.broadcast %squeeze3A_919 : f32 to vector<16xf32>
        %mul3A_932 = arith.mulf %get3A_930, %mul3A_931 : vector<16xf32>
        %swap3A_933 = arith.index_cast %add3A_917 : i32 to index
        %swap3A_934 = arith.constant 16 : index
        %swap3A_935 = tpu.vector_load %arg10[%swap3A_933, %swap3A_934] {strides = array<i32>} : memref<128x128xf32, #tpu.memory_space<vmem>>, vector<16xf32>,
        tpu.vector_store %arg10[%swap3A_933, %swap3A_934], %mul3A_932 {strides = array<i32>} : memref<128x128xf32, #tpu.memory_space<vmem>>, vector<16xf32>,
        %get3A_936 = arith.index_cast %add3A_917 : i32 to index
        %get3A_937 = arith.constant 32 : index
        %get3A_938 = tpu.vector_load %arg10[%get3A_936, %get3A_937] {strides = array<i32>} : memref<128x128xf32, #tpu.memory_space<vmem>>, vector<16xf32>,
        %mul3A_939 = vector.broadcast %squeeze3A_919 : f32 to vector<16xf32>
        %mul3A_940 = arith.mulf %get3A_938, %mul3A_939 : vector<16xf32>
        %swap3A_941 = arith.index_cast %add3A_917 : i32 to index
        %swap3A_942 = arith.constant 32 : index
        %swap3A_943 = tpu.vector_load %arg10[%swap3A_941, %swap3A_942] {strides = array<i32>} : memref<128x128xf32, #tpu.memory_space<vmem>>, vector<16xf32>,
        tpu.vector_store %arg10[%swap3A_941, %swap3A_942], %mul3A_940 {strides = array<i32>} : memref<128x128xf32, #tpu.memory_space<vmem>>, vector<16xf32>,
        %get3A_944 = arith.index_cast %add3A_917 : i32 to index
        %get3A_945 = arith.constant 48 : index
        %get3A_946 = tpu.vector_load %arg10[%get3A_944, %get3A_945] {strides = array<i32>} : memref<128x128xf32, #tpu.memory_space<vmem>>, vector<16xf32>,
        %mul3A_947 = vector.broadcast %squeeze3A_919 : f32 to vector<16xf32>
        %mul3A_948 = arith.mulf %get3A_946, %mul3A_947 : vector<16xf32>
        %swap3A_949 = arith.index_cast %add3A_917 : i32 to index
        %swap3A_950 = arith.constant 48 : index
        %swap3A_951 = tpu.vector_load %arg10[%swap3A_949, %swap3A_950] {strides = array<i32>} : memref<128x128xf32, #tpu.memory_space<vmem>>, vector<16xf32>,
        tpu.vector_store %arg10[%swap3A_949, %swap3A_950], %mul3A_948 {strides = array<i32>} : memref<128x128xf32, #tpu.memory_space<vmem>>, vector<16xf32>,
        %get3A_952 = arith.index_cast %add3A_917 : i32 to index
        %get3A_953 = arith.constant 64 : index
        %get3A_954 = tpu.vector_load %arg10[%get3A_952, %get3A_953] {strides = array<i32>} : memref<128x128xf32, #tpu.memory_space<vmem>>, vector<16xf32>,
        %mul3A_955 = vector.broadcast %squeeze3A_919 : f32 to vector<16xf32>
        %mul3A_956 = arith.mulf %get3A_954, %mul3A_955 : vector<16xf32>
        %swap3A_957 = arith.index_cast %add3A_917 : i32 to index
        %swap3A_958 = arith.constant 64 : index
        %swap3A_959 = tpu.vector_load %arg10[%swap3A_957, %swap3A_958] {strides = array<i32>} : memref<128x128xf32, #tpu.memory_space<vmem>>, vector<16xf32>,
        tpu.vector_store %arg10[%swap3A_957, %swap3A_958], %mul3A_956 {strides = array<i32>} : memref<128x128xf32, #tpu.memory_space<vmem>>, vector<16xf32>,
        %get3A_960 = arith.index_cast %add3A_917 : i32 to index
        %get3A_961 = arith.constant 80 : index
        %get3A_962 = tpu.vector_load %arg10[%get3A_960, %get3A_961] {strides = array<i32>} : memref<128x128xf32, #tpu.memory_space<vmem>>, vector<16xf32>,
        %mul3A_963 = vector.broadcast %squeeze3A_919 : f32 to vector<16xf32>
        %mul3A_964 = arith.mulf %get3A_962, %mul3A_963 : vector<16xf32>
        %swap3A_965 = arith.index_cast %add3A_917 : i32 to index
        %swap3A_966 = arith.constant 80 : index
        %swap3A_967 = tpu.vector_load %arg10[%swap3A_965, %swap3A_966] {strides = array<i32>} : memref<128x128xf32, #tpu.memory_space<vmem>>, vector<16xf32>,
        tpu.vector_store %arg10[%swap3A_965, %swap3A_966], %mul3A_964 {strides = array<i32>} : memref<128x128xf32, #tpu.memory_space<vmem>>, vector<16xf32>,
        %get3A_968 = arith.index_cast %add3A_917 : i32 to index
        %get3A_969 = arith.constant 96 : index
        %get3A_970 = tpu.vector_load %arg10[%get3A_968, %get3A_969] {strides = array<i32>} : memref<128x128xf32, #tpu.memory_space<vmem>>, vector<16xf32>,
        %mul3A_971 = vector.broadcast %squeeze3A_919 : f32 to vector<16xf32>
        %mul3A_972 = arith.mulf %get3A_970, %mul3A_971 : vector<16xf32>
        %swap3A_973 = arith.index_cast %add3A_917 : i32 to index
        %swap3A_974 = arith.constant 96 : index
        %swap3A_975 = tpu.vector_load %arg10[%swap3A_973, %swap3A_974] {strides = array<i32>} : memref<128x128xf32, #tpu.memory_space<vmem>>, vector<16xf32>,
        tpu.vector_store %arg10[%swap3A_973, %swap3A_974], %mul3A_972 {strides = array<i32>} : memref<128x128xf32, #tpu.memory_space<vmem>>, vector<16xf32>,
        %get3A_976 = arith.index_cast %add3A_917 : i32 to index
        %get3A_977 = arith.constant 112 : index
        %get3A_978 = tpu.vector_load %arg10[%get3A_976, %get3A_977] {strides = array<i32>} : memref<128x128xf32, #tpu.memory_space<vmem>>, vector<16xf32>,
        %mul3A_979 = vector.broadcast %squeeze3A_919 : f32 to vector<16xf32>
        %mul3A_980 = arith.mulf %get3A_978, %mul3A_979 : vector<16xf32>
        %swap3A_981 = arith.index_cast %add3A_917 : i32 to index
        %swap3A_982 = arith.constant 112 : index
        %swap3A_983 = tpu.vector_load %arg10[%swap3A_981, %swap3A_982] {strides = array<i32>} : memref<128x128xf32, #tpu.memory_space<vmem>>, vector<16xf32>,
        tpu.vector_store %arg10[%swap3A_981, %swap3A_982], %mul3A_980 {strides = array<i32>} : memref<128x128xf32, #tpu.memory_space<vmem>>, vector<16xf32>,
        %mul3A_984 = arith.constant 16 : i32
        %mul3A_985 = arith.muli %scan3A_69, %mul3A_984 : i32
        %add3A_986 = arith.constant 13 : i32
        %add3A_987 = arith.addi %mul3A_985, %add3A_986 : i32
        %slice3A_988 = vector.extract_strided_slice %get3A_76 {offsets = [13], sizes = [1], strides = [1]} : vector<16xf32> to vector<1xf32>
        %squeeze3A_989 = vector.extract %slice3A_988[0] : f32 from vector<1xf32>
        %get3A_990 = arith.index_cast %add3A_987 : i32 to index
        %get3A_991 = arith.constant 0 : index
        %get3A_992 = tpu.vector_load %arg10[%get3A_990, %get3A_991] {strides = array<i32>} : memref<128x128xf32, #tpu.memory_space<vmem>>, vector<16xf32>,
        %mul3A_993 = vector.broadcast %squeeze3A_989 : f32 to vector<16xf32>
        %mul3A_994 = arith.mulf %get3A_992, %mul3A_993 : vector<16xf32>
        %swap3A_995 = arith.index_cast %add3A_987 : i32 to index
        %swap3A_996 = arith.constant 0 : index
        %swap3A_997 = tpu.vector_load %arg10[%swap3A_995, %swap3A_996] {strides = array<i32>} : memref<128x128xf32, #tpu.memory_space<vmem>>, vector<16xf32>,
        tpu.vector_store %arg10[%swap3A_995, %swap3A_996], %mul3A_994 {strides = array<i32>} : memref<128x128xf32, #tpu.memory_space<vmem>>, vector<16xf32>,
        %get3A_998 = arith.index_cast %add3A_987 : i32 to index
        %get3A_999 = arith.constant 16 : index
        %get3A_1000 = tpu.vector_load %arg10[%get3A_998, %get3A_999] {strides = array<i32>} : memref<128x128xf32, #tpu.memory_space<vmem>>, vector<16xf32>,
        %mul3A_1001 = vector.broadcast %squeeze3A_989 : f32 to vector<16xf32>
        %mul3A_1002 = arith.mulf %get3A_1000, %mul3A_1001 : vector<16xf32>
        %swap3A_1003 = arith.index_cast %add3A_987 : i32 to index
        %swap3A_1004 = arith.constant 16 : index
        %swap3A_1005 = tpu.vector_load %arg10[%swap3A_1003, %swap3A_1004] {strides = array<i32>} : memref<128x128xf32, #tpu.memory_space<vmem>>, vector<16xf32>,
        tpu.vector_store %arg10[%swap3A_1003, %swap3A_1004], %mul3A_1002 {strides = array<i32>} : memref<128x128xf32, #tpu.memory_space<vmem>>, vector<16xf32>,
        %get3A_1006 = arith.index_cast %add3A_987 : i32 to index
        %get3A_1007 = arith.constant 32 : index
        %get3A_1008 = tpu.vector_load %arg10[%get3A_1006, %get3A_1007] {strides = array<i32>} : memref<128x128xf32, #tpu.memory_space<vmem>>, vector<16xf32>,
        %mul3A_1009 = vector.broadcast %squeeze3A_989 : f32 to vector<16xf32>
        %mul3A_1010 = arith.mulf %get3A_1008, %mul3A_1009 : vector<16xf32>
        %swap3A_1011 = arith.index_cast %add3A_987 : i32 to index
        %swap3A_1012 = arith.constant 32 : index
        %swap3A_1013 = tpu.vector_load %arg10[%swap3A_1011, %swap3A_1012] {strides = array<i32>} : memref<128x128xf32, #tpu.memory_space<vmem>>, vector<16xf32>,
        tpu.vector_store %arg10[%swap3A_1011, %swap3A_1012], %mul3A_1010 {strides = array<i32>} : memref<128x128xf32, #tpu.memory_space<vmem>>, vector<16xf32>,
        %get3A_1014 = arith.index_cast %add3A_987 : i32 to index
        %get3A_1015 = arith.constant 48 : index
        %get3A_1016 = tpu.vector_load %arg10[%get3A_1014, %get3A_1015] {strides = array<i32>} : memref<128x128xf32, #tpu.memory_space<vmem>>, vector<16xf32>,
        %mul3A_1017 = vector.broadcast %squeeze3A_989 : f32 to vector<16xf32>
        %mul3A_1018 = arith.mulf %get3A_1016, %mul3A_1017 : vector<16xf32>
        %swap3A_1019 = arith.index_cast %add3A_987 : i32 to index
        %swap3A_1020 = arith.constant 48 : index
        %swap3A_1021 = tpu.vector_load %arg10[%swap3A_1019, %swap3A_1020] {strides = array<i32>} : memref<128x128xf32, #tpu.memory_space<vmem>>, vector<16xf32>,
        tpu.vector_store %arg10[%swap3A_1019, %swap3A_1020], %mul3A_1018 {strides = array<i32>} : memref<128x128xf32, #tpu.memory_space<vmem>>, vector<16xf32>,
        %get3A_1022 = arith.index_cast %add3A_987 : i32 to index
        %get3A_1023 = arith.constant 64 : index
        %get3A_1024 = tpu.vector_load %arg10[%get3A_1022, %get3A_1023] {strides = array<i32>} : memref<128x128xf32, #tpu.memory_space<vmem>>, vector<16xf32>,
        %mul3A_1025 = vector.broadcast %squeeze3A_989 : f32 to vector<16xf32>
        %mul3A_1026 = arith.mulf %get3A_1024, %mul3A_1025 : vector<16xf32>
        %swap3A_1027 = arith.index_cast %add3A_987 : i32 to index
        %swap3A_1028 = arith.constant 64 : index
        %swap3A_1029 = tpu.vector_load %arg10[%swap3A_1027, %swap3A_1028] {strides = array<i32>} : memref<128x128xf32, #tpu.memory_space<vmem>>, vector<16xf32>,
        tpu.vector_store %arg10[%swap3A_1027, %swap3A_1028], %mul3A_1026 {strides = array<i32>} : memref<128x128xf32, #tpu.memory_space<vmem>>, vector<16xf32>,
        %get3A_1030 = arith.index_cast %add3A_987 : i32 to index
        %get3A_1031 = arith.constant 80 : index
        %get3A_1032 = tpu.vector_load %arg10[%get3A_1030, %get3A_1031] {strides = array<i32>} : memref<128x128xf32, #tpu.memory_space<vmem>>, vector<16xf32>,
        %mul3A_1033 = vector.broadcast %squeeze3A_989 : f32 to vector<16xf32>
        %mul3A_1034 = arith.mulf %get3A_1032, %mul3A_1033 : vector<16xf32>
        %swap3A_1035 = arith.index_cast %add3A_987 : i32 to index
        %swap3A_1036 = arith.constant 80 : index
        %swap3A_1037 = tpu.vector_load %arg10[%swap3A_1035, %swap3A_1036] {strides = array<i32>} : memref<128x128xf32, #tpu.memory_space<vmem>>, vector<16xf32>,
        tpu.vector_store %arg10[%swap3A_1035, %swap3A_1036], %mul3A_1034 {strides = array<i32>} : memref<128x128xf32, #tpu.memory_space<vmem>>, vector<16xf32>,
        %get3A_1038 = arith.index_cast %add3A_987 : i32 to index
        %get3A_1039 = arith.constant 96 : index
        %get3A_1040 = tpu.vector_load %arg10[%get3A_1038, %get3A_1039] {strides = array<i32>} : memref<128x128xf32, #tpu.memory_space<vmem>>, vector<16xf32>,
        %mul3A_1041 = vector.broadcast %squeeze3A_989 : f32 to vector<16xf32>
        %mul3A_1042 = arith.mulf %get3A_1040, %mul3A_1041 : vector<16xf32>
        %swap3A_1043 = arith.index_cast %add3A_987 : i32 to index
        %swap3A_1044 = arith.constant 96 : index
        %swap3A_1045 = tpu.vector_load %arg10[%swap3A_1043, %swap3A_1044] {strides = array<i32>} : memref<128x128xf32, #tpu.memory_space<vmem>>, vector<16xf32>,
        tpu.vector_store %arg10[%swap3A_1043, %swap3A_1044], %mul3A_1042 {strides = array<i32>} : memref<128x128xf32, #tpu.memory_space<vmem>>, vector<16xf32>,
        %get3A_1046 = arith.index_cast %add3A_987 : i32 to index
        %get3A_1047 = arith.constant 112 : index
        %get3A_1048 = tpu.vector_load %arg10[%get3A_1046, %get3A_1047] {strides = array<i32>} : memref<128x128xf32, #tpu.memory_space<vmem>>, vector<16xf32>,
        %mul3A_1049 = vector.broadcast %squeeze3A_989 : f32 to vector<16xf32>
        %mul3A_1050 = arith.mulf %get3A_1048, %mul3A_1049 : vector<16xf32>
        %swap3A_1051 = arith.index_cast %add3A_987 : i32 to index
        %swap3A_1052 = arith.constant 112 : index
        %swap3A_1053 = tpu.vector_load %arg10[%swap3A_1051, %swap3A_1052] {strides = array<i32>} : memref<128x128xf32, #tpu.memory_space<vmem>>, vector<16xf32>,
        tpu.vector_store %arg10[%swap3A_1051, %swap3A_1052], %mul3A_1050 {strides = array<i32>} : memref<128x128xf32, #tpu.memory_space<vmem>>, vector<16xf32>,
        %mul3A_1054 = arith.constant 16 : i32
        %mul3A_1055 = arith.muli %scan3A_69, %mul3A_1054 : i32
        %add3A_1056 = arith.constant 14 : i32
        %add3A_1057 = arith.addi %mul3A_1055, %add3A_1056 : i32
        %slice3A_1058 = vector.extract_strided_slice %get3A_76 {offsets = [14], sizes = [1], strides = [1]} : vector<16xf32> to vector<1xf32>
        %squeeze3A_1059 = vector.extract %slice3A_1058[0] : f32 from vector<1xf32>
        %get3A_1060 = arith.index_cast %add3A_1057 : i32 to index
        %get3A_1061 = arith.constant 0 : index
        %get3A_1062 = tpu.vector_load %arg10[%get3A_1060, %get3A_1061] {strides = array<i32>} : memref<128x128xf32, #tpu.memory_space<vmem>>, vector<16xf32>,
        %mul3A_1063 = vector.broadcast %squeeze3A_1059 : f32 to vector<16xf32>
        %mul3A_1064 = arith.mulf %get3A_1062, %mul3A_1063 : vector<16xf32>
        %swap3A_1065 = arith.index_cast %add3A_1057 : i32 to index
        %swap3A_1066 = arith.constant 0 : index
        %swap3A_1067 = tpu.vector_load %arg10[%swap3A_1065, %swap3A_1066] {strides = array<i32>} : memref<128x128xf32, #tpu.memory_space<vmem>>, vector<16xf32>,
        tpu.vector_store %arg10[%swap3A_1065, %swap3A_1066], %mul3A_1064 {strides = array<i32>} : memref<128x128xf32, #tpu.memory_space<vmem>>, vector<16xf32>,
        %get3A_1068 = arith.index_cast %add3A_1057 : i32 to index
        %get3A_1069 = arith.constant 16 : index
        %get3A_1070 = tpu.vector_load %arg10[%get3A_1068, %get3A_1069] {strides = array<i32>} : memref<128x128xf32, #tpu.memory_space<vmem>>, vector<16xf32>,
        %mul3A_1071 = vector.broadcast %squeeze3A_1059 : f32 to vector<16xf32>
        %mul3A_1072 = arith.mulf %get3A_1070, %mul3A_1071 : vector<16xf32>
        %swap3A_1073 = arith.index_cast %add3A_1057 : i32 to index
        %swap3A_1074 = arith.constant 16 : index
        %swap3A_1075 = tpu.vector_load %arg10[%swap3A_1073, %swap3A_1074] {strides = array<i32>} : memref<128x128xf32, #tpu.memory_space<vmem>>, vector<16xf32>,
        tpu.vector_store %arg10[%swap3A_1073, %swap3A_1074], %mul3A_1072 {strides = array<i32>} : memref<128x128xf32, #tpu.memory_space<vmem>>, vector<16xf32>,
        %get3A_1076 = arith.index_cast %add3A_1057 : i32 to index
        %get3A_1077 = arith.constant 32 : index
        %get3A_1078 = tpu.vector_load %arg10[%get3A_1076, %get3A_1077] {strides = array<i32>} : memref<128x128xf32, #tpu.memory_space<vmem>>, vector<16xf32>,
        %mul3A_1079 = vector.broadcast %squeeze3A_1059 : f32 to vector<16xf32>
        %mul3A_1080 = arith.mulf %get3A_1078, %mul3A_1079 : vector<16xf32>
        %swap3A_1081 = arith.index_cast %add3A_1057 : i32 to index
        %swap3A_1082 = arith.constant 32 : index
        %swap3A_1083 = tpu.vector_load %arg10[%swap3A_1081, %swap3A_1082] {strides = array<i32>} : memref<128x128xf32, #tpu.memory_space<vmem>>, vector<16xf32>,
        tpu.vector_store %arg10[%swap3A_1081, %swap3A_1082], %mul3A_1080 {strides = array<i32>} : memref<128x128xf32, #tpu.memory_space<vmem>>, vector<16xf32>,
        %get3A_1084 = arith.index_cast %add3A_1057 : i32 to index
        %get3A_1085 = arith.constant 48 : index
        %get3A_1086 = tpu.vector_load %arg10[%get3A_1084, %get3A_1085] {strides = array<i32>} : memref<128x128xf32, #tpu.memory_space<vmem>>, vector<16xf32>,
        %mul3A_1087 = vector.broadcast %squeeze3A_1059 : f32 to vector<16xf32>
        %mul3A_1088 = arith.mulf %get3A_1086, %mul3A_1087 : vector<16xf32>
        %swap3A_1089 = arith.index_cast %add3A_1057 : i32 to index
        %swap3A_1090 = arith.constant 48 : index
        %swap3A_1091 = tpu.vector_load %arg10[%swap3A_1089, %swap3A_1090] {strides = array<i32>} : memref<128x128xf32, #tpu.memory_space<vmem>>, vector<16xf32>,
        tpu.vector_store %arg10[%swap3A_1089, %swap3A_1090], %mul3A_1088 {strides = array<i32>} : memref<128x128xf32, #tpu.memory_space<vmem>>, vector<16xf32>,
        %get3A_1092 = arith.index_cast %add3A_1057 : i32 to index
        %get3A_1093 = arith.constant 64 : index
        %get3A_1094 = tpu.vector_load %arg10[%get3A_1092, %get3A_1093] {strides = array<i32>} : memref<128x128xf32, #tpu.memory_space<vmem>>, vector<16xf32>,
        %mul3A_1095 = vector.broadcast %squeeze3A_1059 : f32 to vector<16xf32>
        %mul3A_1096 = arith.mulf %get3A_1094, %mul3A_1095 : vector<16xf32>
        %swap3A_1097 = arith.index_cast %add3A_1057 : i32 to index
        %swap3A_1098 = arith.constant 64 : index
        %swap3A_1099 = tpu.vector_load %arg10[%swap3A_1097, %swap3A_1098] {strides = array<i32>} : memref<128x128xf32, #tpu.memory_space<vmem>>, vector<16xf32>,
        tpu.vector_store %arg10[%swap3A_1097, %swap3A_1098], %mul3A_1096 {strides = array<i32>} : memref<128x128xf32, #tpu.memory_space<vmem>>, vector<16xf32>,
        %get3A_1100 = arith.index_cast %add3A_1057 : i32 to index
        %get3A_1101 = arith.constant 80 : index
        %get3A_1102 = tpu.vector_load %arg10[%get3A_1100, %get3A_1101] {strides = array<i32>} : memref<128x128xf32, #tpu.memory_space<vmem>>, vector<16xf32>,
        %mul3A_1103 = vector.broadcast %squeeze3A_1059 : f32 to vector<16xf32>
        %mul3A_1104 = arith.mulf %get3A_1102, %mul3A_1103 : vector<16xf32>
        %swap3A_1105 = arith.index_cast %add3A_1057 : i32 to index
        %swap3A_1106 = arith.constant 80 : index
        %swap3A_1107 = tpu.vector_load %arg10[%swap3A_1105, %swap3A_1106] {strides = array<i32>} : memref<128x128xf32, #tpu.memory_space<vmem>>, vector<16xf32>,
        tpu.vector_store %arg10[%swap3A_1105, %swap3A_1106], %mul3A_1104 {strides = array<i32>} : memref<128x128xf32, #tpu.memory_space<vmem>>, vector<16xf32>,
        %get3A_1108 = arith.index_cast %add3A_1057 : i32 to index
        %get3A_1109 = arith.constant 96 : index
        %get3A_1110 = tpu.vector_load %arg10[%get3A_1108, %get3A_1109] {strides = array<i32>} : memref<128x128xf32, #tpu.memory_space<vmem>>, vector<16xf32>,
        %mul3A_1111 = vector.broadcast %squeeze3A_1059 : f32 to vector<16xf32>
        %mul3A_1112 = arith.mulf %get3A_1110, %mul3A_1111 : vector<16xf32>
        %swap3A_1113 = arith.index_cast %add3A_1057 : i32 to index
        %swap3A_1114 = arith.constant 96 : index
        %swap3A_1115 = tpu.vector_load %arg10[%swap3A_1113, %swap3A_1114] {strides = array<i32>} : memref<128x128xf32, #tpu.memory_space<vmem>>, vector<16xf32>,
        tpu.vector_store %arg10[%swap3A_1113, %swap3A_1114], %mul3A_1112 {strides = array<i32>} : memref<128x128xf32, #tpu.memory_space<vmem>>, vector<16xf32>,
        %get3A_1116 = arith.index_cast %add3A_1057 : i32 to index
        %get3A_1117 = arith.constant 112 : index
        %get3A_1118 = tpu.vector_load %arg10[%get3A_1116, %get3A_1117] {strides = array<i32>} : memref<128x128xf32, #tpu.memory_space<vmem>>, vector<16xf32>,
        %mul3A_1119 = vector.broadcast %squeeze3A_1059 : f32 to vector<16xf32>
        %mul3A_1120 = arith.mulf %get3A_1118, %mul3A_1119 : vector<16xf32>
        %swap3A_1121 = arith.index_cast %add3A_1057 : i32 to index
        %swap3A_1122 = arith.constant 112 : index
        %swap3A_1123 = tpu.vector_load %arg10[%swap3A_1121, %swap3A_1122] {strides = array<i32>} : memref<128x128xf32, #tpu.memory_space<vmem>>, vector<16xf32>,
        tpu.vector_store %arg10[%swap3A_1121, %swap3A_1122], %mul3A_1120 {strides = array<i32>} : memref<128x128xf32, #tpu.memory_space<vmem>>, vector<16xf32>,
        %mul3A_1124 = arith.constant 16 : i32
        %mul3A_1125 = arith.muli %scan3A_69, %mul3A_1124 : i32
        %add3A_1126 = arith.constant 15 : i32
        %add3A_1127 = arith.addi %mul3A_1125, %add3A_1126 : i32
        %slice3A_1128 = vector.extract_strided_slice %get3A_76 {offsets = [15], sizes = [1], strides = [1]} : vector<16xf32> to vector<1xf32>
        %squeeze3A_1129 = vector.extract %slice3A_1128[0] : f32 from vector<1xf32>
        %get3A_1130 = arith.index_cast %add3A_1127 : i32 to index
        %get3A_1131 = arith.constant 0 : index
        %get3A_1132 = tpu.vector_load %arg10[%get3A_1130, %get3A_1131] {strides = array<i32>} : memref<128x128xf32, #tpu.memory_space<vmem>>, vector<16xf32>,
        %mul3A_1133 = vector.broadcast %squeeze3A_1129 : f32 to vector<16xf32>
        %mul3A_1134 = arith.mulf %get3A_1132, %mul3A_1133 : vector<16xf32>
        %swap3A_1135 = arith.index_cast %add3A_1127 : i32 to index
        %swap3A_1136 = arith.constant 0 : index
        %swap3A_1137 = tpu.vector_load %arg10[%swap3A_1135, %swap3A_1136] {strides = array<i32>} : memref<128x128xf32, #tpu.memory_space<vmem>>, vector<16xf32>,
        tpu.vector_store %arg10[%swap3A_1135, %swap3A_1136], %mul3A_1134 {strides = array<i32>} : memref<128x128xf32, #tpu.memory_space<vmem>>, vector<16xf32>,
        %get3A_1138 = arith.index_cast %add3A_1127 : i32 to index
        %get3A_1139 = arith.constant 16 : index
        %get3A_1140 = tpu.vector_load %arg10[%get3A_1138, %get3A_1139] {strides = array<i32>} : memref<128x128xf32, #tpu.memory_space<vmem>>, vector<16xf32>,
        %mul3A_1141 = vector.broadcast %squeeze3A_1129 : f32 to vector<16xf32>
        %mul3A_1142 = arith.mulf %get3A_1140, %mul3A_1141 : vector<16xf32>
        %swap3A_1143 = arith.index_cast %add3A_1127 : i32 to index
        %swap3A_1144 = arith.constant 16 : index
        %swap3A_1145 = tpu.vector_load %arg10[%swap3A_1143, %swap3A_1144] {strides = array<i32>} : memref<128x128xf32, #tpu.memory_space<vmem>>, vector<16xf32>,
        tpu.vector_store %arg10[%swap3A_1143, %swap3A_1144], %mul3A_1142 {strides = array<i32>} : memref<128x128xf32, #tpu.memory_space<vmem>>, vector<16xf32>,
        %get3A_1146 = arith.index_cast %add3A_1127 : i32 to index
        %get3A_1147 = arith.constant 32 : index
        %get3A_1148 = tpu.vector_load %arg10[%get3A_1146, %get3A_1147] {strides = array<i32>} : memref<128x128xf32, #tpu.memory_space<vmem>>, vector<16xf32>,
        %mul3A_1149 = vector.broadcast %squeeze3A_1129 : f32 to vector<16xf32>
        %mul3A_1150 = arith.mulf %get3A_1148, %mul3A_1149 : vector<16xf32>
        %swap3A_1151 = arith.index_cast %add3A_1127 : i32 to index
        %swap3A_1152 = arith.constant 32 : index
        %swap3A_1153 = tpu.vector_load %arg10[%swap3A_1151, %swap3A_1152] {strides = array<i32>} : memref<128x128xf32, #tpu.memory_space<vmem>>, vector<16xf32>,
        tpu.vector_store %arg10[%swap3A_1151, %swap3A_1152], %mul3A_1150 {strides = array<i32>} : memref<128x128xf32, #tpu.memory_space<vmem>>, vector<16xf32>,
        %get3A_1154 = arith.index_cast %add3A_1127 : i32 to index
        %get3A_1155 = arith.constant 48 : index
        %get3A_1156 = tpu.vector_load %arg10[%get3A_1154, %get3A_1155] {strides = array<i32>} : memref<128x128xf32, #tpu.memory_space<vmem>>, vector<16xf32>,
        %mul3A_1157 = vector.broadcast %squeeze3A_1129 : f32 to vector<16xf32>
        %mul3A_1158 = arith.mulf %get3A_1156, %mul3A_1157 : vector<16xf32>
        %swap3A_1159 = arith.index_cast %add3A_1127 : i32 to index
        %swap3A_1160 = arith.constant 48 : index
        %swap3A_1161 = tpu.vector_load %arg10[%swap3A_1159, %swap3A_1160] {strides = array<i32>} : memref<128x128xf32, #tpu.memory_space<vmem>>, vector<16xf32>,
        tpu.vector_store %arg10[%swap3A_1159, %swap3A_1160], %mul3A_1158 {strides = array<i32>} : memref<128x128xf32, #tpu.memory_space<vmem>>, vector<16xf32>,
        %get3A_1162 = arith.index_cast %add3A_1127 : i32 to index
        %get3A_1163 = arith.constant 64 : index
        %get3A_1164 = tpu.vector_load %arg10[%get3A_1162, %get3A_1163] {strides = array<i32>} : memref<128x128xf32, #tpu.memory_space<vmem>>, vector<16xf32>,
        %mul3A_1165 = vector.broadcast %squeeze3A_1129 : f32 to vector<16xf32>
        %mul3A_1166 = arith.mulf %get3A_1164, %mul3A_1165 : vector<16xf32>
        %swap3A_1167 = arith.index_cast %add3A_1127 : i32 to index
        %swap3A_1168 = arith.constant 64 : index
        %swap3A_1169 = tpu.vector_load %arg10[%swap3A_1167, %swap3A_1168] {strides = array<i32>} : memref<128x128xf32, #tpu.memory_space<vmem>>, vector<16xf32>,
        tpu.vector_store %arg10[%swap3A_1167, %swap3A_1168], %mul3A_1166 {strides = array<i32>} : memref<128x128xf32, #tpu.memory_space<vmem>>, vector<16xf32>,
        %get3A_1170 = arith.index_cast %add3A_1127 : i32 to index
        %get3A_1171 = arith.constant 80 : index
        %get3A_1172 = tpu.vector_load %arg10[%get3A_1170, %get3A_1171] {strides = array<i32>} : memref<128x128xf32, #tpu.memory_space<vmem>>, vector<16xf32>,
        %mul3A_1173 = vector.broadcast %squeeze3A_1129 : f32 to vector<16xf32>
        %mul3A_1174 = arith.mulf %get3A_1172, %mul3A_1173 : vector<16xf32>
        %swap3A_1175 = arith.index_cast %add3A_1127 : i32 to index
        %swap3A_1176 = arith.constant 80 : index
        %swap3A_1177 = tpu.vector_load %arg10[%swap3A_1175, %swap3A_1176] {strides = array<i32>} : memref<128x128xf32, #tpu.memory_space<vmem>>, vector<16xf32>,
        tpu.vector_store %arg10[%swap3A_1175, %swap3A_1176], %mul3A_1174 {strides = array<i32>} : memref<128x128xf32, #tpu.memory_space<vmem>>, vector<16xf32>,
        %get3A_1178 = arith.index_cast %add3A_1127 : i32 to index
        %get3A_1179 = arith.constant 96 : index
        %get3A_1180 = tpu.vector_load %arg10[%get3A_1178, %get3A_1179] {strides = array<i32>} : memref<128x128xf32, #tpu.memory_space<vmem>>, vector<16xf32>,
        %mul3A_1181 = vector.broadcast %squeeze3A_1129 : f32 to vector<16xf32>
        %mul3A_1182 = arith.mulf %get3A_1180, %mul3A_1181 : vector<16xf32>
        %swap3A_1183 = arith.index_cast %add3A_1127 : i32 to index
        %swap3A_1184 = arith.constant 96 : index
        %swap3A_1185 = tpu.vector_load %arg10[%swap3A_1183, %swap3A_1184] {strides = array<i32>} : memref<128x128xf32, #tpu.memory_space<vmem>>, vector<16xf32>,
        tpu.vector_store %arg10[%swap3A_1183, %swap3A_1184], %mul3A_1182 {strides = array<i32>} : memref<128x128xf32, #tpu.memory_space<vmem>>, vector<16xf32>,
        %get3A_1186 = arith.index_cast %add3A_1127 : i32 to index
        %get3A_1187 = arith.constant 112 : index
        %get3A_1188 = tpu.vector_load %arg10[%get3A_1186, %get3A_1187] {strides = array<i32>} : memref<128x128xf32, #tpu.memory_space<vmem>>, vector<16xf32>,
        %mul3A_1189 = vector.broadcast %squeeze3A_1129 : f32 to vector<16xf32>
        %mul3A_1190 = arith.mulf %get3A_1188, %mul3A_1189 : vector<16xf32>
        %swap3A_1191 = arith.index_cast %add3A_1127 : i32 to index
        %swap3A_1192 = arith.constant 112 : index
        %swap3A_1193 = tpu.vector_load %arg10[%swap3A_1191, %swap3A_1192] {strides = array<i32>} : memref<128x128xf32, #tpu.memory_space<vmem>>, vector<16xf32>,
        tpu.vector_store %arg10[%swap3A_1191, %swap3A_1192], %mul3A_1190 {strides = array<i32>} : memref<128x128xf32, #tpu.memory_space<vmem>>, vector<16xf32>,
        %scan3A_1194 = arith.constant 0 : i32
        scf.yield %scan3A_1194 : i32
      }
      %scan3A_59 = arith.constant 8 : i32
      %mul3A_60 = arith.constant 10240 : i32
      %mul3A_61 = arith.muli %arg0, %mul3A_60 : i32
      %mul3A_62 = arith.constant 640 : i32
      %mul3A_63 = arith.muli %arg1, %mul3A_62 : i32
      %add3A_64 = arith.addi %mul3A_61, %mul3A_63 : i32
      %mul3A_65 = arith.constant 128 : i32
      %mul3A_66 = arith.muli %scan3A_46, %mul3A_65 : i32
      %add3A_67 = arith.addi %add3A_64, %mul3A_66 : i32
      "tpu.region"() ({
        %run_scoped3A = tpu.sem_alloc : memref<!tpu.dma_semaphore, #tpu.memory_space<semaphore_mem>>
        %dma_start3A = arith.constant 0 : i32
        %dma_start3A_69 = tpu.memref_slice %arg6[%add3A_67, %dma_start3A] : memref<20480x128xf32, #tpu.memory_space<hbm>> -> memref<128x128xf32, #tpu.memory_space<hbm>>
        %dma_start3A_70 = arith.constant 0 : i32
        %dma_start3A_71 = tpu.memref_slice %arg6[%add3A_67, %dma_start3A_70] : memref<20480x128xf32, #tpu.memory_space<hbm>> -> memref<128x128xf32, #tpu.memory_space<hbm>>
        tpu.enqueue_dma source(%arg10 : memref<128x128xf32, #tpu.memory_space<vmem>>) target(%dma_start3A_71 : memref<128x128xf32, #tpu.memory_space<hbm>>) target_semaphore(%run_scoped3A : memref<!tpu.dma_semaphore, #tpu.memory_space<semaphore_mem>>)
        %dma_wait3A = arith.constant 0 : i32
        %dma_wait3A_72 = tpu.memref_slice %arg6[%add3A_67, %dma_wait3A] : memref<20480x128xf32, #tpu.memory_space<hbm>> -> memref<128x128xf32, #tpu.memory_space<hbm>>
        %dma_wait3A_73 = arith.constant 0 : i32
        %dma_wait3A_74 = tpu.memref_slice %arg6[%add3A_67, %dma_wait3A_73] : memref<20480x128xf32, #tpu.memory_space<hbm>> -> memref<128x128xf32, #tpu.memory_space<hbm>>
        tpu.wait_dma2 semaphore(%run_scoped3A : memref<!tpu.dma_semaphore, #tpu.memory_space<semaphore_mem>>) src(%arg10 : memref<128x128xf32, #tpu.memory_space<vmem>>) dst(%dma_wait3A_74 : memref<128x128xf32, #tpu.memory_space<hbm>>)
        tpu.yield
      }) : () -> ()
      %scan3A_68 = arith.constant 0 : i32
      scf.yield %scan3A_68 : i32
    }
    %scan3A_15 = arith.constant 5 : i32
    %broadcast_in_dim3A = arith.constant 0.000000e+00 : f32
    %broadcast_in_dim3A_16 = vector.broadcast %broadcast_in_dim3A : f32 to vector<16xf32>
    %scan3A_17 = arith.constant 0 : i32
    %scan3A_18 = arith.constant 0 : i32
    %scan3A_19 = arith.constant 1024 : i32
    %scan3A_20 = arith.addi %scan3A_18, %scan3A_19 : i32
    %scan3A_21 = arith.constant 1 : i32
    %scan3A_22 = scf.for %scan3A_46 = %scan3A_18 to %scan3A_20 step %scan3A_21 iter_args(%scan3A_47 = %scan3A_17) -> (i32)  : i32 {
      %jit3A = arith.constant 8 : i32
      %div3A = arith.divsi %scan3A_46, %jit3A : i32
      %sign3A = arith.constant 0 : i32
      %sign3A_48 = arith.cmpi sgt, %scan3A_46, %sign3A : i32
      %sign3A_49 = arith.extui %sign3A_48 : i1 to i32
      %sign3A_50 = arith.constant 0 : i32
      %sign3A_51 = arith.cmpi slt, %scan3A_46, %sign3A_50 : i32
      %sign3A_52 = arith.extui %sign3A_51 : i1 to i32
      %sign3A_53 = arith.subi %sign3A_49, %sign3A_52 : i32
      %sign3A_54 = arith.constant 0 : i32
      %sign3A_55 = arith.cmpi sgt, %jit3A, %sign3A_54 : i32
      %sign3A_56 = arith.extui %sign3A_55 : i1 to i32
      %sign3A_57 = arith.constant 0 : i32
      %sign3A_58 = arith.cmpi slt, %jit3A, %sign3A_57 : i32
      %sign3A_59 = arith.extui %sign3A_58 : i1 to i32
      %sign3A_60 = arith.subi %sign3A_56, %sign3A_59 : i32
      %ne3A = arith.cmpi ne, %sign3A_53, %sign3A_60 : i32
      %rem3A = arith.remsi %scan3A_46, %jit3A : i32
      %ne3A_61 = arith.constant 0 : i32
      %ne3A_62 = arith.cmpi ne, %rem3A, %ne3A_61 : i32
      %and3A = arith.andi %ne3A, %ne3A_62 : i1
      %sub3A = arith.constant 1 : i32
      %sub3A_63 = arith.subi %div3A, %sub3A : i32
      %select_n3A = arith.select %and3A, %sub3A_63, %div3A : i32
      %jit3A_64 = arith.constant 8 : i32
      %eq3A = arith.constant 0 : i32
      %eq3A_65 = arith.cmpi eq, %jit3A_64, %eq3A : i32
      %jit3A_66 = arith.constant 1 : i32
      %select_n3A_67 = arith.select %eq3A_65, %jit3A_66, %jit3A_64 : i32
      %rem3A_68 = arith.remsi %scan3A_46, %select_n3A_67 : i32
      %ne3A_69 = arith.constant 0 : i32
      %ne3A_70 = arith.cmpi ne, %rem3A_68, %ne3A_69 : i32
      %lt3A = arith.constant 0 : i32
      %lt3A_71 = arith.cmpi slt, %rem3A_68, %lt3A : i32
      %lt3A_72 = arith.constant 0 : i32
      %lt3A_73 = arith.cmpi slt, %select_n3A_67, %lt3A_72 : i32
      %ne3A_74 = arith.xori %lt3A_71, %lt3A_73 : i1
      %and3A_75 = arith.andi %ne3A_74, %ne3A_70 : i1
      %add3A_76 = arith.addi %rem3A_68, %select_n3A_67 : i32
      %select_n3A_77 = arith.select %and3A_75, %add3A_76, %rem3A_68 : i32
      %mul3A_78 = arith.constant 16 : i32
      %mul3A_79 = arith.muli %select_n3A_77, %mul3A_78 : i32
      %swap3A = arith.index_cast %select_n3A : i32 to index
      %swap3A_80 = arith.index_cast %mul3A_79 : i32 to index
      %swap3A_81 = tpu.vector_load %arg10[%swap3A, %swap3A_80] {strides = array<i32>} : memref<128x128xf32, #tpu.memory_space<vmem>>, vector<16xf32>,
      tpu.vector_store %arg10[%swap3A, %swap3A_80], %broadcast_in_dim3A_16 {strides = array<i32>} : memref<128x128xf32, #tpu.memory_space<vmem>>, vector<16xf32>,
      %scan3A_82 = arith.constant 0 : i32
      scf.yield %scan3A_82 : i32
    }
    %scan3A_23 = arith.constant 1024 : i32
    %scan3A_24 = arith.constant 0 : i32
    %scan3A_25 = arith.constant 0 : i32
    %scan3A_26 = arith.constant 5 : i32
    %scan3A_27 = arith.addi %scan3A_25, %scan3A_26 : i32
    %scan3A_28 = arith.constant 1 : i32
    %scan3A_29 = scf.for %scan3A_46 = %scan3A_25 to %scan3A_27 step %scan3A_28 iter_args(%scan3A_47 = %scan3A_24) -> (i32)  : i32 {
      %mul3A_48 = arith.constant 640 : i32
      %mul3A_49 = arith.muli %arg1, %mul3A_48 : i32
      %mul3A_50 = arith.constant 128 : i32
      %mul3A_51 = arith.muli %scan3A_46, %mul3A_50 : i32
      %add3A_52 = arith.addi %mul3A_49, %mul3A_51 : i32
      "tpu.region"() ({
        %run_scoped3A = tpu.sem_alloc : memref<!tpu.dma_semaphore, #tpu.memory_space<semaphore_mem>>
        %dma_start3A = arith.constant 0 : i32
        %dma_start3A_54 = tpu.memref_slice %arg13[%add3A_52, %dma_start3A] : memref<10240x128xf32, #tpu.memory_space<vmem_shared>> -> memref<128x128xf32, #tpu.memory_space<vmem_shared>>
        %dma_start3A_55 = arith.constant 0 : i32
        %dma_start3A_56 = tpu.memref_slice %arg13[%add3A_52, %dma_start3A_55] : memref<10240x128xf32, #tpu.memory_space<vmem_shared>> -> memref<128x128xf32, #tpu.memory_space<vmem_shared>>
        tpu.enqueue_dma source(%arg10 : memref<128x128xf32, #tpu.memory_space<vmem>>) target(%dma_start3A_56 : memref<128x128xf32, #tpu.memory_space<vmem_shared>>) target_semaphore(%run_scoped3A : memref<!tpu.dma_semaphore, #tpu.memory_space<semaphore_mem>>)
        %dma_wait3A = arith.constant 0 : i32
        %dma_wait3A_57 = tpu.memref_slice %arg13[%add3A_52, %dma_wait3A] : memref<10240x128xf32, #tpu.memory_space<vmem_shared>> -> memref<128x128xf32, #tpu.memory_space<vmem_shared>>
        %dma_wait3A_58 = arith.constant 0 : i32
        %dma_wait3A_59 = tpu.memref_slice %arg13[%add3A_52, %dma_wait3A_58] : memref<10240x128xf32, #tpu.memory_space<vmem_shared>> -> memref<128x128xf32, #tpu.memory_space<vmem_shared>>
        tpu.wait_dma2 semaphore(%run_scoped3A : memref<!tpu.dma_semaphore, #tpu.memory_space<semaphore_mem>>) src(%arg10 : memref<128x128xf32, #tpu.memory_space<vmem>>) dst(%dma_wait3A_59 : memref<128x128xf32, #tpu.memory_space<vmem_shared>>)
        tpu.yield
      }) : () -> ()
      %scan3A_53 = arith.constant 0 : i32
      scf.yield %scan3A_53 : i32
    }
    %scan3A_30 = arith.constant 5 : i32
    %barrier3A = arith.constant 0 : index
    tpu.barrier barrier_id(%barrier3A)
    %scan3A_31 = arith.constant 0 : i32
    %scan3A_32 = arith.constant 0 : i32
    %scan3A_33 = arith.constant 2 : i32
    %scan3A_34 = arith.addi %scan3A_32, %scan3A_33 : i32
    %scan3A_35 = arith.constant 1 : i32
    %scan3A_36 = scf.for %scan3A_46 = %scan3A_32 to %scan3A_34 step %scan3A_35 iter_args(%scan3A_47 = %scan3A_31) -> (i32)  : i32 {
      %mul3A_48 = arith.constant 40 : i32
      %mul3A_49 = arith.muli %scan3A_46, %mul3A_48 : i32
      %add3A_50 = arith.addi %add3A, %mul3A_49 : i32
      "tpu.region"() ({
        %run_scoped3A = tpu.sem_alloc : memref<!tpu.dma_semaphore, #tpu.memory_space<semaphore_mem>>
        %dma_start3A_68 = arith.constant 0 : i32
        %dma_start3A_69 = tpu.memref_slice %arg4[%add3A_50, %dma_start3A_68] : memref<2560x128xi32, #tpu.memory_space<hbm>> -> memref<40x128xi32, #tpu.memory_space<hbm>>
        %dma_start3A_70 = arith.constant 0 : i32
        %dma_start3A_71 = tpu.memref_slice %arg4[%add3A_50, %dma_start3A_70] : memref<2560x128xi32, #tpu.memory_space<hbm>> -> memref<40x128xi32, #tpu.memory_space<hbm>>
        tpu.enqueue_dma source(%dma_start3A_71 : memref<40x128xi32, #tpu.memory_space<hbm>>) target(%arg8 : memref<40x128xi32, #tpu.memory_space<vmem>>) target_semaphore(%run_scoped3A : memref<!tpu.dma_semaphore, #tpu.memory_space<semaphore_mem>>)
        %dma_wait3A = arith.constant 0 : i32
        %dma_wait3A_72 = tpu.memref_slice %arg4[%add3A_50, %dma_wait3A] : memref<2560x128xi32, #tpu.memory_space<hbm>> -> memref<40x128xi32, #tpu.memory_space<hbm>>
        %dma_wait3A_73 = arith.constant 0 : i32
        %dma_wait3A_74 = tpu.memref_slice %arg4[%add3A_50, %dma_wait3A_73] : memref<2560x128xi32, #tpu.memory_space<hbm>> -> memref<40x128xi32, #tpu.memory_space<hbm>>
        tpu.wait_dma2 semaphore(%run_scoped3A : memref<!tpu.dma_semaphore, #tpu.memory_space<semaphore_mem>>) src(%dma_wait3A_74 : memref<40x128xi32, #tpu.memory_space<hbm>>) dst(%arg8 : memref<40x128xi32, #tpu.memory_space<vmem>>)
        tpu.yield
      }) : () -> ()
      %mul3A_51 = arith.constant 40 : i32
      %mul3A_52 = arith.muli %scan3A_46, %mul3A_51 : i32
      %add3A_53 = arith.addi %add3A, %mul3A_52 : i32
      "tpu.region"() ({
        %run_scoped3A = tpu.sem_alloc : memref<!tpu.dma_semaphore, #tpu.memory_space<semaphore_mem>>
        %dma_start3A_68 = arith.constant 0 : i32
        %dma_start3A_69 = tpu.memref_slice %arg5[%add3A_53, %dma_start3A_68] : memref<2560x128xi32, #tpu.memory_space<hbm>> -> memref<40x128xi32, #tpu.memory_space<hbm>>
        %dma_start3A_70 = arith.constant 0 : i32
        %dma_start3A_71 = tpu.memref_slice %arg5[%add3A_53, %dma_start3A_70] : memref<2560x128xi32, #tpu.memory_space<hbm>> -> memref<40x128xi32, #tpu.memory_space<hbm>>
        tpu.enqueue_dma source(%dma_start3A_71 : memref<40x128xi32, #tpu.memory_space<hbm>>) target(%arg9 : memref<40x128xi32, #tpu.memory_space<vmem>>) target_semaphore(%run_scoped3A : memref<!tpu.dma_semaphore, #tpu.memory_space<semaphore_mem>>)
        %dma_wait3A = arith.constant 0 : i32
        %dma_wait3A_72 = tpu.memref_slice %arg5[%add3A_53, %dma_wait3A] : memref<2560x128xi32, #tpu.memory_space<hbm>> -> memref<40x128xi32, #tpu.memory_space<hbm>>
        %dma_wait3A_73 = arith.constant 0 : i32
        %dma_wait3A_74 = tpu.memref_slice %arg5[%add3A_53, %dma_wait3A_73] : memref<2560x128xi32, #tpu.memory_space<hbm>> -> memref<40x128xi32, #tpu.memory_space<hbm>>
        tpu.wait_dma2 semaphore(%run_scoped3A : memref<!tpu.dma_semaphore, #tpu.memory_space<semaphore_mem>>) src(%dma_wait3A_74 : memref<40x128xi32, #tpu.memory_space<hbm>>) dst(%arg9 : memref<40x128xi32, #tpu.memory_space<vmem>>)
        tpu.yield
      }) : () -> ()
      %dma_start3A = arith.constant 0 : i32
      %dma_start3A_54 = arith.constant 0 : i32
      %dma_start3A_55 = tpu.memref_slice %arg8[%dma_start3A, %dma_start3A_54] : memref<40x128xi32, #tpu.memory_space<vmem>> -> memref<1x128xi32, #tpu.memory_space<vmem>>
      %dma_start3A_56 = tpu.memref_squeeze %dma_start3A_55 : memref<1x128xi32, #tpu.memory_space<vmem>> -> memref<128xi32, #tpu.memory_space<vmem>>
      %dma_start3A_57 = arith.constant 0 : i32
      %dma_start3A_58 = arith.constant 0 : i32
      %dma_start3A_59 = tpu.memref_slice %arg6[%dma_start3A_57, %dma_start3A_58] : memref<20480x128xf32, #tpu.memory_space<hbm>> -> memref<20480x128xf32, #tpu.memory_space<hbm>>
      tpu.enqueue_indirect_dma source(%dma_start3A_59 : memref<20480x128xf32, #tpu.memory_space<hbm>>) target(%arg10 : memref<128x128xf32, #tpu.memory_space<vmem>>) offsets(%dma_start3A_56 : memref<128xi32, #tpu.memory_space<vmem>>) semaphore(%arg14 : memref<!tpu.dma_semaphore, #tpu.memory_space<semaphore_mem>>)
      %scan3A_60 = arith.constant 0 : i32
      %scan3A_61 = arith.constant 0 : i32
      %scan3A_62 = arith.constant 20 : i32
      %scan3A_63 = arith.addi %scan3A_61, %scan3A_62 : i32
      %scan3A_64 = arith.constant 1 : i32
      %scan3A_65 = scf.for %scan3A_68 = %scan3A_61 to %scan3A_63 step %scan3A_64 iter_args(%scan3A_69 = %scan3A_60) -> (i32)  : i32 {
        %mul3A_70 = arith.constant 2 : i32
        %mul3A_71 = arith.muli %mul3A_70, %scan3A_68 : i32
        %add3A_72 = arith.constant 1 : i32
        %add3A_73 = arith.addi %mul3A_71, %add3A_72 : i32
        %dma_start3A_74 = arith.constant 0 : i32
        %dma_start3A_75 = tpu.memref_slice %arg8[%add3A_73, %dma_start3A_74] : memref<40x128xi32, #tpu.memory_space<vmem>> -> memref<1x128xi32, #tpu.memory_space<vmem>>
        %dma_start3A_76 = tpu.memref_squeeze %dma_start3A_75 : memref<1x128xi32, #tpu.memory_space<vmem>> -> memref<128xi32, #tpu.memory_space<vmem>>
        %dma_start3A_77 = arith.constant 0 : i32
        %dma_start3A_78 = arith.constant 0 : i32
        %dma_start3A_79 = tpu.memref_slice %arg6[%dma_start3A_77, %dma_start3A_78] : memref<20480x128xf32, #tpu.memory_space<hbm>> -> memref<20480x128xf32, #tpu.memory_space<hbm>>
        tpu.enqueue_indirect_dma source(%dma_start3A_79 : memref<20480x128xf32, #tpu.memory_space<hbm>>) target(%arg11 : memref<128x128xf32, #tpu.memory_space<vmem>>) offsets(%dma_start3A_76 : memref<128xi32, #tpu.memory_space<vmem>>) semaphore(%arg15 : memref<!tpu.dma_semaphore, #tpu.memory_space<semaphore_mem>>)
        %dma_wait3A = arith.constant 0 : i32
        %dma_wait3A_80 = tpu.memref_slice %arg8[%mul3A_71, %dma_wait3A] : memref<40x128xi32, #tpu.memory_space<vmem>> -> memref<1x128xi32, #tpu.memory_space<vmem>>
        %dma_wait3A_81 = tpu.memref_squeeze %dma_wait3A_80 : memref<1x128xi32, #tpu.memory_space<vmem>> -> memref<128xi32, #tpu.memory_space<vmem>>
        %dma_wait3A_82 = arith.constant 0 : i32
        %dma_wait3A_83 = arith.constant 0 : i32
        %dma_wait3A_84 = tpu.memref_slice %arg6[%dma_wait3A_82, %dma_wait3A_83] : memref<20480x128xf32, #tpu.memory_space<hbm>> -> memref<20480x128xf32, #tpu.memory_space<hbm>>
        tpu.wait_indirect_dma semaphore(%arg14 : memref<!tpu.dma_semaphore, #tpu.memory_space<semaphore_mem>>) src(%dma_wait3A_84 : memref<20480x128xf32, #tpu.memory_space<hbm>>) dst(%arg10 : memref<128x128xf32, #tpu.memory_space<vmem>>)
        "tpu.region"() ({
          %run_scoped3A = tpu.sem_alloc : memref<!tpu.dma_semaphore, #tpu.memory_space<semaphore_mem>>
          %dma_start3A_98 = arith.constant 0 : i32
          %dma_start3A_99 = tpu.memref_slice %arg9[%mul3A_71, %dma_start3A_98] : memref<40x128xi32, #tpu.memory_space<vmem>> -> memref<1x128xi32, #tpu.memory_space<vmem>>
          %dma_start3A_100 = tpu.memref_squeeze %dma_start3A_99 : memref<1x128xi32, #tpu.memory_space<vmem>> -> memref<128xi32, #tpu.memory_space<vmem>>
          %dma_start3A_101 = arith.constant 0 : i32
          %dma_start3A_102 = arith.constant 0 : i32
          %dma_start3A_103 = tpu.memref_slice %arg13[%dma_start3A_101, %dma_start3A_102] : memref<10240x128xf32, #tpu.memory_space<vmem_shared>> -> memref<10240x128xf32, #tpu.memory_space<vmem_shared>>
          tpu.enqueue_indirect_dma source(%arg10 : memref<128x128xf32, #tpu.memory_space<vmem>>) target(%dma_start3A_103 : memref<10240x128xf32, #tpu.memory_space<vmem_shared>>) offsets(%dma_start3A_100 : memref<128xi32, #tpu.memory_space<vmem>>) semaphore(%run_scoped3A : memref<!tpu.dma_semaphore, #tpu.memory_space<semaphore_mem>>) {add = true}
          %dma_wait3A_104 = arith.constant 0 : i32
          %dma_wait3A_105 = tpu.memref_slice %arg9[%mul3A_71, %dma_wait3A_104] : memref<40x128xi32, #tpu.memory_space<vmem>> -> memref<1x128xi32, #tpu.memory_space<vmem>>
          %dma_wait3A_106 = tpu.memref_squeeze %dma_wait3A_105 : memref<1x128xi32, #tpu.memory_space<vmem>> -> memref<128xi32, #tpu.memory_space<vmem>>
          %dma_wait3A_107 = arith.constant 0 : i32
          %dma_wait3A_108 = arith.constant 0 : i32
          %dma_wait3A_109 = tpu.memref_slice %arg13[%dma_wait3A_107, %dma_wait3A_108] : memref<10240x128xf32, #tpu.memory_space<vmem_shared>> -> memref<10240x128xf32, #tpu.memory_space<vmem_shared>>
          tpu.wait_indirect_dma semaphore(%run_scoped3A : memref<!tpu.dma_semaphore, #tpu.memory_space<semaphore_mem>>) src(%arg10 : memref<128x128xf32, #tpu.memory_space<vmem>>) dst(%dma_wait3A_109 : memref<10240x128xf32, #tpu.memory_space<vmem_shared>>)
          tpu.yield
        }) : () -> ()
        %lt3A = arith.constant 19 : i32
        %lt3A_85 = arith.cmpi slt, %scan3A_68, %lt3A : i32
        %convert_element_type3A = arith.extui %lt3A_85 : i1 to i32
        %cond3A = arith.constant 0 : i32
        %cond3A_86 = arith.cmpi ne, %convert_element_type3A, %cond3A : i32
        scf.if %cond3A_86 {
          %add3A_98 = arith.constant 2 : i32
          %add3A_99 = arith.addi %mul3A_71, %add3A_98 : i32
          %dma_start3A_100 = arith.constant 0 : i32
          %dma_start3A_101 = tpu.memref_slice %arg8[%add3A_99, %dma_start3A_100] : memref<40x128xi32, #tpu.memory_space<vmem>> -> memref<1x128xi32, #tpu.memory_space<vmem>>
          %dma_start3A_102 = tpu.memref_squeeze %dma_start3A_101 : memref<1x128xi32, #tpu.memory_space<vmem>> -> memref<128xi32, #tpu.memory_space<vmem>>
          %dma_start3A_103 = arith.constant 0 : i32
          %dma_start3A_104 = arith.constant 0 : i32
          %dma_start3A_105 = tpu.memref_slice %arg6[%dma_start3A_103, %dma_start3A_104] : memref<20480x128xf32, #tpu.memory_space<hbm>> -> memref<20480x128xf32, #tpu.memory_space<hbm>>
          tpu.enqueue_indirect_dma source(%dma_start3A_105 : memref<20480x128xf32, #tpu.memory_space<hbm>>) target(%arg10 : memref<128x128xf32, #tpu.memory_space<vmem>>) offsets(%dma_start3A_102 : memref<128xi32, #tpu.memory_space<vmem>>) semaphore(%arg14 : memref<!tpu.dma_semaphore, #tpu.memory_space<semaphore_mem>>)
        } else {
        }
        %add3A_87 = arith.constant 1 : i32
        %add3A_88 = arith.addi %mul3A_71, %add3A_87 : i32
        %dma_wait3A_89 = arith.constant 0 : i32
        %dma_wait3A_90 = tpu.memref_slice %arg8[%add3A_88, %dma_wait3A_89] : memref<40x128xi32, #tpu.memory_space<vmem>> -> memref<1x128xi32, #tpu.memory_space<vmem>>
        %dma_wait3A_91 = tpu.memref_squeeze %dma_wait3A_90 : memref<1x128xi32, #tpu.memory_space<vmem>> -> memref<128xi32, #tpu.memory_space<vmem>>
        %dma_wait3A_92 = arith.constant 0 : i32
        %dma_wait3A_93 = arith.constant 0 : i32
        %dma_wait3A_94 = tpu.memref_slice %arg6[%dma_wait3A_92, %dma_wait3A_93] : memref<20480x128xf32, #tpu.memory_space<hbm>> -> memref<20480x128xf32, #tpu.memory_space<hbm>>
        tpu.wait_indirect_dma semaphore(%arg15 : memref<!tpu.dma_semaphore, #tpu.memory_space<semaphore_mem>>) src(%dma_wait3A_94 : memref<20480x128xf32, #tpu.memory_space<hbm>>) dst(%arg11 : memref<128x128xf32, #tpu.memory_space<vmem>>)
        %add3A_95 = arith.constant 1 : i32
        %add3A_96 = arith.addi %mul3A_71, %add3A_95 : i32
        "tpu.region"() ({
          %run_scoped3A = tpu.sem_alloc : memref<!tpu.dma_semaphore, #tpu.memory_space<semaphore_mem>>
          %dma_start3A_98 = arith.constant 0 : i32
          %dma_start3A_99 = tpu.memref_slice %arg9[%add3A_96, %dma_start3A_98] : memref<40x128xi32, #tpu.memory_space<vmem>> -> memref<1x128xi32, #tpu.memory_space<vmem>>
          %dma_start3A_100 = tpu.memref_squeeze %dma_start3A_99 : memref<1x128xi32, #tpu.memory_space<vmem>> -> memref<128xi32, #tpu.memory_space<vmem>>
          %dma_start3A_101 = arith.constant 0 : i32
          %dma_start3A_102 = arith.constant 0 : i32
          %dma_start3A_103 = tpu.memref_slice %arg13[%dma_start3A_101, %dma_start3A_102] : memref<10240x128xf32, #tpu.memory_space<vmem_shared>> -> memref<10240x128xf32, #tpu.memory_space<vmem_shared>>
          tpu.enqueue_indirect_dma source(%arg11 : memref<128x128xf32, #tpu.memory_space<vmem>>) target(%dma_start3A_103 : memref<10240x128xf32, #tpu.memory_space<vmem_shared>>) offsets(%dma_start3A_100 : memref<128xi32, #tpu.memory_space<vmem>>) semaphore(%run_scoped3A : memref<!tpu.dma_semaphore, #tpu.memory_space<semaphore_mem>>) {add = true}
          %dma_wait3A_104 = arith.constant 0 : i32
          %dma_wait3A_105 = tpu.memref_slice %arg9[%add3A_96, %dma_wait3A_104] : memref<40x128xi32, #tpu.memory_space<vmem>> -> memref<1x128xi32, #tpu.memory_space<vmem>>
          %dma_wait3A_106 = tpu.memref_squeeze %dma_wait3A_105 : memref<1x128xi32, #tpu.memory_space<vmem>> -> memref<128xi32, #tpu.memory_space<vmem>>
          %dma_wait3A_107 = arith.constant 0 : i32
          %dma_wait3A_108 = arith.constant 0 : i32
          %dma_wait3A_109 = tpu.memref_slice %arg13[%dma_wait3A_107, %dma_wait3A_108] : memref<10240x128xf32, #tpu.memory_space<vmem_shared>> -> memref<10240x128xf32, #tpu.memory_space<vmem_shared>>
          tpu.wait_indirect_dma semaphore(%run_scoped3A : memref<!tpu.dma_semaphore, #tpu.memory_space<semaphore_mem>>) src(%arg11 : memref<128x128xf32, #tpu.memory_space<vmem>>) dst(%dma_wait3A_109 : memref<10240x128xf32, #tpu.memory_space<vmem_shared>>)
          tpu.yield
        }) : () -> ()
        %scan3A_97 = arith.constant 0 : i32
        scf.yield %scan3A_97 : i32
      }
      %scan3A_66 = arith.constant 20 : i32
      %scan3A_67 = arith.constant 0 : i32
      scf.yield %scan3A_67 : i32
    }
    %scan3A_37 = arith.constant 2 : i32
    %barrier3A_38 = arith.constant 0 : index
    tpu.barrier barrier_id(%barrier3A_38)
    %scan3A_39 = arith.constant 0 : i32
    %scan3A_40 = arith.constant 0 : i32
    %scan3A_41 = arith.constant 5 : i32
    %scan3A_42 = arith.addi %scan3A_40, %scan3A_41 : i32
    %scan3A_43 = arith.constant 1 : i32
    %scan3A_44 = scf.for %scan3A_46 = %scan3A_40 to %scan3A_42 step %scan3A_43 iter_args(%scan3A_47 = %scan3A_39) -> (i32)  : i32 {
      %mul3A_48 = arith.constant 640 : i32
      %mul3A_49 = arith.muli %arg1, %mul3A_48 : i32
      %mul3A_50 = arith.constant 128 : i32
      %mul3A_51 = arith.muli %scan3A_46, %mul3A_50 : i32
      %add3A_52 = arith.addi %mul3A_49, %mul3A_51 : i32
      %mul3A_53 = arith.constant 10240 : i32
      %mul3A_54 = arith.muli %arg0, %mul3A_53 : i32
      %mul3A_55 = arith.constant 640 : i32
      %mul3A_56 = arith.muli %arg1, %mul3A_55 : i32
      %add3A_57 = arith.addi %mul3A_54, %mul3A_56 : i32
      %mul3A_58 = arith.constant 128 : i32
      %mul3A_59 = arith.muli %scan3A_46, %mul3A_58 : i32
      %add3A_60 = arith.addi %add3A_57, %mul3A_59 : i32
      "tpu.region"() ({
        %run_scoped3A = tpu.sem_alloc : memref<!tpu.dma_semaphore, #tpu.memory_space<semaphore_mem>>
        %dma_start3A = arith.constant 0 : i32
        %dma_start3A_62 = tpu.memref_slice %arg7[%add3A_60, %dma_start3A] : memref<20480x128xf32, #tpu.memory_space<hbm>> -> memref<128x128xf32, #tpu.memory_space<hbm>>
        %dma_start3A_63 = arith.constant 0 : i32
        %dma_start3A_64 = tpu.memref_slice %arg13[%add3A_52, %dma_start3A_63] : memref<10240x128xf32, #tpu.memory_space<vmem_shared>> -> memref<128x128xf32, #tpu.memory_space<vmem_shared>>
        tpu.enqueue_dma source(%dma_start3A_64 : memref<128x128xf32, #tpu.memory_space<vmem_shared>>) target(%dma_start3A_62 : memref<128x128xf32, #tpu.memory_space<hbm>>) target_semaphore(%run_scoped3A : memref<!tpu.dma_semaphore, #tpu.memory_space<semaphore_mem>>)
        %dma_wait3A = arith.constant 0 : i32
        %dma_wait3A_65 = tpu.memref_slice %arg7[%add3A_60, %dma_wait3A] : memref<20480x128xf32, #tpu.memory_space<hbm>> -> memref<128x128xf32, #tpu.memory_space<hbm>>
        %dma_wait3A_66 = arith.constant 0 : i32
        %dma_wait3A_67 = tpu.memref_slice %arg13[%add3A_52, %dma_wait3A_66] : memref<10240x128xf32, #tpu.memory_space<vmem_shared>> -> memref<128x128xf32, #tpu.memory_space<vmem_shared>>
        tpu.wait_dma2 semaphore(%run_scoped3A : memref<!tpu.dma_semaphore, #tpu.memory_space<semaphore_mem>>) src(%dma_wait3A_67 : memref<128x128xf32, #tpu.memory_space<vmem_shared>>) dst(%dma_wait3A_65 : memref<128x128xf32, #tpu.memory_space<hbm>>)
        tpu.yield
      }) : () -> ()
      %scan3A_61 = arith.constant 0 : i32
      scf.yield %scan3A_61 : i32
    }
    %scan3A_45 = arith.constant 5 : i32
    return
  }
}

#map = affine_map<(d0, d1) -> (0)>
module attributes {stable_mosaic.version = 14 : i64} {
  func.func @_deg_body(%arg0: i32, %arg1: i32, %arg2: memref<655360xi32, #tpu.memory_space<hbm>>, %arg3: memref<40960xf32, #tpu.memory_space<hbm>>, %arg4: memref<10240xf32, #tpu.memory_space<vmem>>, %arg5: memref<20480xi32, #tpu.memory_space<vmem>>, %arg6: memref<1280xf32, #tpu.memory_space<vmem>>, %arg7: memref<1280xf32, #tpu.memory_space<vmem>>, %arg8: memref<16x10240xf32, #tpu.memory_space<vmem_shared>>) attributes {dimension_semantics = [#tpu.dimension_semantics<core_parallel>, #tpu.dimension_semantics<subcore_parallel>], iteration_bounds = array<i64: 2, 16>, scalar_prefetch = 0 : i64, scratch_operands = 5 : i64, tpu.core_type = #tpu.core_type<sc_vector_subcore>, window_params = [{transform_indices = #map}, {transform_indices = #map}]} {
    %mul3A = arith.constant 2 : i32
    %mul3A_0 = arith.muli %mul3A, %arg0 : i32
    %jit3A = arith.constant 8 : i32
    %div3A = arith.divsi %arg1, %jit3A : i32
    %sign3A = arith.constant 0 : i32
    %sign3A_1 = arith.cmpi sgt, %arg1, %sign3A : i32
    %sign3A_2 = arith.extui %sign3A_1 : i1 to i32
    %sign3A_3 = arith.constant 0 : i32
    %sign3A_4 = arith.cmpi slt, %arg1, %sign3A_3 : i32
    %sign3A_5 = arith.extui %sign3A_4 : i1 to i32
    %sign3A_6 = arith.subi %sign3A_2, %sign3A_5 : i32
    %sign3A_7 = arith.constant 0 : i32
    %sign3A_8 = arith.cmpi sgt, %jit3A, %sign3A_7 : i32
    %sign3A_9 = arith.extui %sign3A_8 : i1 to i32
    %sign3A_10 = arith.constant 0 : i32
    %sign3A_11 = arith.cmpi slt, %jit3A, %sign3A_10 : i32
    %sign3A_12 = arith.extui %sign3A_11 : i1 to i32
    %sign3A_13 = arith.subi %sign3A_9, %sign3A_12 : i32
    %ne3A = arith.cmpi ne, %sign3A_6, %sign3A_13 : i32
    %rem3A = arith.remsi %arg1, %jit3A : i32
    %ne3A_14 = arith.constant 0 : i32
    %ne3A_15 = arith.cmpi ne, %rem3A, %ne3A_14 : i32
    %and3A = arith.andi %ne3A, %ne3A_15 : i1
    %sub3A = arith.constant 1 : i32
    %sub3A_16 = arith.subi %div3A, %sub3A : i32
    %select_n3A = arith.select %and3A, %sub3A_16, %div3A : i32
    %add3A = arith.addi %mul3A_0, %select_n3A : i32
    %jit3A_17 = arith.constant 8 : i32
    %eq3A = arith.constant 0 : i32
    %eq3A_18 = arith.cmpi eq, %jit3A_17, %eq3A : i32
    %jit3A_19 = arith.constant 1 : i32
    %select_n3A_20 = arith.select %eq3A_18, %jit3A_19, %jit3A_17 : i32
    %rem3A_21 = arith.remsi %arg1, %select_n3A_20 : i32
    %ne3A_22 = arith.constant 0 : i32
    %ne3A_23 = arith.cmpi ne, %rem3A_21, %ne3A_22 : i32
    %lt3A = arith.constant 0 : i32
    %lt3A_24 = arith.cmpi slt, %rem3A_21, %lt3A : i32
    %lt3A_25 = arith.constant 0 : i32
    %lt3A_26 = arith.cmpi slt, %select_n3A_20, %lt3A_25 : i32
    %ne3A_27 = arith.xori %lt3A_24, %lt3A_26 : i1
    %and3A_28 = arith.andi %ne3A_27, %ne3A_23 : i1
    %add3A_29 = arith.addi %rem3A_21, %select_n3A_20 : i32
    %select_n3A_30 = arith.select %and3A_28, %add3A_29, %rem3A_21 : i32
    %broadcast_in_dim3A = arith.constant 0.000000e+00 : f32
    %broadcast_in_dim3A_31 = vector.broadcast %broadcast_in_dim3A : f32 to vector<16xf32>
    %broadcast_in_dim3A_32 = arith.constant 1.000000e+00 : f32
    %broadcast_in_dim3A_33 = vector.broadcast %broadcast_in_dim3A_32 : f32 to vector<16xf32>
    %scan3A = arith.constant 0 : i32
    %scan3A_34 = arith.constant 0 : i32
    %scan3A_35 = arith.constant 160 : i32
    %scan3A_36 = arith.addi %scan3A_34, %scan3A_35 : i32
    %scan3A_37 = arith.constant 1 : i32
    %scan3A_38 = scf.for %scan3A_97 = %scan3A_34 to %scan3A_36 step %scan3A_37 iter_args(%scan3A_98 = %scan3A) -> (i32)  : i32 {
      %mul3A_99 = arith.constant 4 : i32
      %mul3A_100 = arith.muli %mul3A_99, %scan3A_97 : i32
      %add3A_101 = arith.constant 0 : i32
      %add3A_102 = arith.addi %mul3A_100, %add3A_101 : i32
      %mul3A_103 = arith.constant 16 : i32
      %mul3A_104 = arith.muli %add3A_102, %mul3A_103 : i32
      %swap3A = arith.index_cast %mul3A_104 : i32 to index
      %swap3A_105 = tpu.vector_load %arg4[%swap3A] {strides = array<i32>} : memref<10240xf32, #tpu.memory_space<vmem>>, vector<16xf32>,
      tpu.vector_store %arg4[%swap3A], %broadcast_in_dim3A_31 {strides = array<i32>} : memref<10240xf32, #tpu.memory_space<vmem>>, vector<16xf32>,
      %mul3A_106 = arith.constant 4 : i32
      %mul3A_107 = arith.muli %mul3A_106, %scan3A_97 : i32
      %add3A_108 = arith.constant 1 : i32
      %add3A_109 = arith.addi %mul3A_107, %add3A_108 : i32
      %mul3A_110 = arith.constant 16 : i32
      %mul3A_111 = arith.muli %add3A_109, %mul3A_110 : i32
      %swap3A_112 = arith.index_cast %mul3A_111 : i32 to index
      %swap3A_113 = tpu.vector_load %arg4[%swap3A_112] {strides = array<i32>} : memref<10240xf32, #tpu.memory_space<vmem>>, vector<16xf32>,
      tpu.vector_store %arg4[%swap3A_112], %broadcast_in_dim3A_31 {strides = array<i32>} : memref<10240xf32, #tpu.memory_space<vmem>>, vector<16xf32>,
      %mul3A_114 = arith.constant 4 : i32
      %mul3A_115 = arith.muli %mul3A_114, %scan3A_97 : i32
      %add3A_116 = arith.constant 2 : i32
      %add3A_117 = arith.addi %mul3A_115, %add3A_116 : i32
      %mul3A_118 = arith.constant 16 : i32
      %mul3A_119 = arith.muli %add3A_117, %mul3A_118 : i32
      %swap3A_120 = arith.index_cast %mul3A_119 : i32 to index
      %swap3A_121 = tpu.vector_load %arg4[%swap3A_120] {strides = array<i32>} : memref<10240xf32, #tpu.memory_space<vmem>>, vector<16xf32>,
      tpu.vector_store %arg4[%swap3A_120], %broadcast_in_dim3A_31 {strides = array<i32>} : memref<10240xf32, #tpu.memory_space<vmem>>, vector<16xf32>,
      %mul3A_122 = arith.constant 4 : i32
      %mul3A_123 = arith.muli %mul3A_122, %scan3A_97 : i32
      %add3A_124 = arith.constant 3 : i32
      %add3A_125 = arith.addi %mul3A_123, %add3A_124 : i32
      %mul3A_126 = arith.constant 16 : i32
      %mul3A_127 = arith.muli %add3A_125, %mul3A_126 : i32
      %swap3A_128 = arith.index_cast %mul3A_127 : i32 to index
      %swap3A_129 = tpu.vector_load %arg4[%swap3A_128] {strides = array<i32>} : memref<10240xf32, #tpu.memory_space<vmem>>, vector<16xf32>,
      tpu.vector_store %arg4[%swap3A_128], %broadcast_in_dim3A_31 {strides = array<i32>} : memref<10240xf32, #tpu.memory_space<vmem>>, vector<16xf32>,
      %scan3A_130 = arith.constant 0 : i32
      scf.yield %scan3A_130 : i32
    }
    %scan3A_39 = arith.constant 160 : i32
    %mul3A_40 = arith.constant 163840 : i32
    %mul3A_41 = arith.muli %add3A, %mul3A_40 : i32
    %mul3A_42 = arith.constant 20480 : i32
    %mul3A_43 = arith.muli %select_n3A_30, %mul3A_42 : i32
    %add3A_44 = arith.addi %mul3A_41, %mul3A_43 : i32
    "tpu.region"() ({
      %run_scoped3A = tpu.sem_alloc : memref<!tpu.dma_semaphore, #tpu.memory_space<semaphore_mem>>
      %dma_start3A = tpu.memref_slice %arg2[%add3A_44] : memref<655360xi32, #tpu.memory_space<hbm>> -> memref<20480xi32, #tpu.memory_space<hbm>>
      %dma_start3A_97 = tpu.memref_slice %arg2[%add3A_44] : memref<655360xi32, #tpu.memory_space<hbm>> -> memref<20480xi32, #tpu.memory_space<hbm>>
      tpu.enqueue_dma source(%dma_start3A_97 : memref<20480xi32, #tpu.memory_space<hbm>>) target(%arg5 : memref<20480xi32, #tpu.memory_space<vmem>>) target_semaphore(%run_scoped3A : memref<!tpu.dma_semaphore, #tpu.memory_space<semaphore_mem>>)
      %dma_wait3A = tpu.memref_slice %arg2[%add3A_44] : memref<655360xi32, #tpu.memory_space<hbm>> -> memref<20480xi32, #tpu.memory_space<hbm>>
      %dma_wait3A_98 = tpu.memref_slice %arg2[%add3A_44] : memref<655360xi32, #tpu.memory_space<hbm>> -> memref<20480xi32, #tpu.memory_space<hbm>>
      tpu.wait_dma2 semaphore(%run_scoped3A : memref<!tpu.dma_semaphore, #tpu.memory_space<semaphore_mem>>) src(%dma_wait3A_98 : memref<20480xi32, #tpu.memory_space<hbm>>) dst(%arg5 : memref<20480xi32, #tpu.memory_space<vmem>>)
      tpu.yield
    }) : () -> ()
    %scan3A_45 = arith.constant 0 : i32
    %scan3A_46 = arith.constant 0 : i32
    %scan3A_47 = arith.constant 160 : i32
    %scan3A_48 = arith.addi %scan3A_46, %scan3A_47 : i32
    %scan3A_49 = arith.constant 1 : i32
    %scan3A_50 = scf.for %scan3A_97 = %scan3A_46 to %scan3A_48 step %scan3A_49 iter_args(%scan3A_98 = %scan3A_45) -> (i32)  : i32 {
      %mul3A_99 = arith.constant 8 : i32
      %mul3A_100 = arith.muli %mul3A_99, %scan3A_97 : i32
      %add3A_101 = arith.constant 0 : i32
      %add3A_102 = arith.addi %mul3A_100, %add3A_101 : i32
      %mul3A_103 = arith.constant 16 : i32
      %mul3A_104 = arith.muli %add3A_102, %mul3A_103 : i32
      %get3A = arith.index_cast %mul3A_104 : i32 to index
      %get3A_105 = tpu.vector_load %arg5[%get3A] {strides = array<i32>} : memref<20480xi32, #tpu.memory_space<vmem>>, vector<16xi32>,
      tpu.vector_store_idx %arg4[%get3A_105], %broadcast_in_dim3A_33 {add = true} : memref<10240xf32, #tpu.memory_space<vmem>>[vector<16xi32>], vector<16xf32>,
      %mul3A_106 = arith.constant 8 : i32
      %mul3A_107 = arith.muli %mul3A_106, %scan3A_97 : i32
      %add3A_108 = arith.constant 1 : i32
      %add3A_109 = arith.addi %mul3A_107, %add3A_108 : i32
      %mul3A_110 = arith.constant 16 : i32
      %mul3A_111 = arith.muli %add3A_109, %mul3A_110 : i32
      %get3A_112 = arith.index_cast %mul3A_111 : i32 to index
      %get3A_113 = tpu.vector_load %arg5[%get3A_112] {strides = array<i32>} : memref<20480xi32, #tpu.memory_space<vmem>>, vector<16xi32>,
      tpu.vector_store_idx %arg4[%get3A_113], %broadcast_in_dim3A_33 {add = true} : memref<10240xf32, #tpu.memory_space<vmem>>[vector<16xi32>], vector<16xf32>,
      %mul3A_114 = arith.constant 8 : i32
      %mul3A_115 = arith.muli %mul3A_114, %scan3A_97 : i32
      %add3A_116 = arith.constant 2 : i32
      %add3A_117 = arith.addi %mul3A_115, %add3A_116 : i32
      %mul3A_118 = arith.constant 16 : i32
      %mul3A_119 = arith.muli %add3A_117, %mul3A_118 : i32
      %get3A_120 = arith.index_cast %mul3A_119 : i32 to index
      %get3A_121 = tpu.vector_load %arg5[%get3A_120] {strides = array<i32>} : memref<20480xi32, #tpu.memory_space<vmem>>, vector<16xi32>,
      tpu.vector_store_idx %arg4[%get3A_121], %broadcast_in_dim3A_33 {add = true} : memref<10240xf32, #tpu.memory_space<vmem>>[vector<16xi32>], vector<16xf32>,
      %mul3A_122 = arith.constant 8 : i32
      %mul3A_123 = arith.muli %mul3A_122, %scan3A_97 : i32
      %add3A_124 = arith.constant 3 : i32
      %add3A_125 = arith.addi %mul3A_123, %add3A_124 : i32
      %mul3A_126 = arith.constant 16 : i32
      %mul3A_127 = arith.muli %add3A_125, %mul3A_126 : i32
      %get3A_128 = arith.index_cast %mul3A_127 : i32 to index
      %get3A_129 = tpu.vector_load %arg5[%get3A_128] {strides = array<i32>} : memref<20480xi32, #tpu.memory_space<vmem>>, vector<16xi32>,
      tpu.vector_store_idx %arg4[%get3A_129], %broadcast_in_dim3A_33 {add = true} : memref<10240xf32, #tpu.memory_space<vmem>>[vector<16xi32>], vector<16xf32>,
      %mul3A_130 = arith.constant 8 : i32
      %mul3A_131 = arith.muli %mul3A_130, %scan3A_97 : i32
      %add3A_132 = arith.constant 4 : i32
      %add3A_133 = arith.addi %mul3A_131, %add3A_132 : i32
      %mul3A_134 = arith.constant 16 : i32
      %mul3A_135 = arith.muli %add3A_133, %mul3A_134 : i32
      %get3A_136 = arith.index_cast %mul3A_135 : i32 to index
      %get3A_137 = tpu.vector_load %arg5[%get3A_136] {strides = array<i32>} : memref<20480xi32, #tpu.memory_space<vmem>>, vector<16xi32>,
      tpu.vector_store_idx %arg4[%get3A_137], %broadcast_in_dim3A_33 {add = true} : memref<10240xf32, #tpu.memory_space<vmem>>[vector<16xi32>], vector<16xf32>,
      %mul3A_138 = arith.constant 8 : i32
      %mul3A_139 = arith.muli %mul3A_138, %scan3A_97 : i32
      %add3A_140 = arith.constant 5 : i32
      %add3A_141 = arith.addi %mul3A_139, %add3A_140 : i32
      %mul3A_142 = arith.constant 16 : i32
      %mul3A_143 = arith.muli %add3A_141, %mul3A_142 : i32
      %get3A_144 = arith.index_cast %mul3A_143 : i32 to index
      %get3A_145 = tpu.vector_load %arg5[%get3A_144] {strides = array<i32>} : memref<20480xi32, #tpu.memory_space<vmem>>, vector<16xi32>,
      tpu.vector_store_idx %arg4[%get3A_145], %broadcast_in_dim3A_33 {add = true} : memref<10240xf32, #tpu.memory_space<vmem>>[vector<16xi32>], vector<16xf32>,
      %mul3A_146 = arith.constant 8 : i32
      %mul3A_147 = arith.muli %mul3A_146, %scan3A_97 : i32
      %add3A_148 = arith.constant 6 : i32
      %add3A_149 = arith.addi %mul3A_147, %add3A_148 : i32
      %mul3A_150 = arith.constant 16 : i32
      %mul3A_151 = arith.muli %add3A_149, %mul3A_150 : i32
      %get3A_152 = arith.index_cast %mul3A_151 : i32 to index
      %get3A_153 = tpu.vector_load %arg5[%get3A_152] {strides = array<i32>} : memref<20480xi32, #tpu.memory_space<vmem>>, vector<16xi32>,
      tpu.vector_store_idx %arg4[%get3A_153], %broadcast_in_dim3A_33 {add = true} : memref<10240xf32, #tpu.memory_space<vmem>>[vector<16xi32>], vector<16xf32>,
      %mul3A_154 = arith.constant 8 : i32
      %mul3A_155 = arith.muli %mul3A_154, %scan3A_97 : i32
      %add3A_156 = arith.constant 7 : i32
      %add3A_157 = arith.addi %mul3A_155, %add3A_156 : i32
      %mul3A_158 = arith.constant 16 : i32
      %mul3A_159 = arith.muli %add3A_157, %mul3A_158 : i32
      %get3A_160 = arith.index_cast %mul3A_159 : i32 to index
      %get3A_161 = tpu.vector_load %arg5[%get3A_160] {strides = array<i32>} : memref<20480xi32, #tpu.memory_space<vmem>>, vector<16xi32>,
      tpu.vector_store_idx %arg4[%get3A_161], %broadcast_in_dim3A_33 {add = true} : memref<10240xf32, #tpu.memory_space<vmem>>[vector<16xi32>], vector<16xf32>,
      %scan3A_162 = arith.constant 0 : i32
      scf.yield %scan3A_162 : i32
    }
    %scan3A_51 = arith.constant 160 : i32
    "tpu.region"() ({
      %run_scoped3A = tpu.sem_alloc : memref<!tpu.dma_semaphore, #tpu.memory_space<semaphore_mem>>
      %dma_start3A = arith.constant 0 : i32
      %dma_start3A_97 = tpu.memref_slice %arg8[%arg1, %dma_start3A] : memref<16x10240xf32, #tpu.memory_space<vmem_shared>> -> memref<1x10240xf32, #tpu.memory_space<vmem_shared>>
      %dma_start3A_98 = tpu.memref_squeeze %dma_start3A_97 : memref<1x10240xf32, #tpu.memory_space<vmem_shared>> -> memref<10240xf32, #tpu.memory_space<vmem_shared>>
      %dma_start3A_99 = arith.constant 0 : i32
      %dma_start3A_100 = tpu.memref_slice %arg8[%arg1, %dma_start3A_99] : memref<16x10240xf32, #tpu.memory_space<vmem_shared>> -> memref<1x10240xf32, #tpu.memory_space<vmem_shared>>
      %dma_start3A_101 = tpu.memref_squeeze %dma_start3A_100 : memref<1x10240xf32, #tpu.memory_space<vmem_shared>> -> memref<10240xf32, #tpu.memory_space<vmem_shared>>
      tpu.enqueue_dma source(%arg4 : memref<10240xf32, #tpu.memory_space<vmem>>) target(%dma_start3A_101 : memref<10240xf32, #tpu.memory_space<vmem_shared>>) target_semaphore(%run_scoped3A : memref<!tpu.dma_semaphore, #tpu.memory_space<semaphore_mem>>)
      %dma_wait3A = arith.constant 0 : i32
      %dma_wait3A_102 = tpu.memref_slice %arg8[%arg1, %dma_wait3A] : memref<16x10240xf32, #tpu.memory_space<vmem_shared>> -> memref<1x10240xf32, #tpu.memory_space<vmem_shared>>
      %dma_wait3A_103 = tpu.memref_squeeze %dma_wait3A_102 : memref<1x10240xf32, #tpu.memory_space<vmem_shared>> -> memref<10240xf32, #tpu.memory_space<vmem_shared>>
      %dma_wait3A_104 = arith.constant 0 : i32
      %dma_wait3A_105 = tpu.memref_slice %arg8[%arg1, %dma_wait3A_104] : memref<16x10240xf32, #tpu.memory_space<vmem_shared>> -> memref<1x10240xf32, #tpu.memory_space<vmem_shared>>
      %dma_wait3A_106 = tpu.memref_squeeze %dma_wait3A_105 : memref<1x10240xf32, #tpu.memory_space<vmem_shared>> -> memref<10240xf32, #tpu.memory_space<vmem_shared>>
      tpu.wait_dma2 semaphore(%run_scoped3A : memref<!tpu.dma_semaphore, #tpu.memory_space<semaphore_mem>>) src(%arg4 : memref<10240xf32, #tpu.memory_space<vmem>>) dst(%dma_wait3A_106 : memref<10240xf32, #tpu.memory_space<vmem_shared>>)
      tpu.yield
    }) : () -> ()
    %barrier3A = arith.constant 0 : index
    tpu.barrier barrier_id(%barrier3A)
    %mul3A_52 = arith.constant 1280 : i32
    %mul3A_53 = arith.muli %select_n3A_30, %mul3A_52 : i32
    %jit3A_54 = arith.constant 8 : i32
    %div3A_55 = arith.divsi %arg1, %jit3A_54 : i32
    %sign3A_56 = arith.constant 0 : i32
    %sign3A_57 = arith.cmpi sgt, %arg1, %sign3A_56 : i32
    %sign3A_58 = arith.extui %sign3A_57 : i1 to i32
    %sign3A_59 = arith.constant 0 : i32
    %sign3A_60 = arith.cmpi slt, %arg1, %sign3A_59 : i32
    %sign3A_61 = arith.extui %sign3A_60 : i1 to i32
    %sign3A_62 = arith.subi %sign3A_58, %sign3A_61 : i32
    %sign3A_63 = arith.constant 0 : i32
    %sign3A_64 = arith.cmpi sgt, %jit3A_54, %sign3A_63 : i32
    %sign3A_65 = arith.extui %sign3A_64 : i1 to i32
    %sign3A_66 = arith.constant 0 : i32
    %sign3A_67 = arith.cmpi slt, %jit3A_54, %sign3A_66 : i32
    %sign3A_68 = arith.extui %sign3A_67 : i1 to i32
    %sign3A_69 = arith.subi %sign3A_65, %sign3A_68 : i32
    %ne3A_70 = arith.cmpi ne, %sign3A_62, %sign3A_69 : i32
    %rem3A_71 = arith.remsi %arg1, %jit3A_54 : i32
    %ne3A_72 = arith.constant 0 : i32
    %ne3A_73 = arith.cmpi ne, %rem3A_71, %ne3A_72 : i32
    %and3A_74 = arith.andi %ne3A_70, %ne3A_73 : i1
    %sub3A_75 = arith.constant 1 : i32
    %sub3A_76 = arith.subi %div3A_55, %sub3A_75 : i32
    %select_n3A_77 = arith.select %and3A_74, %sub3A_76, %div3A_55 : i32
    %mul3A_78 = arith.constant 8 : i32
    %mul3A_79 = arith.muli %select_n3A_77, %mul3A_78 : i32
    "tpu.region"() ({
      %run_scoped3A = tpu.sem_alloc : memref<!tpu.dma_semaphore, #tpu.memory_space<semaphore_mem>>
      %dma_start3A = tpu.memref_slice %arg8[%mul3A_79, %mul3A_53] : memref<16x10240xf32, #tpu.memory_space<vmem_shared>> -> memref<1x1280xf32, #tpu.memory_space<vmem_shared>>
      %dma_start3A_97 = tpu.memref_squeeze %dma_start3A : memref<1x1280xf32, #tpu.memory_space<vmem_shared>> -> memref<1280xf32, #tpu.memory_space<vmem_shared>>
      %dma_start3A_98 = tpu.memref_slice %arg8[%mul3A_79, %mul3A_53] : memref<16x10240xf32, #tpu.memory_space<vmem_shared>> -> memref<1x1280xf32, #tpu.memory_space<vmem_shared>>
      %dma_start3A_99 = tpu.memref_squeeze %dma_start3A_98 : memref<1x1280xf32, #tpu.memory_space<vmem_shared>> -> memref<1280xf32, #tpu.memory_space<vmem_shared>>
      tpu.enqueue_dma source(%dma_start3A_99 : memref<1280xf32, #tpu.memory_space<vmem_shared>>) target(%arg6 : memref<1280xf32, #tpu.memory_space<vmem>>) target_semaphore(%run_scoped3A : memref<!tpu.dma_semaphore, #tpu.memory_space<semaphore_mem>>)
      %dma_wait3A = tpu.memref_slice %arg8[%mul3A_79, %mul3A_53] : memref<16x10240xf32, #tpu.memory_space<vmem_shared>> -> memref<1x1280xf32, #tpu.memory_space<vmem_shared>>
      %dma_wait3A_100 = tpu.memref_squeeze %dma_wait3A : memref<1x1280xf32, #tpu.memory_space<vmem_shared>> -> memref<1280xf32, #tpu.memory_space<vmem_shared>>
      %dma_wait3A_101 = tpu.memref_slice %arg8[%mul3A_79, %mul3A_53] : memref<16x10240xf32, #tpu.memory_space<vmem_shared>> -> memref<1x1280xf32, #tpu.memory_space<vmem_shared>>
      %dma_wait3A_102 = tpu.memref_squeeze %dma_wait3A_101 : memref<1x1280xf32, #tpu.memory_space<vmem_shared>> -> memref<1280xf32, #tpu.memory_space<vmem_shared>>
      tpu.wait_dma2 semaphore(%run_scoped3A : memref<!tpu.dma_semaphore, #tpu.memory_space<semaphore_mem>>) src(%dma_wait3A_102 : memref<1280xf32, #tpu.memory_space<vmem_shared>>) dst(%arg6 : memref<1280xf32, #tpu.memory_space<vmem>>)
      tpu.yield
    }) : () -> ()
    %scan3A_80 = arith.constant 0 : i32
    %scan3A_81 = arith.constant 1 : i32
    %scan3A_82 = arith.constant 7 : i32
    %scan3A_83 = arith.addi %scan3A_81, %scan3A_82 : i32
    %scan3A_84 = arith.constant 1 : i32
    %scan3A_85 = scf.for %scan3A_97 = %scan3A_81 to %scan3A_83 step %scan3A_84 iter_args(%scan3A_98 = %scan3A_80) -> (i32)  : i32 {
      %add3A_99 = arith.addi %mul3A_79, %scan3A_97 : i32
      "tpu.region"() ({
        %run_scoped3A = tpu.sem_alloc : memref<!tpu.dma_semaphore, #tpu.memory_space<semaphore_mem>>
        %dma_start3A = tpu.memref_slice %arg8[%add3A_99, %mul3A_53] : memref<16x10240xf32, #tpu.memory_space<vmem_shared>> -> memref<1x1280xf32, #tpu.memory_space<vmem_shared>>
        %dma_start3A_108 = tpu.memref_squeeze %dma_start3A : memref<1x1280xf32, #tpu.memory_space<vmem_shared>> -> memref<1280xf32, #tpu.memory_space<vmem_shared>>
        %dma_start3A_109 = tpu.memref_slice %arg8[%add3A_99, %mul3A_53] : memref<16x10240xf32, #tpu.memory_space<vmem_shared>> -> memref<1x1280xf32, #tpu.memory_space<vmem_shared>>
        %dma_start3A_110 = tpu.memref_squeeze %dma_start3A_109 : memref<1x1280xf32, #tpu.memory_space<vmem_shared>> -> memref<1280xf32, #tpu.memory_space<vmem_shared>>
        tpu.enqueue_dma source(%dma_start3A_110 : memref<1280xf32, #tpu.memory_space<vmem_shared>>) target(%arg7 : memref<1280xf32, #tpu.memory_space<vmem>>) target_semaphore(%run_scoped3A : memref<!tpu.dma_semaphore, #tpu.memory_space<semaphore_mem>>)
        %dma_wait3A = tpu.memref_slice %arg8[%add3A_99, %mul3A_53] : memref<16x10240xf32, #tpu.memory_space<vmem_shared>> -> memref<1x1280xf32, #tpu.memory_space<vmem_shared>>
        %dma_wait3A_111 = tpu.memref_squeeze %dma_wait3A : memref<1x1280xf32, #tpu.memory_space<vmem_shared>> -> memref<1280xf32, #tpu.memory_space<vmem_shared>>
        %dma_wait3A_112 = tpu.memref_slice %arg8[%add3A_99, %mul3A_53] : memref<16x10240xf32, #tpu.memory_space<vmem_shared>> -> memref<1x1280xf32, #tpu.memory_space<vmem_shared>>
        %dma_wait3A_113 = tpu.memref_squeeze %dma_wait3A_112 : memref<1x1280xf32, #tpu.memory_space<vmem_shared>> -> memref<1280xf32, #tpu.memory_space<vmem_shared>>
        tpu.wait_dma2 semaphore(%run_scoped3A : memref<!tpu.dma_semaphore, #tpu.memory_space<semaphore_mem>>) src(%dma_wait3A_113 : memref<1280xf32, #tpu.memory_space<vmem_shared>>) dst(%arg7 : memref<1280xf32, #tpu.memory_space<vmem>>)
        tpu.yield
      }) : () -> ()
      %scan3A_100 = arith.constant 0 : i32
      %scan3A_101 = arith.constant 0 : i32
      %scan3A_102 = arith.constant 20 : i32
      %scan3A_103 = arith.addi %scan3A_101, %scan3A_102 : i32
      %scan3A_104 = arith.constant 1 : i32
      %scan3A_105 = scf.for %scan3A_108 = %scan3A_101 to %scan3A_103 step %scan3A_104 iter_args(%scan3A_109 = %scan3A_100) -> (i32)  : i32 {
        %mul3A_110 = arith.constant 4 : i32
        %mul3A_111 = arith.muli %mul3A_110, %scan3A_108 : i32
        %add3A_112 = arith.constant 0 : i32
        %add3A_113 = arith.addi %mul3A_111, %add3A_112 : i32
        %mul3A_114 = arith.constant 16 : i32
        %mul3A_115 = arith.muli %add3A_113, %mul3A_114 : i32
        %get3A = arith.index_cast %mul3A_115 : i32 to index
        %get3A_116 = tpu.vector_load %arg6[%get3A] {strides = array<i32>} : memref<1280xf32, #tpu.memory_space<vmem>>, vector<16xf32>,
        %get3A_117 = arith.index_cast %mul3A_115 : i32 to index
        %get3A_118 = tpu.vector_load %arg7[%get3A_117] {strides = array<i32>} : memref<1280xf32, #tpu.memory_space<vmem>>, vector<16xf32>,
        %add3A_119 = arith.addf %get3A_116, %get3A_118 : vector<16xf32>
        %swap3A = arith.index_cast %mul3A_115 : i32 to index
        %swap3A_120 = tpu.vector_load %arg6[%swap3A] {strides = array<i32>} : memref<1280xf32, #tpu.memory_space<vmem>>, vector<16xf32>,
        tpu.vector_store %arg6[%swap3A], %add3A_119 {strides = array<i32>} : memref<1280xf32, #tpu.memory_space<vmem>>, vector<16xf32>,
        %mul3A_121 = arith.constant 4 : i32
        %mul3A_122 = arith.muli %mul3A_121, %scan3A_108 : i32
        %add3A_123 = arith.constant 1 : i32
        %add3A_124 = arith.addi %mul3A_122, %add3A_123 : i32
        %mul3A_125 = arith.constant 16 : i32
        %mul3A_126 = arith.muli %add3A_124, %mul3A_125 : i32
        %get3A_127 = arith.index_cast %mul3A_126 : i32 to index
        %get3A_128 = tpu.vector_load %arg6[%get3A_127] {strides = array<i32>} : memref<1280xf32, #tpu.memory_space<vmem>>, vector<16xf32>,
        %get3A_129 = arith.index_cast %mul3A_126 : i32 to index
        %get3A_130 = tpu.vector_load %arg7[%get3A_129] {strides = array<i32>} : memref<1280xf32, #tpu.memory_space<vmem>>, vector<16xf32>,
        %add3A_131 = arith.addf %get3A_128, %get3A_130 : vector<16xf32>
        %swap3A_132 = arith.index_cast %mul3A_126 : i32 to index
        %swap3A_133 = tpu.vector_load %arg6[%swap3A_132] {strides = array<i32>} : memref<1280xf32, #tpu.memory_space<vmem>>, vector<16xf32>,
        tpu.vector_store %arg6[%swap3A_132], %add3A_131 {strides = array<i32>} : memref<1280xf32, #tpu.memory_space<vmem>>, vector<16xf32>,
        %mul3A_134 = arith.constant 4 : i32
        %mul3A_135 = arith.muli %mul3A_134, %scan3A_108 : i32
        %add3A_136 = arith.constant 2 : i32
        %add3A_137 = arith.addi %mul3A_135, %add3A_136 : i32
        %mul3A_138 = arith.constant 16 : i32
        %mul3A_139 = arith.muli %add3A_137, %mul3A_138 : i32
        %get3A_140 = arith.index_cast %mul3A_139 : i32 to index
        %get3A_141 = tpu.vector_load %arg6[%get3A_140] {strides = array<i32>} : memref<1280xf32, #tpu.memory_space<vmem>>, vector<16xf32>,
        %get3A_142 = arith.index_cast %mul3A_139 : i32 to index
        %get3A_143 = tpu.vector_load %arg7[%get3A_142] {strides = array<i32>} : memref<1280xf32, #tpu.memory_space<vmem>>, vector<16xf32>,
        %add3A_144 = arith.addf %get3A_141, %get3A_143 : vector<16xf32>
        %swap3A_145 = arith.index_cast %mul3A_139 : i32 to index
        %swap3A_146 = tpu.vector_load %arg6[%swap3A_145] {strides = array<i32>} : memref<1280xf32, #tpu.memory_space<vmem>>, vector<16xf32>,
        tpu.vector_store %arg6[%swap3A_145], %add3A_144 {strides = array<i32>} : memref<1280xf32, #tpu.memory_space<vmem>>, vector<16xf32>,
        %mul3A_147 = arith.constant 4 : i32
        %mul3A_148 = arith.muli %mul3A_147, %scan3A_108 : i32
        %add3A_149 = arith.constant 3 : i32
        %add3A_150 = arith.addi %mul3A_148, %add3A_149 : i32
        %mul3A_151 = arith.constant 16 : i32
        %mul3A_152 = arith.muli %add3A_150, %mul3A_151 : i32
        %get3A_153 = arith.index_cast %mul3A_152 : i32 to index
        %get3A_154 = tpu.vector_load %arg6[%get3A_153] {strides = array<i32>} : memref<1280xf32, #tpu.memory_space<vmem>>, vector<16xf32>,
        %get3A_155 = arith.index_cast %mul3A_152 : i32 to index
        %get3A_156 = tpu.vector_load %arg7[%get3A_155] {strides = array<i32>} : memref<1280xf32, #tpu.memory_space<vmem>>, vector<16xf32>,
        %add3A_157 = arith.addf %get3A_154, %get3A_156 : vector<16xf32>
        %swap3A_158 = arith.index_cast %mul3A_152 : i32 to index
        %swap3A_159 = tpu.vector_load %arg6[%swap3A_158] {strides = array<i32>} : memref<1280xf32, #tpu.memory_space<vmem>>, vector<16xf32>,
        tpu.vector_store %arg6[%swap3A_158], %add3A_157 {strides = array<i32>} : memref<1280xf32, #tpu.memory_space<vmem>>, vector<16xf32>,
        %scan3A_160 = arith.constant 0 : i32
        scf.yield %scan3A_160 : i32
      }
      %scan3A_106 = arith.constant 20 : i32
      %scan3A_107 = arith.constant 0 : i32
      scf.yield %scan3A_107 : i32
    }
    %scan3A_86 = arith.constant 7 : i32
    %scan3A_87 = arith.constant 0 : i32
    %scan3A_88 = arith.constant 0 : i32
    %scan3A_89 = arith.constant 80 : i32
    %scan3A_90 = arith.addi %scan3A_88, %scan3A_89 : i32
    %scan3A_91 = arith.constant 1 : i32
    %scan3A_92 = scf.for %scan3A_97 = %scan3A_88 to %scan3A_90 step %scan3A_91 iter_args(%scan3A_98 = %scan3A_87) -> (i32)  : i32 {
      %mul3A_99 = arith.constant 16 : i32
      %mul3A_100 = arith.muli %scan3A_97, %mul3A_99 : i32
      %get3A = arith.index_cast %mul3A_100 : i32 to index
      %get3A_101 = tpu.vector_load %arg6[%get3A] {strides = array<i32>} : memref<1280xf32, #tpu.memory_space<vmem>>, vector<16xf32>,
      %bitcast3A = vector.bitcast %get3A_101 : vector<16xf32> to vector<16xi32>
      %broadcast_in_dim3A_102 = arith.constant 1597463007 : i32
      %broadcast_in_dim3A_103 = vector.broadcast %broadcast_in_dim3A_102 : i32 to vector<16xi32>
      %broadcast_in_dim3A_104 = arith.constant 1 : i32
      %broadcast_in_dim3A_105 = vector.broadcast %broadcast_in_dim3A_104 : i32 to vector<16xi32>
      %shift_right_logical3A = arith.shrui %bitcast3A, %broadcast_in_dim3A_105 : vector<16xi32>
      %sub3A_106 = arith.subi %broadcast_in_dim3A_103, %shift_right_logical3A : vector<16xi32>
      %bitcast3A_107 = vector.bitcast %sub3A_106 : vector<16xi32> to vector<16xf32>
      %mul3A_108 = arith.constant 5.000000e-01 : f32
      %mul3A_109 = vector.broadcast %mul3A_108 : f32 to vector<16xf32>
      %mul3A_110 = arith.mulf %mul3A_109, %get3A_101 : vector<16xf32>
      %mul3A_111 = arith.mulf %mul3A_110, %bitcast3A_107 : vector<16xf32>
      %mul3A_112 = arith.mulf %mul3A_111, %bitcast3A_107 : vector<16xf32>
      %sub3A_113 = arith.constant 1.500000e+00 : f32
      %sub3A_114 = vector.broadcast %sub3A_113 : f32 to vector<16xf32>
      %sub3A_115 = arith.subf %sub3A_114, %mul3A_112 : vector<16xf32>
      %mul3A_116 = arith.mulf %bitcast3A_107, %sub3A_115 : vector<16xf32>
      %mul3A_117 = arith.mulf %mul3A_110, %mul3A_116 : vector<16xf32>
      %mul3A_118 = arith.mulf %mul3A_117, %mul3A_116 : vector<16xf32>
      %sub3A_119 = arith.constant 1.500000e+00 : f32
      %sub3A_120 = vector.broadcast %sub3A_119 : f32 to vector<16xf32>
      %sub3A_121 = arith.subf %sub3A_120, %mul3A_118 : vector<16xf32>
      %mul3A_122 = arith.mulf %mul3A_116, %sub3A_121 : vector<16xf32>
      %mul3A_123 = arith.mulf %mul3A_110, %mul3A_122 : vector<16xf32>
      %mul3A_124 = arith.mulf %mul3A_123, %mul3A_122 : vector<16xf32>
      %sub3A_125 = arith.constant 1.500000e+00 : f32
      %sub3A_126 = vector.broadcast %sub3A_125 : f32 to vector<16xf32>
      %sub3A_127 = arith.subf %sub3A_126, %mul3A_124 : vector<16xf32>
      %mul3A_128 = arith.mulf %mul3A_122, %sub3A_127 : vector<16xf32>
      %gt3A = arith.constant 0.000000e+00 : f32
      %gt3A_129 = vector.broadcast %gt3A : f32 to vector<16xf32>
      %gt3A_130 = arith.cmpf ogt, %get3A_101, %gt3A_129 : vector<16xf32>
      %jit3A_131 = arith.constant 0.000000e+00 : f32
      %broadcast_in_dim3A_132 = vector.broadcast %jit3A_131 : f32 to vector<16xf32>
      %select_n3A_133 = arith.select %gt3A_130, %mul3A_128, %broadcast_in_dim3A_132 : vector<16xi1>, vector<16xf32>
      %mul3A_134 = arith.constant 16 : i32
      %mul3A_135 = arith.muli %scan3A_97, %mul3A_134 : i32
      %swap3A = arith.index_cast %mul3A_135 : i32 to index
      %swap3A_136 = tpu.vector_load %arg6[%swap3A] {strides = array<i32>} : memref<1280xf32, #tpu.memory_space<vmem>>, vector<16xf32>,
      tpu.vector_store %arg6[%swap3A], %select_n3A_133 {strides = array<i32>} : memref<1280xf32, #tpu.memory_space<vmem>>, vector<16xf32>,
      %scan3A_137 = arith.constant 0 : i32
      scf.yield %scan3A_137 : i32
    }
    %scan3A_93 = arith.constant 80 : i32
    %mul3A_94 = arith.constant 10240 : i32
    %mul3A_95 = arith.muli %add3A, %mul3A_94 : i32
    %add3A_96 = arith.addi %mul3A_95, %mul3A_53 : i32
    "tpu.region"() ({
      %run_scoped3A = tpu.sem_alloc : memref<!tpu.dma_semaphore, #tpu.memory_space<semaphore_mem>>
      %dma_start3A = tpu.memref_slice %arg3[%add3A_96] : memref<40960xf32, #tpu.memory_space<hbm>> -> memref<1280xf32, #tpu.memory_space<hbm>>
      %dma_start3A_97 = tpu.memref_slice %arg3[%add3A_96] : memref<40960xf32, #tpu.memory_space<hbm>> -> memref<1280xf32, #tpu.memory_space<hbm>>
      tpu.enqueue_dma source(%arg6 : memref<1280xf32, #tpu.memory_space<vmem>>) target(%dma_start3A_97 : memref<1280xf32, #tpu.memory_space<hbm>>) target_semaphore(%run_scoped3A : memref<!tpu.dma_semaphore, #tpu.memory_space<semaphore_mem>>)
      %dma_wait3A = tpu.memref_slice %arg3[%add3A_96] : memref<40960xf32, #tpu.memory_space<hbm>> -> memref<1280xf32, #tpu.memory_space<hbm>>
      %dma_wait3A_98 = tpu.memref_slice %arg3[%add3A_96] : memref<40960xf32, #tpu.memory_space<hbm>> -> memref<1280xf32, #tpu.memory_space<hbm>>
      tpu.wait_dma2 semaphore(%run_scoped3A : memref<!tpu.dma_semaphore, #tpu.memory_space<semaphore_mem>>) src(%arg6 : memref<1280xf32, #tpu.memory_space<vmem>>) dst(%dma_wait3A_98 : memref<1280xf32, #tpu.memory_space<hbm>>)
      tpu.yield
    }) : () -> ()
    return
  }
}

module attributes {stable_mosaic.version = 14 : i64} {
  func.func @_final_body(%arg0: i32, %arg1: memref<1024x128xf32, #tpu.memory_space<vmem>>, %arg2: memref<1024x128xf32, #tpu.memory_space<vmem>>, %arg3: memref<1x8x128xf32, #tpu.memory_space<vmem>>, %arg4: memref<1x8x128xf32, #tpu.memory_space<vmem>>, %arg5: memref<128x128xf32, #tpu.memory_space<vmem>>, %arg6: memref<128x128xf32, #tpu.memory_space<vmem>>, %arg7: memref<1x128xf32, #tpu.memory_space<vmem>>, %arg8: memref<1x128xf32, #tpu.memory_space<vmem>>, %arg9: memref<1024x128xf32, #tpu.memory_space<vmem>>) attributes {dimension_semantics = [#tpu.dimension_semantics<arbitrary>], iteration_bounds = array<i64: 10>, scalar_prefetch = 0 : i64, scratch_operands = 0 : i64, tpu.core_type = #tpu.core_type<tc>, window_params = [{transform_indices = @transform_0, window_bounds = array<i64: 1024, 128>}, {transform_indices = @transform_1, window_bounds = array<i64: 1024, 128>}, {transform_indices = @transform_2, window_bounds = array<i64: 1, 8, 128>}, {transform_indices = @transform_3, window_bounds = array<i64: 1, 8, 128>}, {pipeline_mode = #tpu.pipeline_mode<synchronous>, transform_indices = @transform_4, window_bounds = array<i64: 128, 128>}, {pipeline_mode = #tpu.pipeline_mode<synchronous>, transform_indices = @transform_5, window_bounds = array<i64: 128, 128>}, {pipeline_mode = #tpu.pipeline_mode<synchronous>, transform_indices = @transform_6, window_bounds = array<i64: 1, 128>}, {pipeline_mode = #tpu.pipeline_mode<synchronous>, transform_indices = @transform_7, window_bounds = array<i64: 1, 128>}, {transform_indices = @transform_8, window_bounds = array<i64: 1024, 128>}]} {
    %get3A = arith.constant 0 : index
    %get3A_0 = arith.constant 0 : index
    %get3A_1 = arith.constant 0 : index
    %get3A_2 = vector.load %arg3[%get3A, %get3A_0, %get3A_1] : memref<1x8x128xf32, #tpu.memory_space<vmem>>, vector<1x1x128xf32>
    %get3A_3 = vector.shape_cast %get3A_2 : vector<1x1x128xf32> to vector<1x128xf32>
    %broadcast_in_dim3A = arith.constant 1.000000e+00 : f32
    %broadcast_in_dim3A_4 = vector.broadcast %broadcast_in_dim3A : f32 to vector<1x128xf32>
    %dot_general3A = arith.constant dense<0.000000e+00> : vector<128x128xf32>
    %dot_general3A_5 = tpu.matmul %get3A_3, %broadcast_in_dim3A_4, %dot_general3A {dimension_numbers = #tpu.dot_dimension_numbers<[0], [0], [1], [1], [0, 1, 1, 1], [], []>, transpose_lhs_hint = false} : vector<1x128xf32>, vector<1x128xf32>, vector<128x128xf32> -> vector<128x128xf32>
    %get3A_6 = arith.constant 0 : index
    %get3A_7 = arith.constant 1 : index
    %get3A_8 = arith.constant 0 : index
    %get3A_9 = vector.load %arg3[%get3A_6, %get3A_7, %get3A_8] : memref<1x8x128xf32, #tpu.memory_space<vmem>>, vector<1x1x128xf32>
    %get3A_10 = vector.shape_cast %get3A_9 : vector<1x1x128xf32> to vector<1x128xf32>
    %broadcast_in_dim3A_11 = arith.constant 1.000000e+00 : f32
    %broadcast_in_dim3A_12 = vector.broadcast %broadcast_in_dim3A_11 : f32 to vector<1x128xf32>
    %dot_general3A_13 = arith.constant dense<0.000000e+00> : vector<128x128xf32>
    %dot_general3A_14 = tpu.matmul %get3A_10, %broadcast_in_dim3A_12, %dot_general3A_13 {dimension_numbers = #tpu.dot_dimension_numbers<[0], [0], [1], [1], [0, 1, 1, 1], [], []>, transpose_lhs_hint = false} : vector<1x128xf32>, vector<1x128xf32>, vector<128x128xf32> -> vector<128x128xf32>
    %get3A_15 = arith.constant 0 : index
    %get3A_16 = arith.constant 2 : index
    %get3A_17 = arith.constant 0 : index
    %get3A_18 = vector.load %arg3[%get3A_15, %get3A_16, %get3A_17] : memref<1x8x128xf32, #tpu.memory_space<vmem>>, vector<1x1x128xf32>
    %get3A_19 = vector.shape_cast %get3A_18 : vector<1x1x128xf32> to vector<1x128xf32>
    %broadcast_in_dim3A_20 = arith.constant 1.000000e+00 : f32
    %broadcast_in_dim3A_21 = vector.broadcast %broadcast_in_dim3A_20 : f32 to vector<1x128xf32>
    %dot_general3A_22 = arith.constant dense<0.000000e+00> : vector<128x128xf32>
    %dot_general3A_23 = tpu.matmul %get3A_19, %broadcast_in_dim3A_21, %dot_general3A_22 {dimension_numbers = #tpu.dot_dimension_numbers<[0], [0], [1], [1], [0, 1, 1, 1], [], []>, transpose_lhs_hint = false} : vector<1x128xf32>, vector<1x128xf32>, vector<128x128xf32> -> vector<128x128xf32>
    %get3A_24 = arith.constant 0 : index
    %get3A_25 = arith.constant 3 : index
    %get3A_26 = arith.constant 0 : index
    %get3A_27 = vector.load %arg3[%get3A_24, %get3A_25, %get3A_26] : memref<1x8x128xf32, #tpu.memory_space<vmem>>, vector<1x1x128xf32>
    %get3A_28 = vector.shape_cast %get3A_27 : vector<1x1x128xf32> to vector<1x128xf32>
    %broadcast_in_dim3A_29 = arith.constant 1.000000e+00 : f32
    %broadcast_in_dim3A_30 = vector.broadcast %broadcast_in_dim3A_29 : f32 to vector<1x128xf32>
    %dot_general3A_31 = arith.constant dense<0.000000e+00> : vector<128x128xf32>
    %dot_general3A_32 = tpu.matmul %get3A_28, %broadcast_in_dim3A_30, %dot_general3A_31 {dimension_numbers = #tpu.dot_dimension_numbers<[0], [0], [1], [1], [0, 1, 1, 1], [], []>, transpose_lhs_hint = false} : vector<1x128xf32>, vector<1x128xf32>, vector<128x128xf32> -> vector<128x128xf32>
    %get3A_33 = arith.constant 0 : index
    %get3A_34 = arith.constant 4 : index
    %get3A_35 = arith.constant 0 : index
    %get3A_36 = vector.load %arg3[%get3A_33, %get3A_34, %get3A_35] : memref<1x8x128xf32, #tpu.memory_space<vmem>>, vector<1x1x128xf32>
    %get3A_37 = vector.shape_cast %get3A_36 : vector<1x1x128xf32> to vector<1x128xf32>
    %broadcast_in_dim3A_38 = arith.constant 1.000000e+00 : f32
    %broadcast_in_dim3A_39 = vector.broadcast %broadcast_in_dim3A_38 : f32 to vector<1x128xf32>
    %dot_general3A_40 = arith.constant dense<0.000000e+00> : vector<128x128xf32>
    %dot_general3A_41 = tpu.matmul %get3A_37, %broadcast_in_dim3A_39, %dot_general3A_40 {dimension_numbers = #tpu.dot_dimension_numbers<[0], [0], [1], [1], [0, 1, 1, 1], [], []>, transpose_lhs_hint = false} : vector<1x128xf32>, vector<1x128xf32>, vector<128x128xf32> -> vector<128x128xf32>
    %get3A_42 = arith.constant 0 : index
    %get3A_43 = arith.constant 5 : index
    %get3A_44 = arith.constant 0 : index
    %get3A_45 = vector.load %arg3[%get3A_42, %get3A_43, %get3A_44] : memref<1x8x128xf32, #tpu.memory_space<vmem>>, vector<1x1x128xf32>
    %get3A_46 = vector.shape_cast %get3A_45 : vector<1x1x128xf32> to vector<1x128xf32>
    %broadcast_in_dim3A_47 = arith.constant 1.000000e+00 : f32
    %broadcast_in_dim3A_48 = vector.broadcast %broadcast_in_dim3A_47 : f32 to vector<1x128xf32>
    %dot_general3A_49 = arith.constant dense<0.000000e+00> : vector<128x128xf32>
    %dot_general3A_50 = tpu.matmul %get3A_46, %broadcast_in_dim3A_48, %dot_general3A_49 {dimension_numbers = #tpu.dot_dimension_numbers<[0], [0], [1], [1], [0, 1, 1, 1], [], []>, transpose_lhs_hint = false} : vector<1x128xf32>, vector<1x128xf32>, vector<128x128xf32> -> vector<128x128xf32>
    %get3A_51 = arith.constant 0 : index
    %get3A_52 = arith.constant 6 : index
    %get3A_53 = arith.constant 0 : index
    %get3A_54 = vector.load %arg3[%get3A_51, %get3A_52, %get3A_53] : memref<1x8x128xf32, #tpu.memory_space<vmem>>, vector<1x1x128xf32>
    %get3A_55 = vector.shape_cast %get3A_54 : vector<1x1x128xf32> to vector<1x128xf32>
    %broadcast_in_dim3A_56 = arith.constant 1.000000e+00 : f32
    %broadcast_in_dim3A_57 = vector.broadcast %broadcast_in_dim3A_56 : f32 to vector<1x128xf32>
    %dot_general3A_58 = arith.constant dense<0.000000e+00> : vector<128x128xf32>
    %dot_general3A_59 = tpu.matmul %get3A_55, %broadcast_in_dim3A_57, %dot_general3A_58 {dimension_numbers = #tpu.dot_dimension_numbers<[0], [0], [1], [1], [0, 1, 1, 1], [], []>, transpose_lhs_hint = false} : vector<1x128xf32>, vector<1x128xf32>, vector<128x128xf32> -> vector<128x128xf32>
    %get3A_60 = arith.constant 0 : index
    %get3A_61 = arith.constant 7 : index
    %get3A_62 = arith.constant 0 : index
    %get3A_63 = vector.load %arg3[%get3A_60, %get3A_61, %get3A_62] : memref<1x8x128xf32, #tpu.memory_space<vmem>>, vector<1x1x128xf32>
    %get3A_64 = vector.shape_cast %get3A_63 : vector<1x1x128xf32> to vector<1x128xf32>
    %broadcast_in_dim3A_65 = arith.constant 1.000000e+00 : f32
    %broadcast_in_dim3A_66 = vector.broadcast %broadcast_in_dim3A_65 : f32 to vector<1x128xf32>
    %dot_general3A_67 = arith.constant dense<0.000000e+00> : vector<128x128xf32>
    %dot_general3A_68 = tpu.matmul %get3A_64, %broadcast_in_dim3A_66, %dot_general3A_67 {dimension_numbers = #tpu.dot_dimension_numbers<[0], [0], [1], [1], [0, 1, 1, 1], [], []>, transpose_lhs_hint = false} : vector<1x128xf32>, vector<1x128xf32>, vector<128x128xf32> -> vector<128x128xf32>
    %concatenate3A = tpu.concatenate %dot_general3A_5, %dot_general3A_14, %dot_general3A_23, %dot_general3A_32, %dot_general3A_41, %dot_general3A_50, %dot_general3A_59, %dot_general3A_68 in 0 : vector<128x128xf32>, vector<128x128xf32>, vector<128x128xf32>, vector<128x128xf32>, vector<128x128xf32>, vector<128x128xf32>, vector<128x128xf32>, vector<128x128xf32> -> vector<1024x128xf32>
    %get3A_69 = arith.constant 0 : index
    %get3A_70 = arith.constant 0 : index
    %get3A_71 = arith.constant 0 : index
    %get3A_72 = vector.load %arg4[%get3A_69, %get3A_70, %get3A_71] : memref<1x8x128xf32, #tpu.memory_space<vmem>>, vector<1x1x128xf32>
    %get3A_73 = vector.shape_cast %get3A_72 : vector<1x1x128xf32> to vector<1x128xf32>
    %broadcast_in_dim3A_74 = arith.constant 1.000000e+00 : f32
    %broadcast_in_dim3A_75 = vector.broadcast %broadcast_in_dim3A_74 : f32 to vector<1x128xf32>
    %dot_general3A_76 = arith.constant dense<0.000000e+00> : vector<128x128xf32>
    %dot_general3A_77 = tpu.matmul %get3A_73, %broadcast_in_dim3A_75, %dot_general3A_76 {dimension_numbers = #tpu.dot_dimension_numbers<[0], [0], [1], [1], [0, 1, 1, 1], [], []>, transpose_lhs_hint = false} : vector<1x128xf32>, vector<1x128xf32>, vector<128x128xf32> -> vector<128x128xf32>
    %get3A_78 = arith.constant 0 : index
    %get3A_79 = arith.constant 1 : index
    %get3A_80 = arith.constant 0 : index
    %get3A_81 = vector.load %arg4[%get3A_78, %get3A_79, %get3A_80] : memref<1x8x128xf32, #tpu.memory_space<vmem>>, vector<1x1x128xf32>
    %get3A_82 = vector.shape_cast %get3A_81 : vector<1x1x128xf32> to vector<1x128xf32>
    %broadcast_in_dim3A_83 = arith.constant 1.000000e+00 : f32
    %broadcast_in_dim3A_84 = vector.broadcast %broadcast_in_dim3A_83 : f32 to vector<1x128xf32>
    %dot_general3A_85 = arith.constant dense<0.000000e+00> : vector<128x128xf32>
    %dot_general3A_86 = tpu.matmul %get3A_82, %broadcast_in_dim3A_84, %dot_general3A_85 {dimension_numbers = #tpu.dot_dimension_numbers<[0], [0], [1], [1], [0, 1, 1, 1], [], []>, transpose_lhs_hint = false} : vector<1x128xf32>, vector<1x128xf32>, vector<128x128xf32> -> vector<128x128xf32>
    %get3A_87 = arith.constant 0 : index
    %get3A_88 = arith.constant 2 : index
    %get3A_89 = arith.constant 0 : index
    %get3A_90 = vector.load %arg4[%get3A_87, %get3A_88, %get3A_89] : memref<1x8x128xf32, #tpu.memory_space<vmem>>, vector<1x1x128xf32>
    %get3A_91 = vector.shape_cast %get3A_90 : vector<1x1x128xf32> to vector<1x128xf32>
    %broadcast_in_dim3A_92 = arith.constant 1.000000e+00 : f32
    %broadcast_in_dim3A_93 = vector.broadcast %broadcast_in_dim3A_92 : f32 to vector<1x128xf32>
    %dot_general3A_94 = arith.constant dense<0.000000e+00> : vector<128x128xf32>
    %dot_general3A_95 = tpu.matmul %get3A_91, %broadcast_in_dim3A_93, %dot_general3A_94 {dimension_numbers = #tpu.dot_dimension_numbers<[0], [0], [1], [1], [0, 1, 1, 1], [], []>, transpose_lhs_hint = false} : vector<1x128xf32>, vector<1x128xf32>, vector<128x128xf32> -> vector<128x128xf32>
    %get3A_96 = arith.constant 0 : index
    %get3A_97 = arith.constant 3 : index
    %get3A_98 = arith.constant 0 : index
    %get3A_99 = vector.load %arg4[%get3A_96, %get3A_97, %get3A_98] : memref<1x8x128xf32, #tpu.memory_space<vmem>>, vector<1x1x128xf32>
    %get3A_100 = vector.shape_cast %get3A_99 : vector<1x1x128xf32> to vector<1x128xf32>
    %broadcast_in_dim3A_101 = arith.constant 1.000000e+00 : f32
    %broadcast_in_dim3A_102 = vector.broadcast %broadcast_in_dim3A_101 : f32 to vector<1x128xf32>
    %dot_general3A_103 = arith.constant dense<0.000000e+00> : vector<128x128xf32>
    %dot_general3A_104 = tpu.matmul %get3A_100, %broadcast_in_dim3A_102, %dot_general3A_103 {dimension_numbers = #tpu.dot_dimension_numbers<[0], [0], [1], [1], [0, 1, 1, 1], [], []>, transpose_lhs_hint = false} : vector<1x128xf32>, vector<1x128xf32>, vector<128x128xf32> -> vector<128x128xf32>
    %get3A_105 = arith.constant 0 : index
    %get3A_106 = arith.constant 4 : index
    %get3A_107 = arith.constant 0 : index
    %get3A_108 = vector.load %arg4[%get3A_105, %get3A_106, %get3A_107] : memref<1x8x128xf32, #tpu.memory_space<vmem>>, vector<1x1x128xf32>
    %get3A_109 = vector.shape_cast %get3A_108 : vector<1x1x128xf32> to vector<1x128xf32>
    %broadcast_in_dim3A_110 = arith.constant 1.000000e+00 : f32
    %broadcast_in_dim3A_111 = vector.broadcast %broadcast_in_dim3A_110 : f32 to vector<1x128xf32>
    %dot_general3A_112 = arith.constant dense<0.000000e+00> : vector<128x128xf32>
    %dot_general3A_113 = tpu.matmul %get3A_109, %broadcast_in_dim3A_111, %dot_general3A_112 {dimension_numbers = #tpu.dot_dimension_numbers<[0], [0], [1], [1], [0, 1, 1, 1], [], []>, transpose_lhs_hint = false} : vector<1x128xf32>, vector<1x128xf32>, vector<128x128xf32> -> vector<128x128xf32>
    %get3A_114 = arith.constant 0 : index
    %get3A_115 = arith.constant 5 : index
    %get3A_116 = arith.constant 0 : index
    %get3A_117 = vector.load %arg4[%get3A_114, %get3A_115, %get3A_116] : memref<1x8x128xf32, #tpu.memory_space<vmem>>, vector<1x1x128xf32>
    %get3A_118 = vector.shape_cast %get3A_117 : vector<1x1x128xf32> to vector<1x128xf32>
    %broadcast_in_dim3A_119 = arith.constant 1.000000e+00 : f32
    %broadcast_in_dim3A_120 = vector.broadcast %broadcast_in_dim3A_119 : f32 to vector<1x128xf32>
    %dot_general3A_121 = arith.constant dense<0.000000e+00> : vector<128x128xf32>
    %dot_general3A_122 = tpu.matmul %get3A_118, %broadcast_in_dim3A_120, %dot_general3A_121 {dimension_numbers = #tpu.dot_dimension_numbers<[0], [0], [1], [1], [0, 1, 1, 1], [], []>, transpose_lhs_hint = false} : vector<1x128xf32>, vector<1x128xf32>, vector<128x128xf32> -> vector<128x128xf32>
    %get3A_123 = arith.constant 0 : index
    %get3A_124 = arith.constant 6 : index
    %get3A_125 = arith.constant 0 : index
    %get3A_126 = vector.load %arg4[%get3A_123, %get3A_124, %get3A_125] : memref<1x8x128xf32, #tpu.memory_space<vmem>>, vector<1x1x128xf32>
    %get3A_127 = vector.shape_cast %get3A_126 : vector<1x1x128xf32> to vector<1x128xf32>
    %broadcast_in_dim3A_128 = arith.constant 1.000000e+00 : f32
    %broadcast_in_dim3A_129 = vector.broadcast %broadcast_in_dim3A_128 : f32 to vector<1x128xf32>
    %dot_general3A_130 = arith.constant dense<0.000000e+00> : vector<128x128xf32>
    %dot_general3A_131 = tpu.matmul %get3A_127, %broadcast_in_dim3A_129, %dot_general3A_130 {dimension_numbers = #tpu.dot_dimension_numbers<[0], [0], [1], [1], [0, 1, 1, 1], [], []>, transpose_lhs_hint = false} : vector<1x128xf32>, vector<1x128xf32>, vector<128x128xf32> -> vector<128x128xf32>
    %get3A_132 = arith.constant 0 : index
    %get3A_133 = arith.constant 7 : index
    %get3A_134 = arith.constant 0 : index
    %get3A_135 = vector.load %arg4[%get3A_132, %get3A_133, %get3A_134] : memref<1x8x128xf32, #tpu.memory_space<vmem>>, vector<1x1x128xf32>
    %get3A_136 = vector.shape_cast %get3A_135 : vector<1x1x128xf32> to vector<1x128xf32>
    %broadcast_in_dim3A_137 = arith.constant 1.000000e+00 : f32
    %broadcast_in_dim3A_138 = vector.broadcast %broadcast_in_dim3A_137 : f32 to vector<1x128xf32>
    %dot_general3A_139 = arith.constant dense<0.000000e+00> : vector<128x128xf32>
    %dot_general3A_140 = tpu.matmul %get3A_136, %broadcast_in_dim3A_138, %dot_general3A_139 {dimension_numbers = #tpu.dot_dimension_numbers<[0], [0], [1], [1], [0, 1, 1, 1], [], []>, transpose_lhs_hint = false} : vector<1x128xf32>, vector<1x128xf32>, vector<128x128xf32> -> vector<128x128xf32>
    %concatenate3A_141 = tpu.concatenate %dot_general3A_77, %dot_general3A_86, %dot_general3A_95, %dot_general3A_104, %dot_general3A_113, %dot_general3A_122, %dot_general3A_131, %dot_general3A_140 in 0 : vector<128x128xf32>, vector<128x128xf32>, vector<128x128xf32>, vector<128x128xf32>, vector<128x128xf32>, vector<128x128xf32>, vector<128x128xf32>, vector<128x128xf32> -> vector<1024x128xf32>
    %get3A_142 = arith.constant 0 : index
    %get3A_143 = arith.constant 0 : index
    %get3A_144 = vector.load %arg1[%get3A_142, %get3A_143] : memref<1024x128xf32, #tpu.memory_space<vmem>>, vector<1024x128xf32>
    %mul3A = arith.mulf %get3A_144, %concatenate3A : vector<1024x128xf32>
    %get3A_145 = arith.constant 0 : index
    %get3A_146 = arith.constant 0 : index
    %get3A_147 = vector.load %arg5[%get3A_145, %get3A_146] : memref<128x128xf32, #tpu.memory_space<vmem>>, vector<128x128xf32>
    %dot_general3A_148 = arith.constant dense<0.000000e+00> : vector<1024x128xf32>
    %dot_general3A_149 = tpu.matmul %mul3A, %get3A_147, %dot_general3A_148 {dimension_numbers = #tpu.dot_dimension_numbers<[1], [0], [0], [1], [0, 0, 1, 1], [], []>, transpose_lhs_hint = false} : vector<1024x128xf32>, vector<128x128xf32>, vector<1024x128xf32> -> vector<1024x128xf32>
    %get3A_150 = arith.constant 0 : index
    %get3A_151 = arith.constant 0 : index
    %get3A_152 = vector.load %arg2[%get3A_150, %get3A_151] : memref<1024x128xf32, #tpu.memory_space<vmem>>, vector<1024x128xf32>
    %mul3A_153 = arith.mulf %get3A_152, %concatenate3A_141 : vector<1024x128xf32>
    %get3A_154 = arith.constant 0 : index
    %get3A_155 = arith.constant 0 : index
    %get3A_156 = vector.load %arg6[%get3A_154, %get3A_155] : memref<128x128xf32, #tpu.memory_space<vmem>>, vector<128x128xf32>
    %dot_general3A_157 = arith.constant dense<0.000000e+00> : vector<1024x128xf32>
    %dot_general3A_158 = tpu.matmul %mul3A_153, %get3A_156, %dot_general3A_157 {dimension_numbers = #tpu.dot_dimension_numbers<[1], [0], [0], [1], [0, 0, 1, 1], [], []>, transpose_lhs_hint = false} : vector<1024x128xf32>, vector<128x128xf32>, vector<1024x128xf32> -> vector<1024x128xf32>
    %add3A = arith.addf %dot_general3A_149, %dot_general3A_158 : vector<1024x128xf32>
    %get3A_159 = arith.constant 0 : index
    %get3A_160 = arith.constant 0 : index
    %get3A_161 = vector.load %arg7[%get3A_159, %get3A_160] : memref<1x128xf32, #tpu.memory_space<vmem>>, vector<1x128xf32>
    %add3A_162 = vector.broadcast %get3A_161 : vector<1x128xf32> to vector<1024x128xf32>
    %add3A_163 = arith.addf %add3A, %add3A_162 : vector<1024x128xf32>
    %get3A_164 = arith.constant 0 : index
    %get3A_165 = arith.constant 0 : index
    %get3A_166 = vector.load %arg8[%get3A_164, %get3A_165] : memref<1x128xf32, #tpu.memory_space<vmem>>, vector<1x128xf32>
    %add3A_167 = vector.broadcast %get3A_166 : vector<1x128xf32> to vector<1024x128xf32>
    %add3A_168 = arith.addf %add3A_163, %add3A_167 : vector<1024x128xf32>
    %max3A = arith.constant 0.000000e+00 : f32
    %max3A_169 = vector.broadcast %max3A : f32 to vector<1024x128xf32>
    %max3A_170 = arith.maximumf %add3A_168, %max3A_169 : vector<1024x128xf32>
    %swap3A = arith.constant 0 : index
    %swap3A_171 = arith.constant 0 : index
    %swap3A_172 = vector.load %arg9[%swap3A, %swap3A_171] : memref<1024x128xf32, #tpu.memory_space<vmem>>, vector<1024x128xf32>
    tpu.vector_store %arg9[%swap3A, %swap3A_171], %max3A_170 {strides = array<i32>} : memref<1024x128xf32, #tpu.memory_space<vmem>>, vector<1024x128xf32>,
    return
  }
  func.func @transform_0(%arg0: i32) -> (i32, i32) {
    %c0_i32 = arith.constant 0 : i32
    %c0_i32_0 = arith.constant 0 : i32
    return %arg0, %c0_i32 : i32, i32
  }
  func.func @transform_1(%arg0: i32) -> (i32, i32) {
    %add3A = arith.constant 10 : i32
    %add3A_0 = arith.addi %arg0, %add3A : i32
    %c0_i32 = arith.constant 0 : i32
    %c0_i32_1 = arith.constant 0 : i32
    return %add3A_0, %c0_i32 : i32, i32
  }
  func.func @transform_2(%arg0: i32) -> (i32, i32, i32) {
    %add3A = arith.constant 10 : i32
    %add3A_0 = arith.addi %add3A, %arg0 : i32
    %c0_i32 = arith.constant 0 : i32
    %c0_i32_1 = arith.constant 0 : i32
    %c0_i32_2 = arith.constant 0 : i32
    return %add3A_0, %c0_i32, %c0_i32_1 : i32, i32, i32
  }
  func.func @transform_3(%arg0: i32) -> (i32, i32, i32) {
    %add3A = arith.constant 30 : i32
    %add3A_0 = arith.addi %add3A, %arg0 : i32
    %c0_i32 = arith.constant 0 : i32
    %c0_i32_1 = arith.constant 0 : i32
    %c0_i32_2 = arith.constant 0 : i32
    return %add3A_0, %c0_i32, %c0_i32_1 : i32, i32, i32
  }
  func.func @transform_4(%arg0: i32) -> (i32, i32) {
    %c0_i32 = arith.constant 0 : i32
    %c0_i32_0 = arith.constant 0 : i32
    %c0_i32_1 = arith.constant 0 : i32
    return %c0_i32, %c0_i32_0 : i32, i32
  }
  func.func @transform_5(%arg0: i32) -> (i32, i32) {
    %c0_i32 = arith.constant 0 : i32
    %c0_i32_0 = arith.constant 0 : i32
    %c0_i32_1 = arith.constant 0 : i32
    return %c0_i32, %c0_i32_0 : i32, i32
  }
  func.func @transform_6(%arg0: i32) -> (i32, i32) {
    %c0_i32 = arith.constant 0 : i32
    %c0_i32_0 = arith.constant 0 : i32
    %c0_i32_1 = arith.constant 0 : i32
    return %c0_i32, %c0_i32_0 : i32, i32
  }
  func.func @transform_7(%arg0: i32) -> (i32, i32) {
    %c0_i32 = arith.constant 0 : i32
    %c0_i32_0 = arith.constant 0 : i32
    %c0_i32_1 = arith.constant 0 : i32
    return %c0_i32, %c0_i32_0 : i32, i32
  }
  func.func @transform_8(%arg0: i32) -> (i32, i32) {
    %c0_i32 = arith.constant 0 : i32
    %c0_i32_0 = arith.constant 0 : i32
    return %arg0, %c0_i32 : i32, i32
  }
}

</mosaic_0001>

<sc_bundles>
// kernel: kernel.5.cloned.1.call-start
scs
__scs_entry_jumppad:
0x0: {  	(pc) =	sbr.rel $0x88, $3  }
0x1: {  	(tag) =	ssettag $0x0;
	lr =	simm.s32 $0x1  }
0x2: {  	[smem:$0x3F9A] =	sst lr;
	_ =	strace $0xD0000000  }
0x3: {  	_ = 	snop  }
0x4: {  	_ = 	snop  }
0x5: {  	_ = 	snop  }
0x6: {  	_ = 	snop  }
0x7: {  	_ = 	snop  }
__scs_overlays_trampoline_lowered:
0x8: {  	[smem:$0x3FA9] =	sst s0  }
0x9: {  	[smem:$0x3FAA] =	sst s1  }
0xa: {  	[smem:$0x3FAB] =	sst s2  }
0xb: {  	[smem:$0x3FAC] =	sst s3  }
0xc: {  	[smem:$0x3FAD] =	sst s4  }
0xd: {  	[smem:$0x3FAE] =	sst s5  }
0xe: {  	[smem:$0x3FAF] =	sst s6  }
0xf: {  	[smem:$0x3FB0] =	sst s7  }
0x10: {  	[smem:$0x3FB1] =	sst s8  }
0x11: {  	[smem:$0x3FB2] =	sst s9;
	s0 =	simm.s32 @!p0 $0x0  }
0x12: {  	s1 =	sld [smem:$0x3F98];
	s0 =	simm.s32 @p0 $0x1  }
0x13: {  	[smem:$0x3FB3] =	sst s0;
	s0 =	simm.s32 @!p1 $0x0  }
0x14: {  	s2 =	sld [smem:$0x3F97];
	s0 =	simm.s32 @p1 $0x1  }
0x15: {  	[smem:$0x3FB4] =	sst s0;
	s0 =	simm.s32 @!p2 $0x0  }
0x16: {  	s3 =	sld [smem:$0x3FDB];
	s0 =	simm.s32 @p2 $0x1  }
0x17: {  	s4 =	simm.s32 $0x1BF5;
	[smem:$0x3FB6] =	sst s0  }
0x18: {  	s0 =	sld [smem:$0x3F99];
	_ =	swait.ge [sflag:s4], $0x0  }
0x19: {  	s7 =	sld [smem:$0x3F9A]  }
0x1a: {  	s8 =	sadd.s32 $0xFFFFE003, lr  }
0x1b: {  	s9 =	sadd.s32 $0xFFFFFEF7, lr;
	s5 =	simm.s32 $0xFFFFFFFF;
	p2 =	slt.u32 s8, $0xFFFFF086  }
0x1c: {  	p1 =	slt.u32 s9, $0xF7A;
	s5 =	simm.s32 @!p2 $0x0  }
0x1d: {  	s5 =	simm.s32 @p1 $0x1;
	p0 =	seq.s32 s7, s2  }
0x1e: {  	s7 =	smul.u32 @!p0 $0xF7A, s2;
	p2 =	seq.s32 @!p0 s5, $0x0  }
0x1f: {  	s9 =	smul.u32 $0xF7A, s1;
	s8 =	simm.s32 @!p0 $0x1BF5;
	p2 =	por !p2, p0  }
0x20: {  	[sflag:s8] =	ssyncset.s32 @!p0 $0xFFFFF086;
	s6 =	sadd.s32 @!p0 s3, s7;
	s7 =	simm.s32 @!p0 $0x108  }
0x21: {  	s3 =	sadd.s32 s3, s9;
	s6 =	sadd.s32 @!p0 $0x88, s6;
	s7 =	simm.s32 @p2 $0x1082  }
0x22: {  	[simem:s7], [sflag:s8] =	dma.local @!p0 [hbm:s6], $0xF7A  }
0x23: {  	s9 =	sor.u32 $0xD0000000, s2;
	s6 =	simm.s32 $0x108;
	_ =	swait.ge @!p0 [sflag:s8], $0x0  }
0x24: {  	s3 =	sadd.s32 $0x88, s3;
	s6 =	simm.s32 @!p1 $0x1082;
	[sflag:s4] =	ssyncset.s32 $0xFFFFF086  }
0x25: {  	[simem:s6], [sflag:s4] =	dma.local [hbm:s3], $0xF7A  }
0x26: {  	[smem:$0x3F9A] =	sst s1;
	(tag) =	ssettag s2;
	_ =	strace s9  }
0x27: {  	s1 =	sld [smem:$0x3FAA]  }
0x28: {  	s2 =	sld [smem:$0x3FAB]  }
0x29: {  	s4 =	sld [smem:$0x3FAD]  }
0x2a: {  	p0 =	seq.s32 s5, $0x0;
	s5 =	sld [smem:$0x3FAE]  }
0x2b: {  	s6 =	sld [smem:$0x3FAF]  }
0x2c: {  	s7 =	sld [smem:$0x3FB0]  }
0x2d: {  	s3 =	simm.s32 $0x108;
	s8 =	sld [smem:$0x3FB1]  }
0x2e: {  	s3 =	simm.s32 @!p0 $0x1082;
	s9 =	sld [smem:$0x3FB2]  }
0x2f: {  	lr =	sadd.s32 s0, s3;
	s0 =	sld [smem:$0x3FA9]  }
0x30: {  	s3 =	sld [smem:$0x3FAC]  }
0x31: {  	[smem:$0x3FB5] =	sst s10  }
0x32: {  	s10 =	sld [smem:$0x3FB3];
	_ =	sdelay $0x3  }
0x33: {  	p0 =	seq.s32 s10, $0x1;
	s10 =	sld [smem:$0x3FB5];
	_ =	sdelay $0x3  }
0x34: {  	[smem:$0x3FB5] =	sst s10  }
0x35: {  	s10 =	sld [smem:$0x3FB4];
	_ =	sdelay $0x3  }
0x36: {  	p1 =	seq.s32 s10, $0x1;
	s10 =	sld [smem:$0x3FB5];
	_ =	sdelay $0x3  }
0x37: {  	[smem:$0x3FB5] =	sst s10  }
0x38: {  	s10 =	sld [smem:$0x3FB6]  }
0x39: {  	_ = 	snop;
	(pc) =	sbr.ind lr, $3  }
0x3a: {  	_ = 	snop  }
0x3b: {  	_ = 	snop  }
0x3c: {  	p2 =	seq.s32 s10, $0x1;
	s10 =	sld [smem:$0x3FB5]  }
0x3d: {  	_ =	shalt  }
0x3e: {  	_ =	shalt  }
0x3f: {  	_ =	shalt  }
0x40: {  	_ =	shalt  }
0x41: {  	_ =	shalt  }
0x42: {  	_ =	shalt  }
0x43: {  	_ =	shalt  }
0x44: {  	_ =	shalt  }
0x45: {  	_ =	shalt  }
0x46: {  	_ =	shalt  }
0x47: {  	_ =	shalt  }
0x48: {  	_ =	shalt  }
0x49: {  	_ =	shalt  }
0x4a: {  	_ =	shalt  }
0x4b: {  	_ =	shalt  }
0x4c: {  	_ =	shalt  }
0x4d: {  	_ =	shalt  }
0x4e: {  	_ =	shalt  }
0x4f: {  	_ =	shalt  }
0x50: {  	_ =	shalt  }
0x51: {  	_ =	shalt  }
0x52: {  	_ =	shalt  }
0x53: {  	_ =	shalt  }
0x54: {  	_ =	shalt  }
0x55: {  	_ =	shalt  }
0x56: {  	_ =	shalt  }
0x57: {  	_ =	shalt  }
0x58: {  	_ =	shalt  }
0x59: {  	_ =	shalt  }
0x5a: {  	_ =	shalt  }
0x5b: {  	_ =	shalt  }
0x5c: {  	_ =	shalt  }
0x5d: {  	_ =	shalt  }
0x5e: {  	_ =	shalt  }
0x5f: {  	_ =	shalt  }
0x60: {  	_ =	shalt  }
0x61: {  	_ =	shalt  }
0x62: {  	_ =	shalt  }
0x63: {  	_ =	shalt  }
0x64: {  	_ =	shalt  }
0x65: {  	_ =	shalt  }
0x66: {  	_ =	shalt  }
0x67: {  	_ =	shalt  }
0x68: {  	_ =	shalt  }
0x69: {  	_ =	shalt  }
0x6a: {  	_ =	shalt  }
0x6b: {  	_ =	shalt  }
0x6c: {  	_ =	shalt  }
0x6d: {  	_ =	shalt  }
0x6e: {  	_ =	shalt  }
0x6f: {  	_ =	shalt  }
0x70: {  	_ =	shalt  }
0x71: {  	_ =	shalt  }
0x72: {  	_ =	shalt  }
0x73: {  	_ =	shalt  }
0x74: {  	_ =	shalt  }
0x75: {  	_ =	shalt  }
0x76: {  	_ =	shalt  }
0x77: {  	_ =	shalt  }
0x78: {  	_ =	shalt  }
0x79: {  	_ =	shalt  }
0x7a: {  	_ =	shalt  }
0x7b: {  	_ =	shalt  }
0x7c: {  	_ =	shalt  }
0x7d: {  	_ =	shalt  }
0x7e: {  	_ =	shalt  }
0x7f: {  	_ =	shalt  }
0x80: {  	_ =	shalt  }
0x81: {  	_ =	shalt  }
0x82: {  	_ =	shalt  }
0x83: {  	_ =	shalt  }
0x84: {  	_ =	shalt  }
0x85: {  	_ =	shalt  }
0x86: {  	_ =	shalt  }
0x87: {  	_ =	shalt  }
.Lfunc_end0:
.L_simem_size_0:
called_computation_lowered:
.L_overlay_start_0:
0x88: {  	s2 =	sld [smem:$0x3FD9]  }
0x89: {  	s3 =	sld [smem:$0x3FFE];
	_ =	sdelay $0x1  }
0x8a: {  	s1 =	srdreg.scid  }
0x8b: {  	s0 =	sand.u32 $0x1, s1  }
0x8c: {  	s17 =	sshll.u32 s0, $0xA;
	s2 =	sadd.s32 s3, s2  }
0x8d: {  	s2 =	sadd.s32 s2, s17  }
0x8e: {  	[smem:$0x3FC1] =	sst s2  }
0x8f: {  	_ = 	snop  }
0x90: {  	s2 =	sld [smem:$0x3FD0];
	(tm) =	ssettm $0x1  }
0x91: {  	s18 =	sld [smem:$0x3FFB];
	_ =	sdelay $0x3  }
0x92: {  	_ =	strace s18  }
0x93: {  	s3 =	sld [smem:$0x3FFC];
	_ =	sdelay $0x3  }
0x94: {  	_ =	strace s3  }
0x95: {  	s3 =	sld [smem:$0x3FFD];
	_ =	sdelay $0x3  }
0x96: {  	_ =	strace s3  }
0x97: {  	_ =	strace $0x8FFFFFFF  }
0x98: {  	s19 =	sld [smem:$0x3FDB];
	_ =	sdelay $0x1  }
0x99: {  	s4 =	simm.s32 $_scs_section_size  }
0x9a: {  	s5 =	simm.s32 $_size__tile_overlayer_lowered;
	s6 =	simm.s32 $_tile_overlayer_lowered  }
0x9b: {  	s22 =	simm.s32 $0x1BFF;
	s21 =	sshll.u32 s6, $0x1;
	s3 =	sadd.s32 s4, s19  }
0x9c: {  	s7 =	simm.s32 $0x0;
	s20 =	sshll.u32 s5, $0x1;
	s5 =	sadd.s32 s21, s3  }
0x9d: {  	[timem:s7], [sflag:s22] =	dma.local [hbm:s5], s20  }
0x9e: {  	_ =	swait.ge [sflag:s22], s20  }
0x9f: {  	s4 =	ssub.s32 $0x0, s20;
	[sflag:s22] =	ssyncset.done $0x0  }
0xa0: {  	[sflag:s22] =	ssyncadd.s32 s4;
	_ =	sdelay $0x1  }
0xa1: {  	s23 =	simm.s32 $0x1B8B  }
0xa2: {  	_ =	swait.ge [sflag:s23], $0x1  }
0xa3: {  	[sflag:s23] =	ssyncset.done $0x0  }
0xa4: {  	s25 =	simm.s32 $0x1B8E;
	s24 =	sld [smem:$0x3FFE];
	[sflag:s23] =	ssyncadd.s32 $0xFFFFFFFF  }
0xa5: {  	s26 =	simm.s32 $execute0_lowered;
	[smem:$0x3FD2] =	sst s25  }
0xa6: {  	s5 =	sshll.u32 s26, $0x1;
	_ =	strace $0x80000046;
	[dreg:$0x1] =	wrdreg $0xFFFFFFFF  }
0xa7: {  	s28 =	simm.s32 $_size_execute0_lowered;
	s3 =	sadd.s32 s3, s5;
	[dreg:$0x0] =	wrdreg $0x0  }
0xa8: {  	s5 =	sshll.u32 s28, $0x1;
	[dreg:$0x2] =	wrdreg s3  }
0xa9: {  	[dreg:$0x3] =	wrdreg s5  }
0xaa: {  	[dreg:$0x4] =	wrdreg $0xC0  }
0xab: {  	_ =	task [dreg:s7], $0x5FFFF  }
0xac: {  	[dreg:$0x1] =	wrdreg $0xFFFFFFFF  }
0xad: {  	[dreg:$0x0] =	wrdreg $0x60  }
0xae: {  	[dreg:$0x2] =	wrdreg s2  }
0xaf: {  	[dreg:$0x3] =	wrdreg s24  }
0xb0: {  	[dreg:$0x4] =	wrdreg $0x82000  }
0xb1: {  	[dreg:$0x5] =	wrdreg $0x9  }
0xb2: {  	_ =	task.clear_ibuf [dreg:s7], $0x6FFFF;
	_ =	strace $0x90000046  }
0xb3: {  	s29 =	simm.s32 $0x9;
	_ =	strace $0x80000048  }
0xb4: {  	_ =	swait.ge [sflag:s29], $0x1  }
0xb5: {  	[sflag:s29] =	ssyncadd.s32 $0xFFFFFFFF  }
0xb6: {  	_ =	strace $0x90000048  }
0xb7: {  	_ =	sfence  }
0xb8: {  	s30 =	sld [smem:$0x0];
	_ =	sdelay $0x2  }
0xb9: {  	s31 =	sshll.u32 s1, $0xD;
	s1 =	sshrl.u32 s1, $0x2  }
0xba: {  	s3 =	sand.u32 $0x4000, s31;
	s1 =	sadd.s32 s1, s30  }
0xbb: {  	s0 =	sor.u32 s3, s0;
	s1 =	sshll.u32 s1, $0x11  }
0xbc: {  	s0 =	sor.u32 s1, s0  }
0xbd: {  	s0 =	sadd.s32 $0x8F2B, s0  }
0xbe: {  	[sflag:s0] =	ssyncadd.remote.s32 $0x1  }
0xbf: {  	_ =	sfence.sel $0xFFFF  }
0xc0: {  	[dreg:$0x0] =	wrdreg $0xFFFFFFFF;
	(pc) =	sbr.abs _section_cstart, $3  }
0xc1: {  	[dreg:$0x1] =	wrdreg $0xFFFFFFFF  }
0xc2: {  	_ =	task.clear_ibuf [dreg:s7], $0x2FFFF;
	_ =	strace $0x9FFFFFFF  }
0xc3: {  	(tm) =	ssettm $0x7FFFFFFF  }
tec
execute0_lowered:
.L_overlay_start_1:
0x0: {  	(tag) =	ssettag $0x1  }
0x1: {  	s3 =	rddreg [dreg:$0x0]  }
0x2: {  	s1 =	srdreg.scid;
	s4 =	rddreg [dreg:$0x1]  }
0x3: {  	s0 =	stileid.u32;
	s8 =	rddreg [dreg:$0x2];
	s2 =	simm.s32 $0x0  }
0x4: {  	s13 =	simm.s32 $0x7D00;
	s14 =	simm.s32 $0x0;
	s7 =	sand.u32 $0x7, s0  }
0x5: {  	s5 =	sand.u32 $0x1, s1;
	s6 =	sshrl.u32 s0, $0x3;
	s10 =	smul.u32 $0x500, s7  }
0x6: {  	[smem:$0x7FF] =	sst s2;
	s31 =	sshll.u32 s0, $0x7;
	s26 =	smul.u32 $0x5000, s7  }
0x7: {  	s1 =	sshll.u32 s5, $0x1;
	s5 =	ssub.s32 $0x2, s5;
	s30 =	smul.u32 $0xA000, s7  }
0x8: {  	s7 =	sand.u32 $0x380, s31;
	s9 =	sor.u32 s6, s1;
	s6 =	smul.u32 $0x50000, s6  }
0x9: {  	s1 =	rddreg [dreg:$0x3];
	s28 =	sshrl.u32 s5, $0x1;
	s11 =	smul.u32 $0x2800, s9  }
0xa: {  	_ =	strace $0x80000047;
	s9 =	smul.u32 $0x28000, s9;
	s12 =	ssub.s32 s5, s28  }
0xb: {  	s5 =	sshrl.u32 s30, $0x2;
	s6 =	sshrl.u32 s6, $0x2;
	s10 =	sadd.s32 s10, s11  }
0xc: {  	s29 =	sadd.s32 s26, s9;
	s6 =	sadd.s32 s6, s8;
	s8 =	simm.s32 $0x2800  }
0xd: {  	s9 =	simm.s32 $0x1;
	s11 =	simm.s32 $0x400;
	s10 =	sshrl.u32 s10, $0x3  }
0xe: {  	s5 =	sadd.s32 s5, s6;
	s10 =	sadd.s32 s10, s4;
	s4 =	sshrl.u32 s29, $0x3  }
0xf: {  	s3 =	sadd.s32 s3, s4;
	s4 =	sadd.s32 s7, s6;
	s6 =	sadd.s32 $0x1000, s10  }
0x10: {  	v0 =	vimm.f32 $0.0e+00;
	v1 =	vimm.f32 $1.000000000e+00;
	s7 =	smax.u32 s12, $0x1;
	s10 =	simm.s32 $0x80;
	s12 =	simm.s32 $0x7800  }
.LBB2_1:
0x11: {  	s16 =	simm.s32 $0x100;
	s15 =	simm.s32 $0x0  }
.LBB2_2:
0x12: {  	p0 =	sne.s32 s16, $0x9F00;
	[tilespmem:s15+$0x30] =	vst v0;
	s17 =	smov.u32 s16;
	s16 =	sadd.s32 $0x100, s16  }
.Ltmp0:
0x13: {  	[tilespmem:s15+$0x20] =	vst v0;
	(pc) =	sbr.rel @p0 .LBB2_2-.Ltmp0, $3  }
0x14: {  	[tilespmem:s15+$0x0] =	vst v0  }
0x15: {  	[tilespmem:s15+$0x10] =	vst v0;
	_ =	sdelay $0x1  }
0x16: {  	s15 =	sshra.s32 s17, $0x2  }
0x17: {  	[tilespmem:s15+$0x30] =	vst v0  }
0x18: {  	[tilespmem:s15+$0x20] =	vst v0  }
0x19: {  	[tilespmem:s15+$0x0] =	vst v0  }
0x1a: {  	[tilespmem:s15+$0x10] =	vst v0;
	s15 =	simm.s32 $0x0  }
0x1b: {  	[tilespmem:s8], [sflag:$0x1] =	stream.linear.gather [hbm4b:s3+s15], $0x5000, $0x38;
	[tilespmem:$0xAA00] =	vst v63  }
0x1c: {  	_ =	swait.ge [sflag:s9], $0x5000  }
0x1d: {  	[sflag:s9] =	ssyncset.done $0x0  }
0x1e: {  	[sflag:s9] =	ssyncadd.s32 $0xFFFFB000  }
.LBB2_4:
0x1f: {  	s16 =	sshra.s32 s15, $0x2  }
0x20: {  	v2 =	vld [tilespmem:s16+$0x2800];
	_ =	sdelay $0x7  }
0x21: {  	[tilespmem:v2+s2+$0x0] =	vst.idx.add.f32.msk $0xffff, v1  }
0x22: {  	v2 =	vld [tilespmem:s16+$0x2810];
	_ =	sdelay $0x7  }
0x23: {  	[tilespmem:v2+s2+$0x0] =	vst.idx.add.f32.msk $0xffff, v1  }
0x24: {  	v2 =	vld [tilespmem:s16+$0x2820];
	_ =	sdelay $0x7  }
0x25: {  	[tilespmem:v2+s2+$0x0] =	vst.idx.add.f32.msk $0xffff, v1  }
0x26: {  	v2 =	vld [tilespmem:s16+$0x2830];
	_ =	sdelay $0x7  }
0x27: {  	[tilespmem:v2+s2+$0x0] =	vst.idx.add.f32.msk $0xffff, v1  }
0x28: {  	v2 =	vld [tilespmem:s16+$0x2840];
	_ =	sdelay $0x7  }
0x29: {  	[tilespmem:v2+s2+$0x0] =	vst.idx.add.f32.msk $0xffff, v1  }
0x2a: {  	v2 =	vld [tilespmem:s16+$0x2850];
	_ =	sdelay $0x7  }
0x2b: {  	[tilespmem:v2+s2+$0x0] =	vst.idx.add.f32.msk $0xffff, v1  }
0x2c: {  	v2 =	vld [tilespmem:s16+$0x2860];
	_ =	sdelay $0x7  }
0x2d: {  	[tilespmem:v2+s2+$0x0] =	vst.idx.add.f32.msk $0xffff, v1  }
0x2e: {  	v2 =	vld [tilespmem:s16+$0x2870];
	_ =	sdelay $0x2  }
0x2f: {  	p0 =	sne.s32 s15, $0x13E00  }
.Ltmp1:
0x30: {  	_ = 	snop;
	(pc) =	sbr.rel @p0 .LBB2_4-.Ltmp1, $2  }
0x31: {  	_ =	sdelay $0x2  }
0x32: {  	s15 =	sadd.s32 $0x200, s15;
	[tilespmem:v2+s2+$0x0] =	vst.idx.add.f32.msk $0xffff, v1  }
0x33: {  	[spmem:s4] =	stream.strided.scatter [tilespmem:s2], [sflag:$0x1], $0x2800, s11, s10, $0x38;
	[tilespmem:$0xAA00] =	vst v63  }
0x34: {  	s15 =	simm.s32 $0x1  }
0x35: {  	_ =	swait.ge [sflag:s15], $0x2800  }
0x36: {  	[sflag:s15] =	ssyncset.done $0x0  }
0x37: {  	[sflag:s15] =	ssyncadd.s32 $0xFFFFD800  }
0x38: {  	[bflag:$0x0] =	sbarrier.arrive $0xFFFF  }
0x39: {  	[tilespmem:s12], [sflag:$0x1] =	stream.strided.gather [spmem:s5], $0x500, s11, s10, $0x38;
	[tilespmem:$0xAA00] =	vst v63  }
0x3a: {  	_ =	swait.ge [sflag:s15], $0x500  }
0x3b: {  	[sflag:s15] =	ssyncset.done $0x0  }
0x3c: {  	[sflag:s15] =	ssyncadd.s32 $0xFFFFFB00  }
.LBB2_6:
0x3d: {  	s16 =	sshll.u32 s15, $0x7  }
0x3e: {  	s16 =	sand.u32 $0x3FFFFF80, s16  }
0x3f: {  	s16 =	sadd.s32 s16, s5  }
0x40: {  	[tilespmem:s13], [sflag:$0x1] =	stream.strided.gather [spmem:s16], $0x500, s11, s10, $0x38;
	[tilespmem:$0xAA00] =	vst v63  }
0x41: {  	_ =	swait.ge [sflag:s9], $0x500  }
0x42: {  	[sflag:s9] =	ssyncset.done $0x0  }
0x43: {  	s16 =	simm.s32 $0x0;
	[sflag:s9] =	ssyncadd.s32 $0xFFFFFB00  }
0x44: {  	v7 =	vld [tilespmem:s16+$0x7D00]  }
0x45: {  	v8 =	vld [tilespmem:s16+$0x7D10]  }
0x46: {  	v3 =	vld [tilespmem:s16+$0x7D20]  }
0x47: {  	v2 =	vld [tilespmem:s16+$0x7D30]  }
0x48: {  	v4 =	vld [tilespmem:s16+$0x7800]  }
0x49: {  	v6 =	vld [tilespmem:s16+$0x7810]  }
0x4a: {  	s17 =	simm.s32 $0x100;
	v5 =	vld [tilespmem:s16+$0x7820]  }
.LBB2_7:
0x4b: {  	s18 =	sshra.s32 s17, $0x2;
	p0 =	sne.s32 s17, $0x1300;
	v9 =	vld [tilespmem:s16+$0x7830];
	v10 =	vmov v3  }
0x4c: {  	v11 =	vld [tilespmem:s18+$0x7D00];
	v12 =	vmov v2  }
0x4d: {  	v13 =	vld [tilespmem:s18+$0x7D10];
	v4 =	vadd.f32 v7, v4  }
.Ltmp2:
0x4e: {  	v3 =	vld [tilespmem:s18+$0x7D20];
	v6 =	vadd.f32 v8, v6;
	(pc) =	sbr.rel @p0 .LBB2_7-.Ltmp2, $4  }
0x4f: {  	v2 =	vld [tilespmem:s18+$0x7D30];
	[tilespmem:s16+$0x7800] =	vst v4;
	v5 =	vadd.f32 v10, v5  }
0x50: {  	v4 =	vld [tilespmem:s18+$0x7800];
	[tilespmem:s16+$0x7810] =	vst v6;
	v9 =	vadd.f32 v12, v9  }
0x51: {  	v6 =	vld [tilespmem:s18+$0x7810];
	[tilespmem:s16+$0x7820] =	vst v5;
	v7 =	vmov v11  }
0x52: {  	s17 =	sadd.s32 $0x100, s17;
	v5 =	vld [tilespmem:s18+$0x7820];
	[tilespmem:s16+$0x7830] =	vst v9;
	v8 =	vmov v13;
	s16 =	smov.u32 s18  }
0x53: {  	v9 =	vld [tilespmem:s16+$0x7830]  }
0x54: {  	s15 =	sadd.s32 $0x1, s15  }
0x55: {  	p0 =	sne.s32 s15, $0x8;
	v4 =	vadd.f32 v7, v4  }
.Ltmp3:
0x56: {  	v6 =	vadd.f32 v8, v6;
	(pc) =	sbr.rel @p0 .LBB2_6-.Ltmp3, $4  }
0x57: {  	[tilespmem:s16+$0x7800] =	vst v4;
	v3 =	vadd.f32 v3, v5  }
0x58: {  	[tilespmem:s16+$0x7810] =	vst v6;
	v2 =	vadd.f32 v2, v9  }
0x59: {  	[tilespmem:s16+$0x7820] =	vst v3  }
0x5a: {  	[tilespmem:s16+$0x7830] =	vst v2  }
0x5b: {  	s15 =	simm.s32 $0x0;
	s16 =	simm.s32 $0x40  }
.LBB2_10:
0x5c: {  	p0 =	sne.s32 s16, $0x13C0;
	v2 =	vld [tilespmem:s15+$0x7800];
	_ =	sdelay $0x4  }
0x5d: {  	v3 =	vshrl.u32 v2, $0x1;
	v4 =	vmul.f32 $5.000000000e-01, v2  }
0x5e: {  	v3 =	vsub.s32 $0x5F3759DF, v3  }
0x5f: {  	v5 =	vmul.f32 v3, v4;
	_ =	sdelay $0x1  }
0x60: {  	v5 =	vmul.f32 v3, v5;
	_ =	sdelay $0x1  }
0x61: {  	v5 =	vsub.f32 $1.500000000e+00, v5;
	_ =	sdelay $0x1  }
0x62: {  	v3 =	vmul.f32 v3, v5;
	_ =	sdelay $0x1  }
0x63: {  	v5 =	vmul.f32 v3, v4;
	_ =	sdelay $0x1  }
0x64: {  	v5 =	vmul.f32 v5, v3;
	_ =	sdelay $0x1  }
0x65: {  	v5 =	vsub.f32 $1.500000000e+00, v5;
	_ =	sdelay $0x1  }
0x66: {  	v3 =	vmul.f32 v5, v3;
	_ =	sdelay $0x1  }
0x67: {  	v4 =	vmul.f32 v3, v4;
	_ =	sdelay $0x1  }
0x68: {  	v4 =	vmul.f32 v4, v3;
	_ =	sdelay $0x1  }
0x69: {  	v4 =	vsub.f32 $1.500000000e+00, v4  }
.Ltmp4:
0x6a: {  	(pc) =	sbr.rel @p0 .LBB2_10-.Ltmp4, $4  }
0x6b: {  	v3 =	vmul.f32 v4, v3  }
0x6c: {  	vm0 =	vgt.f32 v2, $0.0e+00  }
0x6d: {  	v2 =	vnsel vm0, $0x0, v3  }
0x6e: {  	[tilespmem:s15+$0x7800] =	vst v2;
	s15 =	sshra.s32 s16, $0x2;
	s16 =	sadd.s32 $0x40, s16  }
0x6f: {  	v2 =	vld [tilespmem:s15+$0x7800];
	_ =	sdelay $0x4  }
0x70: {  	v3 =	vshrl.u32 v2, $0x1;
	v4 =	vmul.f32 $5.000000000e-01, v2  }
0x71: {  	v3 =	vsub.s32 $0x5F3759DF, v3  }
0x72: {  	v5 =	vmul.f32 v3, v4;
	_ =	sdelay $0x1  }
0x73: {  	v5 =	vmul.f32 v3, v5;
	_ =	sdelay $0x1  }
0x74: {  	v5 =	vsub.f32 $1.500000000e+00, v5;
	_ =	sdelay $0x1  }
0x75: {  	v3 =	vmul.f32 v3, v5;
	_ =	sdelay $0x1  }
0x76: {  	v5 =	vmul.f32 v3, v4;
	_ =	sdelay $0x1  }
0x77: {  	v5 =	vmul.f32 v5, v3;
	_ =	sdelay $0x1  }
0x78: {  	v5 =	vsub.f32 $1.500000000e+00, v5;
	_ =	sdelay $0x1  }
0x79: {  	v3 =	vmul.f32 v5, v3;
	_ =	sdelay $0x1  }
0x7a: {  	v4 =	vmul.f32 v3, v4;
	_ =	sdelay $0x1  }
0x7b: {  	v4 =	vmul.f32 v4, v3;
	_ =	sdelay $0x1  }
0x7c: {  	v4 =	vsub.f32 $1.500000000e+00, v4;
	_ =	sdelay $0x1  }
0x7d: {  	v3 =	vmul.f32 v4, v3  }
0x7e: {  	s14 =	sadd.s32 $0x1, s14;
	vm0 =	vgt.f32 v2, $0.0e+00  }
0x7f: {  	p0 =	sne.s32 s14, s7;
	v2 =	vnsel vm0, $0x0, v3  }
.Ltmp5:
0x80: {  	[tilespmem:s15+$0x7800] =	vst v2;
	(pc) =	sbr.rel @p0 .LBB2_1-.Ltmp5, $4  }
0x81: {  	[hbm4b:s6+s2] =	stream.linear.scatter [tilespmem:s12], [sflag:$0x1], $0x500, $0x38;
	[tilespmem:$0xAA00] =	vst v63  }
0x82: {  	_ =	swait.ge [sflag:s9], $0x500  }
0x83: {  	[sflag:s9] =	ssyncset.done $0x0  }
0x84: {  	[sflag:s9] =	ssyncadd.s32 $0xFFFFFB00  }
0x85: {  	_ =	sfence.sel $0x180000  }
0x86: {  	[bflag:$0x0] =	sbarrier.arrive $0xFFFF  }
0x87: {  	p0 =	sne.s32 s0, $0x0;
	_ =	strace $0x90000047  }
0x88: {  	s0 =	sadd.s32 @!p0 $0x100000, s1;
	[bflag:$0x2] =	sbarrier.arrive $0xFFFF  }
0x89: {  	[sflag:s0] =	ssyncadd.tile.s32 @!p0 $0x1;
	_ =	shalt  }
.Lfunc_end2:
_tile_overlayer_lowered:
.L_overlay_start_2:
0x8a: {  	(tag) =	ssettag $0x2  }
0x8b: {  	s0 =	rddreg [dreg:$0x0];
	s2 =	stileid.u32  }
0x8c: {  	s1 =	rddreg [dreg:$0x1];
	p0 =	sne.s32 s2, $0x0  }
0x8d: {  	s3 =	rddreg [dreg:$0x2];
	[bflag:$0x3] =	sbarrier.arrive $0xFFFF;
	s2 =	simm.s32 @!p0 $0x1C01  }
0x8e: {  	[timem:s3], [sflag:s2] =	dma.local @!p0 [hbm:s0], s1  }
0x8f: {  	s0 =	simm.s32 @!p0 $0x1  }
0x90: {  	_ =	swait.ge @!p0 [sflag:s0], s1  }
0x91: {  	s1 =	ssub.s32 @!p0 $0x0, s1;
	[sflag:s0] =	ssyncset.done @!p0 $0x0  }
0x92: {  	[sflag:s0] =	ssyncadd.s32 @!p0 s1  }
0x93: {  	[bflag:$0x3] =	sbarrier.arrive $0xFFFF  }
0x94: {  	_ =	shalt  }

// kernel: kernel.8.cloned.1.call-start
scs
__scs_entry_jumppad:
0x0: {  	(pc) =	sbr.rel $0x88, $3  }
0x1: {  	(tag) =	ssettag $0x0;
	lr =	simm.s32 $0x1  }
0x2: {  	[smem:$0x3F9A] =	sst lr;
	_ =	strace $0xD0000000  }
0x3: {  	_ = 	snop  }
0x4: {  	_ = 	snop  }
0x5: {  	_ = 	snop  }
0x6: {  	_ = 	snop  }
0x7: {  	_ = 	snop  }
__scs_overlays_trampoline_lowered:
0x8: {  	[smem:$0x3FA9] =	sst s0  }
0x9: {  	[smem:$0x3FAA] =	sst s1  }
0xa: {  	[smem:$0x3FAB] =	sst s2  }
0xb: {  	[smem:$0x3FAC] =	sst s3  }
0xc: {  	[smem:$0x3FAD] =	sst s4  }
0xd: {  	[smem:$0x3FAE] =	sst s5  }
0xe: {  	[smem:$0x3FAF] =	sst s6  }
0xf: {  	[smem:$0x3FB0] =	sst s7  }
0x10: {  	[smem:$0x3FB1] =	sst s8  }
0x11: {  	[smem:$0x3FB2] =	sst s9;
	s0 =	simm.s32 @!p0 $0x0  }
0x12: {  	s1 =	sld [smem:$0x3F98];
	s0 =	simm.s32 @p0 $0x1  }
0x13: {  	[smem:$0x3FB3] =	sst s0;
	s0 =	simm.s32 @!p1 $0x0  }
0x14: {  	s2 =	sld [smem:$0x3F97];
	s0 =	simm.s32 @p1 $0x1  }
0x15: {  	[smem:$0x3FB4] =	sst s0;
	s0 =	simm.s32 @!p2 $0x0  }
0x16: {  	s3 =	sld [smem:$0x3FDB];
	s0 =	simm.s32 @p2 $0x1  }
0x17: {  	s4 =	simm.s32 $0x1BF5;
	[smem:$0x3FB6] =	sst s0  }
0x18: {  	s0 =	sld [smem:$0x3F99];
	_ =	swait.ge [sflag:s4], $0x0  }
0x19: {  	s7 =	sld [smem:$0x3F9A]  }
0x1a: {  	s8 =	sadd.s32 $0xFFFFE003, lr  }
0x1b: {  	s9 =	sadd.s32 $0xFFFFFEF7, lr;
	s5 =	simm.s32 $0xFFFFFFFF;
	p2 =	slt.u32 s8, $0xFFFFF086  }
0x1c: {  	p1 =	slt.u32 s9, $0xF7A;
	s5 =	simm.s32 @!p2 $0x0  }
0x1d: {  	s5 =	simm.s32 @p1 $0x1;
	p0 =	seq.s32 s7, s2  }
0x1e: {  	s7 =	smul.u32 @!p0 $0xF7A, s2;
	p2 =	seq.s32 @!p0 s5, $0x0  }
0x1f: {  	s9 =	smul.u32 $0xF7A, s1;
	s8 =	simm.s32 @!p0 $0x1BF5;
	p2 =	por !p2, p0  }
0x20: {  	[sflag:s8] =	ssyncset.s32 @!p0 $0xFFFFF086;
	s6 =	sadd.s32 @!p0 s3, s7;
	s7 =	simm.s32 @!p0 $0x108  }
0x21: {  	s3 =	sadd.s32 s3, s9;
	s6 =	sadd.s32 @!p0 $0x88, s6;
	s7 =	simm.s32 @p2 $0x1082  }
0x22: {  	[simem:s7], [sflag:s8] =	dma.local @!p0 [hbm:s6], $0xF7A  }
0x23: {  	s9 =	sor.u32 $0xD0000000, s2;
	s6 =	simm.s32 $0x108;
	_ =	swait.ge @!p0 [sflag:s8], $0x0  }
0x24: {  	s3 =	sadd.s32 $0x88, s3;
	s6 =	simm.s32 @!p1 $0x1082;
	[sflag:s4] =	ssyncset.s32 $0xFFFFF086  }
0x25: {  	[simem:s6], [sflag:s4] =	dma.local [hbm:s3], $0xF7A  }
0x26: {  	[smem:$0x3F9A] =	sst s1;
	(tag) =	ssettag s2;
	_ =	strace s9  }
0x27: {  	s1 =	sld [smem:$0x3FAA]  }
0x28: {  	s2 =	sld [smem:$0x3FAB]  }
0x29: {  	s4 =	sld [smem:$0x3FAD]  }
0x2a: {  	p0 =	seq.s32 s5, $0x0;
	s5 =	sld [smem:$0x3FAE]  }
0x2b: {  	s6 =	sld [smem:$0x3FAF]  }
0x2c: {  	s7 =	sld [smem:$0x3FB0]  }
0x2d: {  	s3 =	simm.s32 $0x108;
	s8 =	sld [smem:$0x3FB1]  }
0x2e: {  	s3 =	simm.s32 @!p0 $0x1082;
	s9 =	sld [smem:$0x3FB2]  }
0x2f: {  	lr =	sadd.s32 s0, s3;
	s0 =	sld [smem:$0x3FA9]  }
0x30: {  	s3 =	sld [smem:$0x3FAC]  }
0x31: {  	[smem:$0x3FB5] =	sst s10  }
0x32: {  	s10 =	sld [smem:$0x3FB3];
	_ =	sdelay $0x3  }
0x33: {  	p0 =	seq.s32 s10, $0x1;
	s10 =	sld [smem:$0x3FB5];
	_ =	sdelay $0x3  }
0x34: {  	[smem:$0x3FB5] =	sst s10  }
0x35: {  	s10 =	sld [smem:$0x3FB4];
	_ =	sdelay $0x3  }
0x36: {  	p1 =	seq.s32 s10, $0x1;
	s10 =	sld [smem:$0x3FB5];
	_ =	sdelay $0x3  }
0x37: {  	[smem:$0x3FB5] =	sst s10  }
0x38: {  	s10 =	sld [smem:$0x3FB6]  }
0x39: {  	_ = 	snop;
	(pc) =	sbr.ind lr, $3  }
0x3a: {  	_ = 	snop  }
0x3b: {  	_ = 	snop  }
0x3c: {  	p2 =	seq.s32 s10, $0x1;
	s10 =	sld [smem:$0x3FB5]  }
0x3d: {  	_ =	shalt  }
0x3e: {  	_ =	shalt  }
0x3f: {  	_ =	shalt  }
0x40: {  	_ =	shalt  }
0x41: {  	_ =	shalt  }
0x42: {  	_ =	shalt  }
0x43: {  	_ =	shalt  }
0x44: {  	_ =	shalt  }
0x45: {  	_ =	shalt  }
0x46: {  	_ =	shalt  }
0x47: {  	_ =	shalt  }
0x48: {  	_ =	shalt  }
0x49: {  	_ =	shalt  }
0x4a: {  	_ =	shalt  }
0x4b: {  	_ =	shalt  }
0x4c: {  	_ =	shalt  }
0x4d: {  	_ =	shalt  }
0x4e: {  	_ =	shalt  }
0x4f: {  	_ =	shalt  }
0x50: {  	_ =	shalt  }
0x51: {  	_ =	shalt  }
0x52: {  	_ =	shalt  }
0x53: {  	_ =	shalt  }
0x54: {  	_ =	shalt  }
0x55: {  	_ =	shalt  }
0x56: {  	_ =	shalt  }
0x57: {  	_ =	shalt  }
0x58: {  	_ =	shalt  }
0x59: {  	_ =	shalt  }
0x5a: {  	_ =	shalt  }
0x5b: {  	_ =	shalt  }
0x5c: {  	_ =	shalt  }
0x5d: {  	_ =	shalt  }
0x5e: {  	_ =	shalt  }
0x5f: {  	_ =	shalt  }
0x60: {  	_ =	shalt  }
0x61: {  	_ =	shalt  }
0x62: {  	_ =	shalt  }
0x63: {  	_ =	shalt  }
0x64: {  	_ =	shalt  }
0x65: {  	_ =	shalt  }
0x66: {  	_ =	shalt  }
0x67: {  	_ =	shalt  }
0x68: {  	_ =	shalt  }
0x69: {  	_ =	shalt  }
0x6a: {  	_ =	shalt  }
0x6b: {  	_ =	shalt  }
0x6c: {  	_ =	shalt  }
0x6d: {  	_ =	shalt  }
0x6e: {  	_ =	shalt  }
0x6f: {  	_ =	shalt  }
0x70: {  	_ =	shalt  }
0x71: {  	_ =	shalt  }
0x72: {  	_ =	shalt  }
0x73: {  	_ =	shalt  }
0x74: {  	_ =	shalt  }
0x75: {  	_ =	shalt  }
0x76: {  	_ =	shalt  }
0x77: {  	_ =	shalt  }
0x78: {  	_ =	shalt  }
0x79: {  	_ =	shalt  }
0x7a: {  	_ =	shalt  }
0x7b: {  	_ =	shalt  }
0x7c: {  	_ =	shalt  }
0x7d: {  	_ =	shalt  }
0x7e: {  	_ =	shalt  }
0x7f: {  	_ =	shalt  }
0x80: {  	_ =	shalt  }
0x81: {  	_ =	shalt  }
0x82: {  	_ =	shalt  }
0x83: {  	_ =	shalt  }
0x84: {  	_ =	shalt  }
0x85: {  	_ =	shalt  }
0x86: {  	_ =	shalt  }
0x87: {  	_ =	shalt  }
.Lfunc_end0:
.L_simem_size_0:
called_computation.1_lowered:
.L_overlay_start_0:
0x88: {  	s2 =	sld [smem:$0x3FD9]  }
0x89: {  	s3 =	sld [smem:$0x3FFE];
	_ =	sdelay $0x1  }
0x8a: {  	s1 =	srdreg.scid  }
0x8b: {  	s0 =	sand.u32 $0x1, s1  }
0x8c: {  	s16 =	sshll.u32 s0, $0xA;
	s2 =	sadd.s32 s3, s2  }
0x8d: {  	s2 =	sadd.s32 s2, s16  }
0x8e: {  	[smem:$0x3FC1] =	sst s2  }
0x8f: {  	_ = 	snop  }
0x90: {  	(tm) =	ssettm $0x1  }
0x91: {  	s17 =	sld [smem:$0x3FFB];
	_ =	sdelay $0x3  }
0x92: {  	_ =	strace s17  }
0x93: {  	s2 =	sld [smem:$0x3FFC];
	_ =	sdelay $0x3  }
0x94: {  	_ =	strace s2  }
0x95: {  	s2 =	sld [smem:$0x3FFD];
	_ =	sdelay $0x3  }
0x96: {  	_ =	strace s2  }
0x97: {  	_ =	strace $0x8FFFFFFF  }
0x98: {  	s18 =	sld [smem:$0x3FDB];
	_ =	sdelay $0x1  }
0x99: {  	s19 =	simm.s32 $_scs_section_size  }
0x9a: {  	s4 =	simm.s32 $_size__tile_overlayer_lowered;
	s5 =	simm.s32 $_tile_overlayer_lowered  }
0x9b: {  	s22 =	simm.s32 $0x1BFF;
	s21 =	sshll.u32 s5, $0x1;
	s2 =	sadd.s32 s19, s18  }
0x9c: {  	s6 =	simm.s32 $0x0;
	s20 =	sshll.u32 s4, $0x1;
	s4 =	sadd.s32 s21, s2  }
0x9d: {  	[timem:s6], [sflag:s22] =	dma.local [hbm:s4], s20  }
0x9e: {  	_ =	swait.ge [sflag:s22], s20  }
0x9f: {  	s3 =	ssub.s32 $0x0, s20;
	[sflag:s22] =	ssyncset.done $0x0  }
0xa0: {  	[sflag:s22] =	ssyncadd.s32 s3;
	_ =	sdelay $0x1  }
0xa1: {  	s23 =	simm.s32 $0x1B8B  }
0xa2: {  	_ =	swait.ge [sflag:s23], $0x1  }
0xa3: {  	[sflag:s23] =	ssyncset.done $0x0  }
0xa4: {  	s25 =	simm.s32 $0x1B8E;
	s24 =	sld [smem:$0x3FFE];
	[sflag:s23] =	ssyncadd.s32 $0xFFFFFFFF  }
0xa5: {  	s26 =	simm.s32 $execute0_lowered;
	[smem:$0x3FD2] =	sst s25  }
0xa6: {  	s4 =	sshll.u32 s26, $0x1;
	_ =	strace $0x80000049;
	[dreg:$0x1] =	wrdreg $0xFFFFFFFF  }
0xa7: {  	s28 =	simm.s32 $_size_execute0_lowered;
	s2 =	sadd.s32 s2, s4;
	[dreg:$0x0] =	wrdreg $0x0  }
0xa8: {  	s4 =	sshll.u32 s28, $0x1;
	[dreg:$0x2] =	wrdreg s2  }
0xa9: {  	[dreg:$0x3] =	wrdreg s4  }
0xaa: {  	[dreg:$0x4] =	wrdreg $0xC0  }
0xab: {  	_ =	task [dreg:s6], $0x5FFFF  }
0xac: {  	[dreg:$0x1] =	wrdreg $0xFFFFFFFF  }
0xad: {  	[dreg:$0x0] =	wrdreg $0x60  }
0xae: {  	[dreg:$0x2] =	wrdreg s24  }
0xaf: {  	[dreg:$0x3] =	wrdreg $0xAA800  }
0xb0: {  	[dreg:$0x4] =	wrdreg $0x9  }
0xb1: {  	_ =	task.clear_ibuf [dreg:s6], $0x5FFFF;
	_ =	strace $0x90000049  }
0xb2: {  	s29 =	simm.s32 $0x9;
	_ =	strace $0x8000004B  }
0xb3: {  	_ =	swait.ge [sflag:s29], $0x1  }
0xb4: {  	[sflag:s29] =	ssyncadd.s32 $0xFFFFFFFF  }
0xb5: {  	_ =	strace $0x9000004B  }
0xb6: {  	_ =	sfence  }
0xb7: {  	s30 =	sld [smem:$0x0];
	_ =	sdelay $0x2  }
0xb8: {  	s31 =	sshll.u32 s1, $0xD;
	s1 =	sshrl.u32 s1, $0x2  }
0xb9: {  	s3 =	sand.u32 $0x4000, s31;
	s1 =	sadd.s32 s1, s30  }
0xba: {  	s0 =	sor.u32 s3, s0;
	s1 =	sshll.u32 s1, $0x11  }
0xbb: {  	s0 =	sor.u32 s1, s0  }
0xbc: {  	s0 =	sadd.s32 $0x8F2B, s0  }
0xbd: {  	[sflag:s0] =	ssyncadd.remote.s32 $0x1  }
0xbe: {  	_ =	sfence.sel $0xFFFF  }
0xbf: {  	[dreg:$0x0] =	wrdreg $0xFFFFFFFF;
	(pc) =	sbr.abs _section_cstart, $3  }
0xc0: {  	[dreg:$0x1] =	wrdreg $0xFFFFFFFF  }
0xc1: {  	_ =	task.clear_ibuf [dreg:s6], $0x2FFFF;
	_ =	strace $0x9FFFFFFF  }
0xc2: {  	(tm) =	ssettm $0x7FFFFFFF  }
0xc3: {  	_ =	shalt  }
tec
execute0_lowered:
.L_overlay_start_1:
0x0: {  	(tag) =	ssettag $0x1  }
0x1: {  	s0 =	rddreg [dreg:$0x0];
	s1 =	srdreg.scid  }
0x2: {  	s7 =	stileid.u32;
	s2 =	rddreg [dreg:$0x1]  }
0x3: {  	s5 =	simm.s32 $0x0;
	s29 =	simm.s32 $0x80;
	s3 =	smul.u32 $0x280, s7  }
0x4: {  	s30 =	simm.s32 $0x6800;
	s31 =	simm.s32 $0x1;
	s11 =	smul.u32 $0x50, s7  }
0x5: {  	s1 =	sand.u32 $0x1, s1;
	[smem:$0x7FF] =	sst s5;
	s13 =	smul.u32 $0x50000, s7  }
0x6: {  	s5 =	sadd.s32 $0x2400, s0;
	s8 =	sadd.s32 $0x34400, s0;
	s4 =	smul.u32 $0x5000, s1  }
0x7: {  	s10 =	sadd.s32 $0x2A400, s0;
	s7 =	sadd.s32 $0x3E400, s0;
	s6 =	smul.u32 $0x2800, s1  }
0x8: {  	_ =	strace $0x8000004A;
	s9 =	smul.u32 $0x500, s1;
	s1 =	ssub.s32 $0x2, s1  }
0x9: {  	s23 =	sshrl.u32 s1, $0x1;
	s24 =	sshrl.u32 s13, $0x2;
	s4 =	sadd.s32 s3, s4  }
0xa: {  	s6 =	sadd.s32 s3, s6;
	s1 =	ssub.s32 s1, s23;
	s11 =	sadd.s32 s11, s9  }
0xb: {  	s9 =	sadd.s32 s24, s2;
	s4 =	sshrl.u32 s4, $0x3;
	s12 =	sshll.u32 s6, $0x4  }
0xc: {  	s1 =	smax.u32 s1, $0x1;
	s13 =	sadd.s32 $0x8000, s9;
	s14 =	sadd.s32 $0xC000, s9  }
0xd: {  	s15 =	sadd.s32 $0x10000, s9;
	s26 =	sshll.u32 s11, $0x4;
	s4 =	sadd.s32 s4, s0  }
0xe: {  	s0 =	sadd.s32 s12, s0;
	[dreg:$0x5] =	wrdreg s1;
	s12 =	sadd.s32 $0x4000, s9  }
0xf: {  	s20 =	sadd.s32 s8, s26;
	s28 =	sadd.s32 $0x280, s26;
	s21 =	sadd.s32 s10, s26  }
0x10: {  	s26 =	simm.s32 $0x2800;
	s1 =	simm.s32 $0x2;
	s4 =	sadd.s32 $0x1000, s4  }
0x11: {  	s25 =	sadd.s32 $0x8E400, s0;
	s16 =	sadd.s32 $0x8EC00, s0;
	s17 =	sadd.s32 $0x8F400, s0  }
0x12: {  	s18 =	sadd.s32 $0x8FC00, s0;
	s19 =	sadd.s32 $0x90400, s0;
	s22 =	sadd.s32 s8, s28  }
0x13: {  	s23 =	sadd.s32 s10, s28;
	s0 =	simm.s32 $0x2780;
	[dreg:$0x3] =	wrdreg s4  }
0x14: {  	v0 =	vimm.f32 $0.0e+00;
	s8 =	simm.s32 $0x0;
	[dreg:$0x4] =	wrdreg s25;
	s25 =	simm.s32 $0x3  }
.LBB2_1:
0x15: {  	s4 =	simm.s32 $0x0;
	s10 =	rddreg [dreg:$0x3];
	s11 =	simm.s32 $0xA800  }
0x16: {  	[tilespmem:s11], [sflag:$0x3] =	stream.linear.gather [hbm4b:s10+s4], $0x280, $0x38;
	[tilespmem:$0x1EA80] =	vst v63  }
0x17: {  	_ =	swait.ge [sflag:s25], $0x280  }
0x18: {  	[sflag:s25] =	ssyncset.done $0x0  }
0x19: {  	s28 =	simm.s32 $0x0;
	[sflag:s25] =	ssyncadd.s32 $0xFFFFFD80  }
.LBB2_2:
0x1a: {  	s10 =	sshll.u32 s28, $0x7  }
0x1b: {  	s4 =	sadd.s32 s3, s10  }
0x1c: {  	s11 =	sadd.s32 $0xA800, s10;
	s4 =	sshll.u32 s4, $0x4  }
0x1d: {  	s24 =	simm.s32 $0x0;
	v1 =	vmov s11;
	s4 =	sadd.s32 s5, s4  }
0x1e: {  	[tilespmem:s26], [sflag:$0x3] =	stream.linear.gather [hbm4b:s4+s24], $0x4000, $0x38;
	[tilespmem:$0x1EA80] =	vst v63  }
0x1f: {  	_ =	swait.ge [sflag:s25], $0x4000  }
0x20: {  	s11 =	simm.s32 $0x0;
	[sflag:s25] =	ssyncset.done $0x0  }
0x21: {  	s4 =	sand.u32 $0x3FFFFFF0, s11;
	s24 =	simm.s32 $0x0;
	[sflag:s25] =	ssyncadd.s32 $0xFFFFC000  }
0x22: {  	s11 =	sand.u32 $0x3FFFF800, s24;
	v2 =	vld.idx.msk [tilespmem:v1+s4+$0x0 ss:$0x1], $0xffff  }
0x23: {  	v8 =	vld [tilespmem:s11+$0x28C0]  }
0x24: {  	v4 =	vld [tilespmem:s11+$0x2820]  }
0x25: {  	v5 =	vld [tilespmem:s11+$0x2830]  }
0x26: {  	v11 =	vld [tilespmem:s11+$0x2860]  }
0x27: {  	v12 =	vld [tilespmem:s11+$0x2870];
	v3 =	vbroadcast v2, $0x0  }
0x28: {  	v13 =	vld [tilespmem:s11+$0x2880]  }
0x29: {  	v14 =	vld [tilespmem:s11+$0x2890];
	v4 =	vmul.f32 v4, v3  }
0x2a: {  	v15 =	vld [tilespmem:s11+$0x28A0];
	v5 =	vmul.f32 v5, v3  }
0x2b: {  	v10 =	vld [tilespmem:s11+$0x28B0];
	v21 =	vbroadcast v2, $0x1;
	v20 =	vmul.f32 v11, v3;
	[tilespmem:s11+$0x2820] =	vst v4  }
0x2c: {  	v9 =	vld [tilespmem:s11+$0x28D0];
	v12 =	vmul.f32 v12, v3;
	[tilespmem:s11+$0x2830] =	vst v5  }
0x2d: {  	v7 =	vld [tilespmem:s11+$0x2D70];
	v13 =	vmul.f32 v13, v21;
	[tilespmem:s11+$0x2860] =	vst v20  }
0x2e: {  	v23 =	vld [tilespmem:s11+$0x28F0];
	v14 =	vmul.f32 v14, v21;
	[tilespmem:s11+$0x2870] =	vst v12  }
0x2f: {  	v24 =	vld [tilespmem:s11+$0x2900];
	v15 =	vmul.f32 v15, v21;
	[tilespmem:s11+$0x2880] =	vst v13  }
0x30: {  	v25 =	vld [tilespmem:s11+$0x2910];
	v10 =	vmul.f32 v10, v21;
	[tilespmem:s11+$0x2890] =	vst v14  }
0x31: {  	v22 =	vld [tilespmem:s11+$0x28E0];
	v8 =	vmul.f32 v8, v21;
	[tilespmem:s11+$0x28A0] =	vst v15  }
0x32: {  	v26 =	vld [tilespmem:s11+$0x2920];
	v16 =	vbroadcast v2, $0x2;
	v9 =	vmul.f32 v9, v21;
	[tilespmem:s11+$0x28B0] =	vst v10  }
0x33: {  	v27 =	vld [tilespmem:s11+$0x2930];
	v11 =	vmul.f32 v23, v21;
	[tilespmem:s11+$0x28C0] =	vst v8  }
0x34: {  	v28 =	vld [tilespmem:s11+$0x2940];
	v6 =	vbroadcast v2, $0xA;
	v30 =	vmul.f32 v24, v16;
	[tilespmem:s11+$0x28D0] =	vst v9  }
0x35: {  	v29 =	vld [tilespmem:s11+$0x2950];
	v32 =	vmul.f32 v25, v16;
	[tilespmem:s11+$0x28F0] =	vst v11  }
0x36: {  	v31 =	vld [tilespmem:s11+$0x2960];
	v4 =	vmul.f32 v7, v6;
	[tilespmem:s11+$0x2900] =	vst v30  }
0x37: {  	v33 =	vld [tilespmem:s11+$0x2970];
	v12 =	vmul.f32 v22, v21;
	[tilespmem:s11+$0x2910] =	vst v32  }
0x38: {  	v34 =	vld [tilespmem:s11+$0x2980];
	v10 =	vmul.f32 v26, v16;
	[tilespmem:s11+$0x2D70] =	vst v4  }
0x39: {  	v35 =	vld [tilespmem:s11+$0x2990];
	v8 =	vmul.f32 v27, v16;
	[tilespmem:s11+$0x28E0] =	vst v12  }
0x3a: {  	v36 =	vld [tilespmem:s11+$0x29A0];
	v9 =	vmul.f32 v28, v16;
	[tilespmem:s11+$0x2920] =	vst v10  }
0x3b: {  	v37 =	vld [tilespmem:s11+$0x29B0];
	v39 =	vbroadcast v2, $0x3;
	v11 =	vmul.f32 v31, v16;
	[tilespmem:s11+$0x2930] =	vst v8  }
0x3c: {  	v38 =	vld [tilespmem:s11+$0x29C0];
	v13 =	vmul.f32 v33, v16;
	[tilespmem:s11+$0x2940] =	vst v9  }
0x3d: {  	v40 =	vld [tilespmem:s11+$0x29D0];
	v14 =	vmul.f32 v34, v39;
	[tilespmem:s11+$0x2960] =	vst v11  }
0x3e: {  	v41 =	vld [tilespmem:s11+$0x29E0];
	v12 =	vmul.f32 v29, v16;
	[tilespmem:s11+$0x2970] =	vst v13  }
0x3f: {  	v42 =	vld [tilespmem:s11+$0x29F0];
	v10 =	vmul.f32 v35, v39;
	[tilespmem:s11+$0x2980] =	vst v14  }
0x40: {  	v43 =	vld [tilespmem:s11+$0x2A00];
	v8 =	vmul.f32 v36, v39;
	[tilespmem:s11+$0x2950] =	vst v12  }
0x41: {  	v44 =	vld [tilespmem:s11+$0x2A10];
	v9 =	vmul.f32 v37, v39;
	[tilespmem:s11+$0x2990] =	vst v10  }
0x42: {  	v45 =	vld [tilespmem:s11+$0x2A20];
	v11 =	vmul.f32 v40, v39;
	[tilespmem:s11+$0x29A0] =	vst v8  }
0x43: {  	v46 =	vld [tilespmem:s11+$0x2A30];
	v13 =	vmul.f32 v41, v39;
	[tilespmem:s11+$0x29B0] =	vst v9  }
0x44: {  	v47 =	vld [tilespmem:s11+$0x2A40];
	v48 =	vbroadcast v2, $0x4;
	v14 =	vmul.f32 v42, v39;
	[tilespmem:s11+$0x29D0] =	vst v11  }
0x45: {  	v49 =	vld [tilespmem:s11+$0x2A50];
	v12 =	vmul.f32 v38, v39;
	[tilespmem:s11+$0x29E0] =	vst v13  }
0x46: {  	v50 =	vld [tilespmem:s11+$0x2A60];
	v10 =	vmul.f32 v43, v48;
	[tilespmem:s11+$0x29F0] =	vst v14  }
0x47: {  	v51 =	vld [tilespmem:s11+$0x2A70];
	v8 =	vmul.f32 v44, v48;
	[tilespmem:s11+$0x29C0] =	vst v12  }
0x48: {  	v52 =	vld [tilespmem:s11+$0x2A80];
	v9 =	vmul.f32 v45, v48;
	[tilespmem:s11+$0x2A00] =	vst v10  }
0x49: {  	v53 =	vld [tilespmem:s11+$0x2A90];
	v11 =	vmul.f32 v47, v48;
	[tilespmem:s11+$0x2A10] =	vst v8  }
0x4a: {  	v54 =	vld [tilespmem:s11+$0x2AA0];
	v13 =	vmul.f32 v49, v48;
	[tilespmem:s11+$0x2A20] =	vst v9  }
0x4b: {  	v55 =	vld [tilespmem:s11+$0x2AB0];
	v14 =	vmul.f32 v50, v48;
	[tilespmem:s11+$0x2A40] =	vst v11  }
0x4c: {  	v56 =	vld [tilespmem:s11+$0x2AC0];
	v57 =	vbroadcast v2, $0x5;
	v12 =	vmul.f32 v46, v48;
	[tilespmem:s11+$0x2A50] =	vst v13  }
0x4d: {  	v58 =	vld [tilespmem:s11+$0x2AD0];
	v10 =	vmul.f32 v51, v48;
	[tilespmem:s11+$0x2A60] =	vst v14  }
0x4e: {  	v59 =	vld [tilespmem:s11+$0x2AE0];
	v8 =	vmul.f32 v52, v57;
	[tilespmem:s11+$0x2A30] =	vst v12  }
0x4f: {  	v60 =	vld [tilespmem:s11+$0x2AF0];
	v9 =	vmul.f32 v53, v57;
	[tilespmem:s11+$0x2A70] =	vst v10  }
0x50: {  	v61 =	vld [tilespmem:s11+$0x2B00];
	v11 =	vmul.f32 v55, v57;
	[tilespmem:s11+$0x2A80] =	vst v8  }
0x51: {  	v62 =	vld [tilespmem:s11+$0x2B10];
	v13 =	vmul.f32 v56, v57;
	[tilespmem:s11+$0x2A90] =	vst v9  }
0x52: {  	v63 =	vld [tilespmem:s11+$0x2B20];
	v14 =	vmul.f32 v58, v57;
	[tilespmem:s11+$0x2AB0] =	vst v11  }
0x53: {  	v20 =	vld [tilespmem:s11+$0x2B30];
	v12 =	vmul.f32 v54, v57;
	[tilespmem:s11+$0x2AC0] =	vst v13  }
0x54: {  	v21 =	vld [tilespmem:s11+$0x2B40];
	v22 =	vbroadcast v2, $0x6;
	v10 =	vmul.f32 v59, v57;
	[tilespmem:s11+$0x2AD0] =	vst v14  }
0x55: {  	v23 =	vld [tilespmem:s11+$0x2B50];
	v8 =	vmul.f32 v60, v57;
	[tilespmem:s11+$0x2AA0] =	vst v12  }
0x56: {  	v24 =	vld [tilespmem:s11+$0x2B60];
	v9 =	vmul.f32 v61, v22;
	[tilespmem:s11+$0x2AE0] =	vst v10  }
0x57: {  	v25 =	vld [tilespmem:s11+$0x2B70];
	v11 =	vmul.f32 v63, v22;
	[tilespmem:s11+$0x2AF0] =	vst v8  }
0x58: {  	v5 =	vld [tilespmem:s11+$0x2D80];
	v13 =	vmul.f32 v20, v22;
	[tilespmem:s11+$0x2B00] =	vst v9  }
0x59: {  	v27 =	vld [tilespmem:s11+$0x2B90];
	v14 =	vmul.f32 v21, v22;
	[tilespmem:s11+$0x2B20] =	vst v11  }
0x5a: {  	v28 =	vld [tilespmem:s11+$0x2BA0];
	v12 =	vmul.f32 v62, v22;
	[tilespmem:s11+$0x2B30] =	vst v13  }
0x5b: {  	v29 =	vld [tilespmem:s11+$0x2BB0];
	v10 =	vmul.f32 v23, v22;
	[tilespmem:s11+$0x2B40] =	vst v14  }
0x5c: {  	v31 =	vbroadcast v2, $0x7;
	v53 =	vld [tilespmem:s11+$0x2D00];
	v8 =	vmul.f32 v24, v22;
	[tilespmem:s11+$0x2B10] =	vst v12  }
0x5d: {  	v58 =	vld [tilespmem:s11+$0x2D50];
	v9 =	vmul.f32 v25, v22;
	[tilespmem:s11+$0x2B50] =	vst v10  }
0x5e: {  	v26 =	vld [tilespmem:s11+$0x2B80];
	v11 =	vmul.f32 v27, v31;
	[tilespmem:s11+$0x2B60] =	vst v8  }
0x5f: {  	v30 =	vld [tilespmem:s11+$0x2BC0];
	v13 =	vmul.f32 v28, v31;
	[tilespmem:s11+$0x2B70] =	vst v9  }
0x60: {  	v32 =	vld [tilespmem:s11+$0x2BD0];
	v14 =	vmul.f32 v29, v31;
	[tilespmem:s11+$0x2B90] =	vst v11  }
0x61: {  	v33 =	vld [tilespmem:s11+$0x2BE0];
	v59 =	vmul.f32 v53, v6;
	[tilespmem:s11+$0x2BA0] =	vst v13  }
0x62: {  	v35 =	vld [tilespmem:s11+$0x2C00];
	v21 =	vmul.f32 v58, v6;
	[tilespmem:s11+$0x2BB0] =	vst v14  }
0x63: {  	v36 =	vld [tilespmem:s11+$0x2C10];
	v12 =	vmul.f32 v26, v31;
	[tilespmem:s11+$0x2D00] =	vst v59  }
0x64: {  	v37 =	vld [tilespmem:s11+$0x2C20];
	v10 =	vmul.f32 v30, v31;
	[tilespmem:s11+$0x2D50] =	vst v21  }
0x65: {  	v7 =	vld [tilespmem:s11+$0x2D90];
	v40 =	vbroadcast v2, $0x8;
	v8 =	vmul.f32 v32, v31;
	[tilespmem:s11+$0x2B80] =	vst v12  }
0x66: {  	v34 =	vld [tilespmem:s11+$0x2BF0];
	v9 =	vmul.f32 v33, v31;
	[tilespmem:s11+$0x2BC0] =	vst v10  }
0x67: {  	v57 =	vld [tilespmem:s11+$0x2D40];
	v11 =	vmul.f32 v35, v40;
	[tilespmem:s11+$0x2BD0] =	vst v8  }
0x68: {  	v61 =	vld [tilespmem:s11+$0x2800];
	v24 =	vbroadcast v2, $0xB;
	v13 =	vmul.f32 v36, v40;
	[tilespmem:s11+$0x2BE0] =	vst v9  }
0x69: {  	v4 =	vld [tilespmem:s11+$0x2FD0];
	v14 =	vmul.f32 v37, v40;
	[tilespmem:s11+$0x2C00] =	vst v11  }
0x6a: {  	v38 =	vld [tilespmem:s11+$0x2C30];
	v5 =	vmul.f32 v5, v24;
	[tilespmem:s11+$0x2C10] =	vst v13  }
0x6b: {  	v39 =	vld [tilespmem:s11+$0x2C40];
	v7 =	vmul.f32 v7, v24;
	[tilespmem:s11+$0x2C20] =	vst v14  }
0x6c: {  	v41 =	vld [tilespmem:s11+$0x2C50];
	v19 =	vmul.f32 v57, v6;
	[tilespmem:s11+$0x2D80] =	vst v5  }
0x6d: {  	v43 =	vld [tilespmem:s11+$0x2C70];
	v25 =	vmul.f32 v3, v61;
	[tilespmem:s11+$0x2D90] =	vst v7  }
0x6e: {  	v44 =	vld [tilespmem:s11+$0x2C80];
	v12 =	vmul.f32 v34, v31;
	[tilespmem:s11+$0x2D40] =	vst v19  }
0x6f: {  	v45 =	vld [tilespmem:s11+$0x2C90];
	v10 =	vmul.f32 v38, v40;
	[tilespmem:s11+$0x2800] =	vst v25  }
0x70: {  	v27 =	vld [tilespmem:s11+$0x2DD0];
	v8 =	vmul.f32 v39, v40;
	[tilespmem:s11+$0x2BF0] =	vst v12  }
0x71: {  	v49 =	vbroadcast v2, $0x9;
	v29 =	vld [tilespmem:s11+$0x2DF0];
	v9 =	vmul.f32 v41, v40;
	[tilespmem:s11+$0x2C30] =	vst v10  }
0x72: {  	v42 =	vld [tilespmem:s11+$0x2C60];
	v11 =	vmul.f32 v43, v40;
	[tilespmem:s11+$0x2C40] =	vst v8  }
0x73: {  	v46 =	vld [tilespmem:s11+$0x2CA0];
	v13 =	vmul.f32 v44, v49;
	[tilespmem:s11+$0x2C50] =	vst v9  }
0x74: {  	v47 =	vld [tilespmem:s11+$0x2CB0];
	v14 =	vmul.f32 v45, v49;
	[tilespmem:s11+$0x2C70] =	vst v11  }
0x75: {  	v48 =	vld [tilespmem:s11+$0x2CC0];
	v32 =	vmul.f32 v27, v24;
	[tilespmem:s11+$0x2C80] =	vst v13  }
0x76: {  	v51 =	vld [tilespmem:s11+$0x2CE0];
	v7 =	vmul.f32 v29, v24;
	[tilespmem:s11+$0x2C90] =	vst v14  }
0x77: {  	v52 =	vld [tilespmem:s11+$0x2CF0];
	v12 =	vmul.f32 v42, v40;
	[tilespmem:s11+$0x2DD0] =	vst v32  }
0x78: {  	v10 =	vmul.f32 v46, v49;
	[tilespmem:s11+$0x2DF0] =	vst v7  }
0x79: {  	v28 =	vld [tilespmem:s11+$0x2DE0];
	v8 =	vmul.f32 v47, v49;
	[tilespmem:s11+$0x2C60] =	vst v12  }
0x7a: {  	v30 =	vld [tilespmem:s11+$0x2E00];
	v9 =	vmul.f32 v48, v49;
	[tilespmem:s11+$0x2CA0] =	vst v10  }
0x7b: {  	v50 =	vld [tilespmem:s11+$0x2CD0];
	v5 =	vbroadcast v2, $0xF;
	v11 =	vmul.f32 v51, v49;
	[tilespmem:s11+$0x2CB0] =	vst v8  }
0x7c: {  	v54 =	vld [tilespmem:s11+$0x2D10];
	v13 =	vmul.f32 v52, v49;
	[tilespmem:s11+$0x2CC0] =	vst v9  }
0x7d: {  	v55 =	vld [tilespmem:s11+$0x2D20];
	v35 =	vbroadcast v2, $0xC;
	v4 =	vmul.f32 v4, v5;
	[tilespmem:s11+$0x2CE0] =	vst v11  }
0x7e: {  	v56 =	vld [tilespmem:s11+$0x2D30];
	v40 =	vmul.f32 v28, v24;
	[tilespmem:s11+$0x2CF0] =	vst v13  }
0x7f: {  	v60 =	vld [tilespmem:s11+$0x2D60];
	v16 =	vmul.f32 v30, v35;
	[tilespmem:s11+$0x2FD0] =	vst v4  }
0x80: {  	v62 =	vld [tilespmem:s11+$0x2810];
	v12 =	vmul.f32 v50, v49;
	[tilespmem:s11+$0x2DE0] =	vst v40  }
0x81: {  	v63 =	vld [tilespmem:s11+$0x2840];
	v10 =	vmul.f32 v54, v6;
	[tilespmem:s11+$0x2E00] =	vst v16  }
0x82: {  	v20 =	vld [tilespmem:s11+$0x2850];
	v8 =	vmul.f32 v55, v6;
	[tilespmem:s11+$0x2CD0] =	vst v12  }
0x83: {  	v33 =	vld [tilespmem:s11+$0x2E30];
	v9 =	vmul.f32 v56, v6;
	[tilespmem:s11+$0x2D10] =	vst v10  }
0x84: {  	v61 =	vld [tilespmem:s11+$0x2FF0];
	v6 =	vmul.f32 v60, v6;
	[tilespmem:s11+$0x2D20] =	vst v8  }
0x85: {  	v38 =	vld [tilespmem:s11+$0x2E70];
	v13 =	vmul.f32 v62, v3;
	[tilespmem:s11+$0x2D30] =	vst v9  }
0x86: {  	v22 =	vld [tilespmem:s11+$0x2DA0];
	v4 =	vmul.f32 v63, v3;
	[tilespmem:s11+$0x2D60] =	vst v6  }
0x87: {  	v23 =	vld [tilespmem:s11+$0x2DB0];
	v3 =	vmul.f32 v20, v3;
	[tilespmem:s11+$0x2810] =	vst v13  }
0x88: {  	v26 =	vld [tilespmem:s11+$0x2DC0];
	v62 =	vmul.f32 v33, v35;
	[tilespmem:s11+$0x2840] =	vst v4  }
0x89: {  	v31 =	vld [tilespmem:s11+$0x2E10];
	v63 =	vmul.f32 v61, v5;
	[tilespmem:s11+$0x2850] =	vst v3  }
0x8a: {  	v34 =	vld [tilespmem:s11+$0x2E40];
	v16 =	vmul.f32 v38, v35;
	[tilespmem:s11+$0x2E30] =	vst v62  }
0x8b: {  	v41 =	vld [tilespmem:s11+$0x2EA0];
	v8 =	vmul.f32 v22, v24;
	[tilespmem:s11+$0x2FF0] =	vst v63  }
0x8c: {  	v46 =	vld [tilespmem:s11+$0x2EE0];
	v9 =	vmul.f32 v23, v24;
	[tilespmem:s11+$0x2E70] =	vst v16  }
0x8d: {  	v6 =	vmul.f32 v26, v24;
	v3 =	vld [tilespmem:s11+$0x2E90];
	[tilespmem:s11+$0x2DA0] =	vst v8  }
0x8e: {  	v36 =	vld [tilespmem:s11+$0x2E50];
	v44 =	vbroadcast v2, $0xD;
	v10 =	vmul.f32 v31, v35;
	[tilespmem:s11+$0x2DB0] =	vst v9  }
0x8f: {  	v37 =	vld [tilespmem:s11+$0x2E60];
	v13 =	vmul.f32 v34, v35;
	[tilespmem:s11+$0x2DC0] =	vst v6  }
0x90: {  	v39 =	vld [tilespmem:s11+$0x2E80];
	v12 =	vmul.f32 v41, v44;
	[tilespmem:s11+$0x2E10] =	vst v10  }
0x91: {  	v42 =	vld [tilespmem:s11+$0x2EB0];
	v51 =	vmul.f32 v46, v44;
	[tilespmem:s11+$0x2E40] =	vst v13  }
0x92: {  	v48 =	vld [tilespmem:s11+$0x2F10];
	[tilespmem:s11+$0x2EA0] =	vst v12;
	v3 =	vmul.f32 v3, v44  }
0x93: {  	v49 =	vld [tilespmem:s11+$0x2F20];
	v9 =	vmul.f32 v36, v35;
	[tilespmem:s11+$0x2EE0] =	vst v51  }
0x94: {  	v6 =	vmul.f32 v37, v35;
	[tilespmem:s11+$0x2E90] =	vst v3;
	v3 =	vld [tilespmem:s11+$0x2F00]  }
0x95: {  	v2 =	vbroadcast v2, $0xE;
	v50 =	vld [tilespmem:s11+$0x2F30];
	v10 =	vmul.f32 v39, v44;
	[tilespmem:s11+$0x2E50] =	vst v9  }
0x96: {  	v45 =	vld [tilespmem:s11+$0x2ED0];
	v13 =	vmul.f32 v42, v44;
	[tilespmem:s11+$0x2E60] =	vst v6  }
0x97: {  	v47 =	vld [tilespmem:s11+$0x2EF0];
	v12 =	vmul.f32 v48, v2;
	[tilespmem:s11+$0x2E80] =	vst v10  }
0x98: {  	v43 =	vld [tilespmem:s11+$0x2EC0];
	v11 =	vmul.f32 v49, v2;
	[tilespmem:s11+$0x2EB0] =	vst v13  }
0x99: {  	v55 =	vld [tilespmem:s11+$0x2F80];
	[tilespmem:s11+$0x2F10] =	vst v12;
	v3 =	vmul.f32 v3, v2  }
0x9a: {  	v57 =	vld [tilespmem:s11+$0x2FA0];
	v7 =	vmul.f32 v50, v2;
	[tilespmem:s11+$0x2F20] =	vst v11  }
0x9b: {  	v6 =	vmul.f32 v45, v44;
	[tilespmem:s11+$0x2F00] =	vst v3;
	v3 =	vld [tilespmem:s11+$0x2F70]  }
0x9c: {  	v52 =	vld [tilespmem:s11+$0x2F40];
	v10 =	vmul.f32 v47, v44;
	[tilespmem:s11+$0x2F30] =	vst v7  }
0x9d: {  	v56 =	vld [tilespmem:s11+$0x2F90];
	v9 =	vmul.f32 v43, v44;
	[tilespmem:s11+$0x2ED0] =	vst v6  }
0x9e: {  	v54 =	vld [tilespmem:s11+$0x2F60];
	v12 =	vmul.f32 v55, v5;
	[tilespmem:s11+$0x2EF0] =	vst v10  }
0x9f: {  	v58 =	vld [tilespmem:s11+$0x2FB0];
	v7 =	vmul.f32 v57, v5;
	[tilespmem:s11+$0x2EC0] =	vst v9  }
0xa0: {  	v53 =	vld [tilespmem:s11+$0x2F50];
	[tilespmem:s11+$0x2F80] =	vst v12;
	v3 =	vmul.f32 v3, v2  }
0xa1: {  	v59 =	vld [tilespmem:s11+$0x2FC0];
	v6 =	vmul.f32 v52, v2;
	[tilespmem:s11+$0x2FA0] =	vst v7  }
0xa2: {  	v60 =	vld [tilespmem:s11+$0x2FE0];
	[tilespmem:s11+$0x2F70] =	vst v3;
	v3 =	vmul.f32 v56, v5  }
0xa3: {  	v10 =	vmul.f32 v54, v2;
	[tilespmem:s11+$0x2F40] =	vst v6  }
0xa4: {  	v4 =	vld [tilespmem:s11+$0x2E20];
	[tilespmem:s11+$0x2F90] =	vst v3;
	v3 =	vmul.f32 v58, v5  }
0xa5: {  	[tilespmem:s11+$0x2F60] =	vst v10;
	v2 =	vmul.f32 v53, v2  }
0xa6: {  	[tilespmem:s11+$0x2FB0] =	vst v3;
	v3 =	vmul.f32 v59, v5  }
0xa7: {  	[tilespmem:s11+$0x2F50] =	vst v2;
	v5 =	vmul.f32 v60, v5  }
0xa8: {  	[tilespmem:s11+$0x2FC0] =	vst v3  }
0xa9: {  	s4 =	simm.s32 $0x1;
	v3 =	vmul.f32 v4, v35;
	[tilespmem:s11+$0x2FE0] =	vst v5  }
.LBB2_3:
0xaa: {  	s24 =	sshll.u32 s4, $0x4  }
0xab: {  	p0 =	sne.s32 s4, $0x7;
	[tilespmem:s11+$0x2E20] =	vst v3;
	s11 =	smov.u32 s4;
	s4 =	sadd.s32 $0x1, s4  }
0xac: {  	s24 =	sand.u32 $0x3FFFFFF0, s24  }
0xad: {  	v2 =	vld.idx.msk [tilespmem:v1+s24+$0x0 ss:$0x1], $0xffff  }
0xae: {  	s11 =	sshll.u32 s11, $0xB  }
0xaf: {  	s11 =	sand.u32 $0x3FFFF800, s11  }
0xb0: {  	v9 =	vld [tilespmem:s11+$0x28C0]  }
0xb1: {  	v10 =	vld [tilespmem:s11+$0x28D0]  }
0xb2: {  	v11 =	vld [tilespmem:s11+$0x28B0]  }
0xb3: {  	v3 =	vbroadcast v2, $0x0;
	v8 =	vbroadcast v2, $0x4;
	v4 =	vld [tilespmem:s11+$0x2820]  }
0xb4: {  	v6 =	vld [tilespmem:s11+$0x2830]  }
0xb5: {  	v7 =	vld [tilespmem:s11+$0x2D70]  }
0xb6: {  	v12 =	vld [tilespmem:s11+$0x2860]  }
0xb7: {  	v13 =	vld [tilespmem:s11+$0x2870]  }
0xb8: {  	v5 =	vbroadcast v2, $0xA;
	v4 =	vmul.f32 v4, v3;
	v14 =	vld [tilespmem:s11+$0x2880]  }
0xb9: {  	v6 =	vmul.f32 v6, v3;
	v15 =	vld [tilespmem:s11+$0x2890]  }
0xba: {  	[tilespmem:s11+$0x2820] =	vst v4;
	v16 =	vld [tilespmem:s11+$0x28A0];
	v4 =	vmul.f32 v7, v5  }
0xbb: {  	[tilespmem:s11+$0x2830] =	vst v6;
	v7 =	vmul.f32 v12, v3;
	v12 =	vbroadcast v2, $0x1;
	v6 =	vld [tilespmem:s11+$0x2D80]  }
0xbc: {  	v13 =	vmul.f32 v13, v3;
	[tilespmem:s11+$0x2D70] =	vst v4;
	v4 =	vld [tilespmem:s11+$0x2FD0]  }
0xbd: {  	[tilespmem:s11+$0x2860] =	vst v7;
	v14 =	vmul.f32 v14, v12;
	v7 =	vld [tilespmem:s11+$0x2D90]  }
0xbe: {  	[tilespmem:s11+$0x2870] =	vst v13;
	v13 =	vmul.f32 v15, v12;
	v15 =	vld [tilespmem:s11+$0x28E0]  }
0xbf: {  	[tilespmem:s11+$0x2880] =	vst v14;
	v14 =	vmul.f32 v16, v12;
	v16 =	vld [tilespmem:s11+$0x28F0]  }
0xc0: {  	v11 =	vmul.f32 v11, v12;
	[tilespmem:s11+$0x2890] =	vst v13;
	v13 =	vld [tilespmem:s11+$0x2900]  }
0xc1: {  	v9 =	vmul.f32 v9, v12;
	[tilespmem:s11+$0x28A0] =	vst v14;
	v14 =	vld [tilespmem:s11+$0x2910]  }
0xc2: {  	v10 =	vmul.f32 v10, v12;
	[tilespmem:s11+$0x28B0] =	vst v11;
	v11 =	vld [tilespmem:s11+$0x2920]  }
0xc3: {  	[tilespmem:s11+$0x28C0] =	vst v9;
	v9 =	vmul.f32 v15, v12;
	v15 =	vbroadcast v2, $0x2;
	v17 =	vld [tilespmem:s11+$0x2930]  }
0xc4: {  	[tilespmem:s11+$0x28D0] =	vst v10;
	v10 =	vmul.f32 v16, v12;
	v12 =	vld [tilespmem:s11+$0x2940]  }
0xc5: {  	[tilespmem:s11+$0x28E0] =	vst v9;
	v9 =	vmul.f32 v13, v15;
	v13 =	vld [tilespmem:s11+$0x2950]  }
0xc6: {  	[tilespmem:s11+$0x28F0] =	vst v10;
	v10 =	vmul.f32 v14, v15;
	v14 =	vld [tilespmem:s11+$0x2960]  }
0xc7: {  	[tilespmem:s11+$0x2900] =	vst v9;
	v9 =	vmul.f32 v11, v15;
	v11 =	vld [tilespmem:s11+$0x2970]  }
0xc8: {  	[tilespmem:s11+$0x2910] =	vst v10;
	v10 =	vmul.f32 v17, v15;
	v16 =	vld [tilespmem:s11+$0x2980]  }
0xc9: {  	[tilespmem:s11+$0x2920] =	vst v9;
	v9 =	vmul.f32 v12, v15;
	v12 =	vld [tilespmem:s11+$0x2990]  }
0xca: {  	[tilespmem:s11+$0x2930] =	vst v10;
	v10 =	vmul.f32 v13, v15;
	v13 =	vld [tilespmem:s11+$0x29A0]  }
0xcb: {  	[tilespmem:s11+$0x2940] =	vst v9;
	v9 =	vmul.f32 v14, v15;
	v14 =	vbroadcast v2, $0x3;
	v17 =	vld [tilespmem:s11+$0x29B0]  }
0xcc: {  	[tilespmem:s11+$0x2950] =	vst v10;
	v10 =	vmul.f32 v11, v15;
	v11 =	vld [tilespmem:s11+$0x29C0]  }
0xcd: {  	[tilespmem:s11+$0x2960] =	vst v9;
	v9 =	vmul.f32 v16, v14;
	v15 =	vld [tilespmem:s11+$0x29D0]  }
0xce: {  	[tilespmem:s11+$0x2970] =	vst v10;
	v10 =	vmul.f32 v12, v14;
	v12 =	vld [tilespmem:s11+$0x29E0]  }
0xcf: {  	[tilespmem:s11+$0x2980] =	vst v9;
	v9 =	vmul.f32 v13, v14;
	v13 =	vld [tilespmem:s11+$0x29F0]  }
0xd0: {  	[tilespmem:s11+$0x2990] =	vst v10;
	v10 =	vmul.f32 v17, v14;
	v16 =	vld [tilespmem:s11+$0x2A00]  }
0xd1: {  	[tilespmem:s11+$0x29A0] =	vst v9;
	v9 =	vmul.f32 v11, v14;
	v11 =	vld [tilespmem:s11+$0x2A10]  }
0xd2: {  	[tilespmem:s11+$0x29B0] =	vst v10;
	v10 =	vmul.f32 v15, v14;
	v15 =	vld [tilespmem:s11+$0x2A20]  }
0xd3: {  	[tilespmem:s11+$0x29C0] =	vst v9;
	v9 =	vmul.f32 v12, v14;
	v12 =	vld [tilespmem:s11+$0x2A30]  }
0xd4: {  	[tilespmem:s11+$0x29D0] =	vst v10;
	v10 =	vmul.f32 v13, v14;
	v13 =	vld [tilespmem:s11+$0x2A40]  }
0xd5: {  	[tilespmem:s11+$0x29E0] =	vst v9;
	v9 =	vmul.f32 v16, v8;
	v14 =	vld [tilespmem:s11+$0x2A50]  }
0xd6: {  	[tilespmem:s11+$0x29F0] =	vst v10;
	v10 =	vmul.f32 v11, v8;
	v11 =	vld [tilespmem:s11+$0x2A60]  }
0xd7: {  	[tilespmem:s11+$0x2A00] =	vst v9;
	v9 =	vmul.f32 v15, v8;
	v15 =	vld [tilespmem:s11+$0x2A70]  }
0xd8: {  	[tilespmem:s11+$0x2A10] =	vst v10;
	v10 =	vmul.f32 v12, v8;
	v12 =	vld [tilespmem:s11+$0x2A80]  }
0xd9: {  	[tilespmem:s11+$0x2A20] =	vst v9;
	v9 =	vmul.f32 v13, v8;
	v13 =	vld [tilespmem:s11+$0x2A90]  }
0xda: {  	[tilespmem:s11+$0x2A30] =	vst v10;
	v10 =	vmul.f32 v14, v8;
	v14 =	vld [tilespmem:s11+$0x2AA0]  }
0xdb: {  	[tilespmem:s11+$0x2A40] =	vst v9;
	v9 =	vmul.f32 v11, v8;
	v11 =	vbroadcast v2, $0x5;
	v16 =	vld [tilespmem:s11+$0x2AB0]  }
0xdc: {  	[tilespmem:s11+$0x2A50] =	vst v10;
	v8 =	vmul.f32 v15, v8;
	v10 =	vld [tilespmem:s11+$0x2AC0]  }
0xdd: {  	[tilespmem:s11+$0x2A60] =	vst v9;
	v9 =	vmul.f32 v12, v11;
	v12 =	vld [tilespmem:s11+$0x2AD0]  }
0xde: {  	[tilespmem:s11+$0x2A70] =	vst v8;
	v8 =	vmul.f32 v13, v11;
	v13 =	vld [tilespmem:s11+$0x2AE0]  }
0xdf: {  	[tilespmem:s11+$0x2A80] =	vst v9;
	v9 =	vmul.f32 v14, v11;
	v14 =	vld [tilespmem:s11+$0x2AF0]  }
0xe0: {  	[tilespmem:s11+$0x2A90] =	vst v8;
	v8 =	vmul.f32 v16, v11;
	v15 =	vld [tilespmem:s11+$0x2B00]  }
0xe1: {  	[tilespmem:s11+$0x2AA0] =	vst v9;
	v9 =	vmul.f32 v10, v11;
	v10 =	vld [tilespmem:s11+$0x2B10]  }
0xe2: {  	[tilespmem:s11+$0x2AB0] =	vst v8;
	v8 =	vmul.f32 v12, v11;
	v12 =	vld [tilespmem:s11+$0x2B20]  }
0xe3: {  	[tilespmem:s11+$0x2AC0] =	vst v9;
	v9 =	vmul.f32 v13, v11;
	v13 =	vbroadcast v2, $0x6;
	v16 =	vld [tilespmem:s11+$0x2B30]  }
0xe4: {  	[tilespmem:s11+$0x2AD0] =	vst v8;
	v8 =	vmul.f32 v14, v11;
	v11 =	vld [tilespmem:s11+$0x2B40]  }
0xe5: {  	[tilespmem:s11+$0x2AE0] =	vst v9;
	v9 =	vmul.f32 v15, v13;
	v14 =	vld [tilespmem:s11+$0x2B50]  }
0xe6: {  	[tilespmem:s11+$0x2AF0] =	vst v8;
	v8 =	vmul.f32 v10, v13;
	v10 =	vld [tilespmem:s11+$0x2B60]  }
0xe7: {  	[tilespmem:s11+$0x2B00] =	vst v9;
	v9 =	vmul.f32 v12, v13;
	v12 =	vld [tilespmem:s11+$0x2B70]  }
0xe8: {  	[tilespmem:s11+$0x2B10] =	vst v8;
	v8 =	vmul.f32 v16, v13;
	v15 =	vld [tilespmem:s11+$0x2B80]  }
0xe9: {  	[tilespmem:s11+$0x2B20] =	vst v9;
	v9 =	vmul.f32 v11, v13;
	v11 =	vld [tilespmem:s11+$0x2B90]  }
0xea: {  	[tilespmem:s11+$0x2B30] =	vst v8;
	v8 =	vmul.f32 v14, v13;
	v14 =	vld [tilespmem:s11+$0x2BA0]  }
0xeb: {  	[tilespmem:s11+$0x2B40] =	vst v9;
	v9 =	vmul.f32 v10, v13;
	v10 =	vbroadcast v2, $0x7;
	v16 =	vld [tilespmem:s11+$0x2BB0]  }
0xec: {  	[tilespmem:s11+$0x2B50] =	vst v8;
	v8 =	vmul.f32 v12, v13;
	v12 =	vld [tilespmem:s11+$0x2BC0]  }
0xed: {  	[tilespmem:s11+$0x2B60] =	vst v9;
	v9 =	vmul.f32 v15, v10;
	v13 =	vld [tilespmem:s11+$0x2BD0]  }
0xee: {  	[tilespmem:s11+$0x2B70] =	vst v8;
	v8 =	vmul.f32 v11, v10;
	v11 =	vld [tilespmem:s11+$0x2BE0]  }
0xef: {  	[tilespmem:s11+$0x2B80] =	vst v9;
	v9 =	vmul.f32 v14, v10;
	v14 =	vld [tilespmem:s11+$0x2BF0]  }
0xf0: {  	[tilespmem:s11+$0x2B90] =	vst v8;
	v8 =	vmul.f32 v16, v10;
	v15 =	vld [tilespmem:s11+$0x2C00]  }
0xf1: {  	[tilespmem:s11+$0x2BA0] =	vst v9;
	v9 =	vmul.f32 v12, v10;
	v12 =	vld [tilespmem:s11+$0x2C10]  }
0xf2: {  	[tilespmem:s11+$0x2BB0] =	vst v8;
	v8 =	vmul.f32 v13, v10;
	v13 =	vld [tilespmem:s11+$0x2C20]  }
0xf3: {  	[tilespmem:s11+$0x2BC0] =	vst v9;
	v9 =	vmul.f32 v11, v10;
	v11 =	vbroadcast v2, $0x8;
	v16 =	vld [tilespmem:s11+$0x2C30]  }
0xf4: {  	[tilespmem:s11+$0x2BD0] =	vst v8;
	v8 =	vmul.f32 v14, v10;
	v10 =	vld [tilespmem:s11+$0x2C40]  }
0xf5: {  	[tilespmem:s11+$0x2BE0] =	vst v9;
	v9 =	vmul.f32 v15, v11;
	v14 =	vld [tilespmem:s11+$0x2C50]  }
0xf6: {  	[tilespmem:s11+$0x2BF0] =	vst v8;
	v8 =	vmul.f32 v12, v11;
	v12 =	vld [tilespmem:s11+$0x2C60]  }
0xf7: {  	[tilespmem:s11+$0x2C00] =	vst v9;
	v9 =	vmul.f32 v13, v11;
	v13 =	vld [tilespmem:s11+$0x2C70]  }
0xf8: {  	[tilespmem:s11+$0x2C10] =	vst v8;
	v8 =	vmul.f32 v16, v11;
	v15 =	vld [tilespmem:s11+$0x2C80]  }
0xf9: {  	[tilespmem:s11+$0x2C20] =	vst v9;
	v9 =	vmul.f32 v10, v11;
	v10 =	vld [tilespmem:s11+$0x2C90]  }
0xfa: {  	[tilespmem:s11+$0x2C30] =	vst v8;
	v8 =	vmul.f32 v14, v11;
	v14 =	vld [tilespmem:s11+$0x2CA0]  }
0xfb: {  	[tilespmem:s11+$0x2C40] =	vst v9;
	v9 =	vmul.f32 v12, v11;
	v12 =	vbroadcast v2, $0x9;
	v16 =	vld [tilespmem:s11+$0x2CB0]  }
0xfc: {  	[tilespmem:s11+$0x2C50] =	vst v8;
	v8 =	vmul.f32 v13, v11;
	v11 =	vld [tilespmem:s11+$0x2CC0]  }
0xfd: {  	[tilespmem:s11+$0x2C60] =	vst v9;
	v9 =	vmul.f32 v15, v12;
	v13 =	vld [tilespmem:s11+$0x2CD0]  }
0xfe: {  	[tilespmem:s11+$0x2C70] =	vst v8;
	v8 =	vmul.f32 v10, v12;
	v10 =	vld [tilespmem:s11+$0x2CE0]  }
0xff: {  	[tilespmem:s11+$0x2C80] =	vst v9;
	v9 =	vmul.f32 v14, v12;
	v14 =	vld [tilespmem:s11+$0x2CF0]  }
0x100: {  	[tilespmem:s11+$0x2C90] =	vst v8;
	v8 =	vmul.f32 v16, v12;
	v15 =	vld [tilespmem:s11+$0x2D00]  }
0x101: {  	[tilespmem:s11+$0x2CA0] =	vst v9;
	v9 =	vmul.f32 v11, v12;
	v11 =	vld [tilespmem:s11+$0x2D10]  }
0x102: {  	[tilespmem:s11+$0x2CB0] =	vst v8;
	v8 =	vmul.f32 v13, v12;
	v13 =	vld [tilespmem:s11+$0x2D20]  }
0x103: {  	[tilespmem:s11+$0x2CC0] =	vst v9;
	v9 =	vmul.f32 v10, v12;
	v10 =	vld [tilespmem:s11+$0x2D30]  }
0x104: {  	[tilespmem:s11+$0x2CD0] =	vst v8;
	v8 =	vmul.f32 v14, v12;
	v12 =	vld [tilespmem:s11+$0x2D40]  }
0x105: {  	[tilespmem:s11+$0x2CE0] =	vst v9;
	v9 =	vmul.f32 v15, v5;
	v14 =	vld [tilespmem:s11+$0x2D50]  }
0x106: {  	[tilespmem:s11+$0x2CF0] =	vst v8;
	v8 =	vmul.f32 v11, v5;
	v11 =	vld [tilespmem:s11+$0x2D60]  }
0x107: {  	v15 =	vld [tilespmem:s11+$0x2800];
	[tilespmem:s11+$0x2D00] =	vst v9;
	v9 =	vmul.f32 v13, v5  }
0x108: {  	v13 =	vld [tilespmem:s11+$0x2810];
	[tilespmem:s11+$0x2D10] =	vst v8;
	v8 =	vmul.f32 v10, v5  }
0x109: {  	v10 =	vld [tilespmem:s11+$0x2840];
	[tilespmem:s11+$0x2D20] =	vst v9;
	v9 =	vmul.f32 v12, v5  }
0x10a: {  	v12 =	vld [tilespmem:s11+$0x2850];
	[tilespmem:s11+$0x2D30] =	vst v8;
	v8 =	vmul.f32 v14, v5  }
0x10b: {  	[tilespmem:s11+$0x2D40] =	vst v9;
	v9 =	vmul.f32 v11, v5;
	v11 =	vbroadcast v2, $0xB;
	v14 =	vld [tilespmem:s11+$0x2DA0]  }
0x10c: {  	v5 =	vbroadcast v2, $0xF;
	v15 =	vmul.f32 v3, v15;
	[tilespmem:s11+$0x2D50] =	vst v8;
	v8 =	vld [tilespmem:s11+$0x2DB0]  }
0x10d: {  	v13 =	vmul.f32 v13, v3;
	[tilespmem:s11+$0x2D60] =	vst v9;
	v6 =	vmul.f32 v6, v11;
	v9 =	vld [tilespmem:s11+$0x2DC0]  }
0x10e: {  	v7 =	vmul.f32 v7, v11;
	[tilespmem:s11+$0x2800] =	vst v15;
	v10 =	vmul.f32 v10, v3;
	v15 =	vld [tilespmem:s11+$0x2DD0]  }
0x10f: {  	v4 =	vmul.f32 v4, v5;
	v12 =	vmul.f32 v12, v3;
	[tilespmem:s11+$0x2D80] =	vst v6;
	v3 =	vld [tilespmem:s11+$0x2DE0]  }
0x110: {  	[tilespmem:s11+$0x2D90] =	vst v7;
	v6 =	vmul.f32 v14, v11;
	v7 =	vld [tilespmem:s11+$0x2DF0]  }
0x111: {  	v8 =	vmul.f32 v8, v11;
	v14 =	vld [tilespmem:s11+$0x2E00];
	[tilespmem:s11+$0x2FD0] =	vst v4  }
0x112: {  	[tilespmem:s11+$0x2810] =	vst v13;
	v4 =	vmul.f32 v9, v11;
	v9 =	vld [tilespmem:s11+$0x2E10]  }
0x113: {  	[tilespmem:s11+$0x2840] =	vst v10;
	v10 =	vmul.f32 v15, v11;
	v13 =	vld [tilespmem:s11+$0x2E20]  }
0x114: {  	v15 =	vbroadcast v2, $0xC;
	[tilespmem:s11+$0x2DA0] =	vst v6;
	v6 =	vmul.f32 v3, v11;
	v16 =	vld [tilespmem:s11+$0x2E30]  }
0x115: {  	[tilespmem:s11+$0x2DD0] =	vst v10;
	v7 =	vmul.f32 v7, v11;
	v10 =	vld [tilespmem:s11+$0x2E40]  }
0x116: {  	[tilespmem:s11+$0x2DB0] =	vst v8;
	v3 =	vmul.f32 v14, v15;
	v8 =	vld [tilespmem:s11+$0x2E50]  }
0x117: {  	[tilespmem:s11+$0x2DC0] =	vst v4;
	v4 =	vmul.f32 v9, v15;
	v9 =	vld [tilespmem:s11+$0x2E60]  }
0x118: {  	[tilespmem:s11+$0x2E00] =	vst v3;
	v3 =	vmul.f32 v13, v15;
	v11 =	vld [tilespmem:s11+$0x2E70]  }
0x119: {  	[tilespmem:s11+$0x2E10] =	vst v4;
	v4 =	vld [tilespmem:s11+$0x2E80]  }
0x11a: {  	[tilespmem:s11+$0x2850] =	vst v12;
	v10 =	vmul.f32 v10, v15;
	v12 =	vld [tilespmem:s11+$0x2E90]  }
0x11b: {  	[tilespmem:s11+$0x2DE0] =	vst v6;
	v6 =	vmul.f32 v8, v15;
	v8 =	vld [tilespmem:s11+$0x2EA0]  }
0x11c: {  	[tilespmem:s11+$0x2E40] =	vst v10;
	v9 =	vmul.f32 v9, v15;
	v10 =	vbroadcast v2, $0xD;
	v13 =	vld [tilespmem:s11+$0x2EB0]  }
0x11d: {  	[tilespmem:s11+$0x2E50] =	vst v6;
	v6 =	vmul.f32 v11, v15;
	v11 =	vld [tilespmem:s11+$0x2EC0]  }
0x11e: {  	[tilespmem:s11+$0x2E60] =	vst v9;
	v4 =	vmul.f32 v4, v10;
	v9 =	vld [tilespmem:s11+$0x2ED0]  }
0x11f: {  	[tilespmem:s11+$0x2E70] =	vst v6;
	v6 =	vmul.f32 v12, v10;
	v12 =	vld [tilespmem:s11+$0x2EE0]  }
0x120: {  	[tilespmem:s11+$0x2E80] =	vst v4;
	v4 =	vmul.f32 v8, v10;
	v8 =	vld [tilespmem:s11+$0x2EF0]  }
0x121: {  	[tilespmem:s11+$0x2E90] =	vst v6;
	v6 =	vmul.f32 v13, v10;
	v13 =	vld [tilespmem:s11+$0x2F00]  }
0x122: {  	[tilespmem:s11+$0x2EA0] =	vst v4;
	v4 =	vmul.f32 v11, v10;
	v11 =	vld [tilespmem:s11+$0x2F10]  }
0x123: {  	[tilespmem:s11+$0x2EB0] =	vst v6;
	v6 =	vmul.f32 v9, v10;
	v9 =	vld [tilespmem:s11+$0x2F20]  }
0x124: {  	v2 =	vbroadcast v2, $0xE;
	[tilespmem:s11+$0x2DF0] =	vst v7;
	v7 =	vmul.f32 v12, v10;
	v12 =	vld [tilespmem:s11+$0x2F30]  }
0x125: {  	[tilespmem:s11+$0x2ED0] =	vst v6;
	v6 =	vmul.f32 v8, v10;
	v8 =	vld [tilespmem:s11+$0x2F40]  }
0x126: {  	[tilespmem:s11+$0x2EE0] =	vst v7;
	v7 =	vmul.f32 v13, v2;
	v10 =	vld [tilespmem:s11+$0x2F50]  }
0x127: {  	[tilespmem:s11+$0x2EF0] =	vst v6;
	v6 =	vmul.f32 v11, v2;
	v11 =	vld [tilespmem:s11+$0x2F60]  }
0x128: {  	[tilespmem:s11+$0x2F00] =	vst v7;
	v7 =	vmul.f32 v9, v2;
	v9 =	vld [tilespmem:s11+$0x2F70]  }
0x129: {  	[tilespmem:s11+$0x2F10] =	vst v6;
	v6 =	vmul.f32 v12, v2;
	v12 =	vld [tilespmem:s11+$0x2F80]  }
0x12a: {  	[tilespmem:s11+$0x2F20] =	vst v7;
	v7 =	vmul.f32 v8, v2;
	v8 =	vld [tilespmem:s11+$0x2F90]  }
0x12b: {  	[tilespmem:s11+$0x2F30] =	vst v6;
	v6 =	vmul.f32 v10, v2;
	v10 =	vld [tilespmem:s11+$0x2FA0]  }
0x12c: {  	[tilespmem:s11+$0x2F40] =	vst v7;
	v7 =	vmul.f32 v11, v2;
	v11 =	vld [tilespmem:s11+$0x2FB0]  }
0x12d: {  	[tilespmem:s11+$0x2EC0] =	vst v4;
	v2 =	vmul.f32 v9, v2;
	v4 =	vld [tilespmem:s11+$0x2FC0]  }
0x12e: {  	[tilespmem:s11+$0x2F60] =	vst v7;
	v7 =	vmul.f32 v12, v5;
	v9 =	vld [tilespmem:s11+$0x2FE0]  }
0x12f: {  	[tilespmem:s11+$0x2F70] =	vst v2;
	v2 =	vmul.f32 v8, v5;
	v8 =	vld [tilespmem:s11+$0x2FF0]  }
0x130: {  	[tilespmem:s11+$0x2F80] =	vst v7;
	v7 =	vmul.f32 v10, v5  }
0x131: {  	[tilespmem:s11+$0x2F90] =	vst v2;
	v2 =	vmul.f32 v11, v5  }
0x132: {  	v10 =	vmul.f32 v16, v15;
	[tilespmem:s11+$0x2FA0] =	vst v7  }
0x133: {  	[tilespmem:s11+$0x2FB0] =	vst v2;
	v2 =	vmul.f32 v4, v5  }
.Ltmp0:
0x134: {  	[tilespmem:s11+$0x2E30] =	vst v10;
	v4 =	vmul.f32 v8, v5;
	(pc) =	sbr.rel @p0 .LBB2_3-.Ltmp0, $4  }
0x135: {  	[tilespmem:s11+$0x2FC0] =	vst v2  }
0x136: {  	v2 =	vmul.f32 v9, v5;
	[tilespmem:s11+$0x2FF0] =	vst v4  }
0x137: {  	[tilespmem:s11+$0x2F50] =	vst v6  }
0x138: {  	[tilespmem:s11+$0x2FE0] =	vst v2  }
0x139: {  	s4 =	sadd.s32 s10, s6;
	s28 =	sadd.s32 $0x1, s28  }
0x13a: {  	s4 =	sshll.u32 s4, $0x4;
	p0 =	sne.s32 s28, $0x5  }
.Ltmp1:
0x13b: {  	[tilespmem:s11+$0x2E20] =	vst v3;
	s24 =	sadd.s32 s7, s4;
	s4 =	simm.s32 $0x0;
	(pc) =	sbr.rel @p0 .LBB2_2-.Ltmp1, $4  }
0x13c: {  	[hbm4b:s24+s4] =	stream.linear.scatter [tilespmem:s26], [sflag:$0x3], $0x4000, $0x38;
	[tilespmem:$0x1EA80] =	vst v63  }
0x13d: {  	_ =	swait.ge [sflag:s25], $0x4000  }
0x13e: {  	[sflag:s25] =	ssyncset.done $0x0  }
0x13f: {  	[sflag:s25] =	ssyncadd.s32 $0xFFFFC000  }
0x140: {  	s10 =	sand.u32 $0xFE00, s4  }
0x141: {  	s11 =	sand.u32 $0x70, s4;
	s24 =	sshrl.u32 s10, $0x2  }
0x142: {  	s10 =	simm.s32 $0x40;
	s11 =	sor.u32 s11, s24  }
.LBB2_6:
0x143: {  	p0 =	sne.s32 s10, $0xFFC0  }
0x144: {  	[tilespmem:s11+$0x2800] =	vst v0;
	s4 =	sadd.s32 $0x10, s4;
	s11 =	smov.u32 s10;
	s10 =	sadd.s32 $0x40, s10  }
.Ltmp2:
0x145: {  	(pc) =	sbr.rel @p0 .LBB2_6-.Ltmp2, $4  }
0x146: {  	_ = 	snop  }
0x147: {  	s11 =	sand.u32 $0xFE00, s11  }
0x148: {  	s24 =	sand.u32 $0x70, s4;
	s11 =	sshrl.u32 s11, $0x2  }
0x149: {  	s11 =	sor.u32 s24, s11  }
0x14a: {  	[tilespmem:s11+$0x2800] =	vst v0  }
0x14b: {  	[spmem:s9] =	stream.linear.scatter [tilespmem:s26], [sflag:$0x3], $0x4000, $0x38;
	[tilespmem:$0x1EA80] =	vst v63  }
0x14c: {  	_ =	swait.ge [sflag:s25], $0x4000  }
0x14d: {  	[sflag:s25] =	ssyncset.done $0x0  }
0x14e: {  	[sflag:s25] =	ssyncadd.s32 $0xFFFFC000  }
0x14f: {  	[spmem:s12] =	stream.linear.scatter [tilespmem:s26], [sflag:$0x3], $0x4000, $0x38;
	[tilespmem:$0x1EA80] =	vst v63  }
0x150: {  	_ =	swait.ge [sflag:s25], $0x4000  }
0x151: {  	[sflag:s25] =	ssyncset.done $0x0  }
0x152: {  	[sflag:s25] =	ssyncadd.s32 $0xFFFFC000  }
0x153: {  	[spmem:s13] =	stream.linear.scatter [tilespmem:s26], [sflag:$0x3], $0x4000, $0x38;
	[tilespmem:$0x1EA80] =	vst v63  }
0x154: {  	_ =	swait.ge [sflag:s25], $0x4000  }
0x155: {  	[sflag:s25] =	ssyncset.done $0x0  }
0x156: {  	[sflag:s25] =	ssyncadd.s32 $0xFFFFC000  }
0x157: {  	[spmem:s14] =	stream.linear.scatter [tilespmem:s26], [sflag:$0x3], $0x4000, $0x38;
	[tilespmem:$0x1EA80] =	vst v63  }
0x158: {  	_ =	swait.ge [sflag:s25], $0x4000  }
0x159: {  	[sflag:s25] =	ssyncset.done $0x0  }
0x15a: {  	[sflag:s25] =	ssyncadd.s32 $0xFFFFC000  }
0x15b: {  	[spmem:s15] =	stream.linear.scatter [tilespmem:s26], [sflag:$0x3], $0x4000, $0x38;
	[tilespmem:$0x1EA80] =	vst v63  }
0x15c: {  	_ =	swait.ge [sflag:s25], $0x4000  }
0x15d: {  	[sflag:s25] =	ssyncset.done $0x0  }
0x15e: {  	[sflag:s25] =	ssyncadd.s32 $0xFFFFC000  }
0x15f: {  	s4 =	simm.s32 $0x0;
	[bflag:$0x0] =	sbarrier.arrive $0xFFFF  }
0x160: {  	[tilespmem:s4], [sflag:$0x3] =	stream.linear.gather [hbm4b:s20+s4], $0x1400, $0x38;
	[tilespmem:$0x1EA80] =	vst v63  }
0x161: {  	_ =	swait.ge [sflag:s25], $0x1400  }
0x162: {  	[sflag:s25] =	ssyncset.done $0x0  }
0x163: {  	s10 =	simm.s32 $0x1400;
	[sflag:s25] =	ssyncadd.s32 $0xFFFFEC00  }
0x164: {  	[tilespmem:s10], [sflag:$0x3] =	stream.linear.gather [hbm4b:s21+s4], $0x1400, $0x38;
	[tilespmem:$0x1EA80] =	vst v63  }
0x165: {  	_ =	swait.ge [sflag:s25], $0x1400  }
0x166: {  	[sflag:s25] =	ssyncset.done $0x0  }
0x167: {  	[sflag:s25] =	ssyncadd.s32 $0xFFFFEC00  }
0x168: {  	[tilespmem:s26], [sflag:$0x1] =	stream.indirect.gather [hbm4b:s7+s29], $0x80, s4, s29, $0xb8;
	[tilespmem:$0x1EA80] =	vst v63  }
0x169: {  	s10 =	simm.s32 $0x80  }
0x16a: {  	[tilespmem:s30], [sflag:$0x2] =	stream.indirect.gather [hbm4b:s7+s29], $0x80, s10, s29, $0xb8;
	[tilespmem:$0x1EA80] =	vst v63  }
0x16b: {  	_ =	swait.ge [sflag:s31], $0x4000  }
0x16c: {  	[sflag:s31] =	ssyncset.done $0x0  }
0x16d: {  	s11 =	simm.s32 $0x1400;
	[sflag:s31] =	ssyncadd.s32 $0xFFFFC000  }
0x16e: {  	[spmem:s2] =	stream.indirect.scatter.add.f32 [tilespmem:s26], [sflag:$0x3], $0x80, s11, s29, $0xb8;
	[tilespmem:$0x1EA80] =	vst v63  }
0x16f: {  	_ =	swait.ge [sflag:s25], $0x4000  }
0x170: {  	[sflag:s25] =	ssyncset.done $0x0  }
0x171: {  	s24 =	simm.s32 $0x100;
	[sflag:s25] =	ssyncadd.s32 $0xFFFFC000  }
0x172: {  	[tilespmem:s26], [sflag:$0x1] =	stream.indirect.gather [hbm4b:s7+s29], $0x80, s24, s29, $0xb8;
	[tilespmem:$0x1EA80] =	vst v63  }
0x173: {  	_ =	swait.ge [sflag:s1], $0x4000  }
0x174: {  	[sflag:s1] =	ssyncset.done $0x0  }
0x175: {  	s28 =	simm.s32 $0x1480;
	[sflag:s1] =	ssyncadd.s32 $0xFFFFC000  }
0x176: {  	[spmem:s2] =	stream.indirect.scatter.add.f32 [tilespmem:s30], [sflag:$0x3], $0x80, s28, s29, $0xb8;
	[tilespmem:$0x1EA80] =	vst v63  }
0x177: {  	_ =	swait.ge [sflag:s25], $0x4000  }
0x178: {  	s4 =	simm.s32 $0x100;
	s10 =	simm.s32 $0x800;
	[sflag:s25] =	ssyncset.done $0x0  }
.LBB2_8:
0x179: {  	s11 =	sadd.s32 $0x80, s4  }
0x17a: {  	[sflag:s25] =	ssyncadd.s32 $0xFFFFC000;
	s24 =	smov.u32 s10;
	s28 =	sadd.s32 $0x400, s10  }
0x17b: {  	[tilespmem:s30], [sflag:$0x2] =	stream.indirect.gather [hbm4b:s7+s29], $0x80, s11, s29, $0xb8;
	[tilespmem:$0x1EA80] =	vst v63  }
0x17c: {  	p0 =	sne.s32 s10, $0x4800;
	_ =	swait.ge [sflag:s31], $0x4000  }
0x17d: {  	[sflag:s31] =	ssyncset.done $0x0  }
0x17e: {  	s10 =	sadd.s32 $0x1400, s4;
	[sflag:s31] =	ssyncadd.s32 $0xFFFFC000  }
0x17f: {  	[spmem:s2] =	stream.indirect.scatter.add.f32 [tilespmem:s26], [sflag:$0x3], $0x80, s10, s29, $0xb8;
	[tilespmem:$0x1EA80] =	vst v63  }
0x180: {  	_ =	swait.ge [sflag:s25], $0x4000  }
0x181: {  	[sflag:s25] =	ssyncset.done $0x0  }
0x182: {  	s10 =	sadd.s32 $0x100, s4;
	[sflag:s25] =	ssyncadd.s32 $0xFFFFC000  }
0x183: {  	[tilespmem:s26], [sflag:$0x1] =	stream.indirect.gather [hbm4b:s7+s29], $0x80, s10, s29, $0xb8;
	[tilespmem:$0x1EA80] =	vst v63  }
0x184: {  	_ =	swait.ge [sflag:s1], $0x4000  }
.Ltmp3:
0x185: {  	[sflag:s1] =	ssyncset.done $0x0;
	(pc) =	sbr.rel @p0 .LBB2_8-.Ltmp3, $4  }
0x186: {  	s4 =	sadd.s32 $0x1480, s4;
	[sflag:s1] =	ssyncadd.s32 $0xFFFFC000  }
0x187: {  	[spmem:s2] =	stream.indirect.scatter.add.f32 [tilespmem:s30], [sflag:$0x3], $0x80, s4, s29, $0xb8;
	[tilespmem:$0x1EA80] =	vst v63  }
0x188: {  	_ =	swait.ge [sflag:s25], $0x4000  }
0x189: {  	s10 =	smov.u32 s28;
	s4 =	sshra.s32 s24, $0x2;
	[sflag:s25] =	ssyncset.done $0x0  }
0x18a: {  	s10 =	sadd.s32 $0x80, s4;
	[sflag:s25] =	ssyncadd.s32 $0xFFFFC000  }
0x18b: {  	[tilespmem:s30], [sflag:$0x2] =	stream.indirect.gather [hbm4b:s7+s29], $0x80, s10, s29, $0xb8;
	[tilespmem:$0x1EA80] =	vst v63  }
0x18c: {  	_ =	swait.ge [sflag:s31], $0x4000  }
0x18d: {  	[sflag:s31] =	ssyncset.done $0x0  }
0x18e: {  	s11 =	sadd.s32 $0x1400, s4;
	[sflag:s31] =	ssyncadd.s32 $0xFFFFC000  }
0x18f: {  	[spmem:s2] =	stream.indirect.scatter.add.f32 [tilespmem:s26], [sflag:$0x3], $0x80, s11, s29, $0xb8;
	[tilespmem:$0x1EA80] =	vst v63  }
0x190: {  	_ =	swait.ge [sflag:s25], $0x4000  }
0x191: {  	[sflag:s25] =	ssyncset.done $0x0  }
0x192: {  	s24 =	sadd.s32 $0x100, s4;
	[sflag:s25] =	ssyncadd.s32 $0xFFFFC000  }
0x193: {  	[tilespmem:s26], [sflag:$0x1] =	stream.indirect.gather [hbm4b:s7+s29], $0x80, s24, s29, $0xb8;
	[tilespmem:$0x1EA80] =	vst v63  }
0x194: {  	_ =	swait.ge [sflag:s1], $0x4000  }
0x195: {  	[sflag:s1] =	ssyncset.done $0x0  }
0x196: {  	s28 =	sadd.s32 $0x1480, s4;
	[sflag:s1] =	ssyncadd.s32 $0xFFFFC000  }
0x197: {  	[spmem:s2] =	stream.indirect.scatter.add.f32 [tilespmem:s30], [sflag:$0x3], $0x80, s28, s29, $0xb8;
	[tilespmem:$0x1EA80] =	vst v63  }
0x198: {  	_ =	swait.ge [sflag:s25], $0x4000  }
0x199: {  	[sflag:s25] =	ssyncset.done $0x0  }
0x19a: {  	s10 =	simm.s32 $0x1380;
	[sflag:s25] =	ssyncadd.s32 $0xFFFFC000  }
0x19b: {  	[tilespmem:s30], [sflag:$0x2] =	stream.indirect.gather [hbm4b:s7+s29], $0x80, s10, s29, $0xb8;
	[tilespmem:$0x1EA80] =	vst v63  }
0x19c: {  	_ =	swait.ge [sflag:s31], $0x4000  }
0x19d: {  	[sflag:s31] =	ssyncset.done $0x0  }
0x19e: {  	s11 =	simm.s32 $0x2700;
	[sflag:s31] =	ssyncadd.s32 $0xFFFFC000  }
0x19f: {  	[spmem:s2] =	stream.indirect.scatter.add.f32 [tilespmem:s26], [sflag:$0x3], $0x80, s11, s29, $0xb8;
	[tilespmem:$0x1EA80] =	vst v63  }
0x1a0: {  	_ =	swait.ge [sflag:s25], $0x4000  }
0x1a1: {  	[sflag:s25] =	ssyncset.done $0x0  }
0x1a2: {  	[sflag:s25] =	ssyncadd.s32 $0xFFFFC000  }
0x1a3: {  	_ =	swait.ge [sflag:s1], $0x4000  }
0x1a4: {  	[sflag:s1] =	ssyncset.done $0x0  }
0x1a5: {  	[sflag:s1] =	ssyncadd.s32 $0xFFFFC000  }
0x1a6: {  	[spmem:s2] =	stream.indirect.scatter.add.f32 [tilespmem:s30], [sflag:$0x3], $0x80, s0, s29, $0xb8;
	[tilespmem:$0x1EA80] =	vst v63  }
0x1a7: {  	_ =	swait.ge [sflag:s25], $0x4000  }
0x1a8: {  	[sflag:s25] =	ssyncset.done $0x0  }
0x1a9: {  	s24 =	simm.s32 $0x0;
	[sflag:s25] =	ssyncadd.s32 $0xFFFFC000  }
0x1aa: {  	[tilespmem:s24], [sflag:$0x3] =	stream.linear.gather [hbm4b:s22+s24], $0x1400, $0x38;
	[tilespmem:$0x1EA80] =	vst v63  }
0x1ab: {  	_ =	swait.ge [sflag:s25], $0x1400  }
0x1ac: {  	[sflag:s25] =	ssyncset.done $0x0  }
0x1ad: {  	s28 =	simm.s32 $0x1400;
	[sflag:s25] =	ssyncadd.s32 $0xFFFFEC00  }
0x1ae: {  	[tilespmem:s28], [sflag:$0x3] =	stream.linear.gather [hbm4b:s23+s24], $0x1400, $0x38;
	[tilespmem:$0x1EA80] =	vst v63  }
0x1af: {  	_ =	swait.ge [sflag:s25], $0x1400  }
0x1b0: {  	[sflag:s25] =	ssyncset.done $0x0  }
0x1b1: {  	[sflag:s25] =	ssyncadd.s32 $0xFFFFEC00  }
0x1b2: {  	[tilespmem:s26], [sflag:$0x1] =	stream.indirect.gather [hbm4b:s7+s29], $0x80, s24, s29, $0xb8;
	[tilespmem:$0x1EA80] =	vst v63  }
0x1b3: {  	s10 =	simm.s32 $0x80  }
0x1b4: {  	[tilespmem:s30], [sflag:$0x2] =	stream.indirect.gather [hbm4b:s7+s29], $0x80, s10, s29, $0xb8;
	[tilespmem:$0x1EA80] =	vst v63  }
0x1b5: {  	_ =	swait.ge [sflag:s31], $0x4000  }
0x1b6: {  	[sflag:s31] =	ssyncset.done $0x0  }
0x1b7: {  	s11 =	simm.s32 $0x1400;
	[sflag:s31] =	ssyncadd.s32 $0xFFFFC000  }
0x1b8: {  	[spmem:s2] =	stream.indirect.scatter.add.f32 [tilespmem:s26], [sflag:$0x3], $0x80, s11, s29, $0xb8;
	[tilespmem:$0x1EA80] =	vst v63  }
0x1b9: {  	_ =	swait.ge [sflag:s25], $0x4000  }
0x1ba: {  	[sflag:s25] =	ssyncset.done $0x0  }
0x1bb: {  	s24 =	simm.s32 $0x100;
	[sflag:s25] =	ssyncadd.s32 $0xFFFFC000  }
0x1bc: {  	[tilespmem:s26], [sflag:$0x1] =	stream.indirect.gather [hbm4b:s7+s29], $0x80, s24, s29, $0xb8;
	[tilespmem:$0x1EA80] =	vst v63  }
0x1bd: {  	_ =	swait.ge [sflag:s1], $0x4000  }
0x1be: {  	[sflag:s1] =	ssyncset.done $0x0  }
0x1bf: {  	s28 =	simm.s32 $0x1480;
	[sflag:s1] =	ssyncadd.s32 $0xFFFFC000  }
0x1c0: {  	[spmem:s2] =	stream.indirect.scatter.add.f32 [tilespmem:s30], [sflag:$0x3], $0x80, s28, s29, $0xb8;
	[tilespmem:$0x1EA80] =	vst v63  }
0x1c1: {  	_ =	swait.ge [sflag:s25], $0x4000  }
0x1c2: {  	s4 =	simm.s32 $0x100;
	s10 =	simm.s32 $0x800;
	[sflag:s25] =	ssyncset.done $0x0  }
.LBB2_10:
0x1c3: {  	s11 =	sadd.s32 $0x80, s4  }
0x1c4: {  	[sflag:s25] =	ssyncadd.s32 $0xFFFFC000;
	s24 =	smov.u32 s10;
	s28 =	sadd.s32 $0x400, s10  }
0x1c5: {  	[tilespmem:s30], [sflag:$0x2] =	stream.indirect.gather [hbm4b:s7+s29], $0x80, s11, s29, $0xb8;
	[tilespmem:$0x1EA80] =	vst v63  }
0x1c6: {  	p0 =	sne.s32 s10, $0x4800;
	_ =	swait.ge [sflag:s31], $0x4000  }
0x1c7: {  	[sflag:s31] =	ssyncset.done $0x0  }
0x1c8: {  	s10 =	sadd.s32 $0x1400, s4;
	[sflag:s31] =	ssyncadd.s32 $0xFFFFC000  }
0x1c9: {  	[spmem:s2] =	stream.indirect.scatter.add.f32 [tilespmem:s26], [sflag:$0x3], $0x80, s10, s29, $0xb8;
	[tilespmem:$0x1EA80] =	vst v63  }
0x1ca: {  	_ =	swait.ge [sflag:s25], $0x4000  }
0x1cb: {  	[sflag:s25] =	ssyncset.done $0x0  }
0x1cc: {  	s10 =	sadd.s32 $0x100, s4;
	[sflag:s25] =	ssyncadd.s32 $0xFFFFC000  }
0x1cd: {  	[tilespmem:s26], [sflag:$0x1] =	stream.indirect.gather [hbm4b:s7+s29], $0x80, s10, s29, $0xb8;
	[tilespmem:$0x1EA80] =	vst v63  }
0x1ce: {  	_ =	swait.ge [sflag:s1], $0x4000  }
.Ltmp4:
0x1cf: {  	[sflag:s1] =	ssyncset.done $0x0;
	(pc) =	sbr.rel @p0 .LBB2_10-.Ltmp4, $4  }
0x1d0: {  	s4 =	sadd.s32 $0x1480, s4;
	[sflag:s1] =	ssyncadd.s32 $0xFFFFC000  }
0x1d1: {  	[spmem:s2] =	stream.indirect.scatter.add.f32 [tilespmem:s30], [sflag:$0x3], $0x80, s4, s29, $0xb8;
	[tilespmem:$0x1EA80] =	vst v63  }
0x1d2: {  	_ =	swait.ge [sflag:s25], $0x4000  }
0x1d3: {  	s10 =	smov.u32 s28;
	s4 =	sshra.s32 s24, $0x2;
	[sflag:s25] =	ssyncset.done $0x0  }
0x1d4: {  	s10 =	sadd.s32 $0x80, s4;
	[sflag:s25] =	ssyncadd.s32 $0xFFFFC000  }
0x1d5: {  	[tilespmem:s30], [sflag:$0x2] =	stream.indirect.gather [hbm4b:s7+s29], $0x80, s10, s29, $0xb8;
	[tilespmem:$0x1EA80] =	vst v63  }
0x1d6: {  	_ =	swait.ge [sflag:s31], $0x4000  }
0x1d7: {  	[sflag:s31] =	ssyncset.done $0x0  }
0x1d8: {  	s11 =	sadd.s32 $0x1400, s4;
	[sflag:s31] =	ssyncadd.s32 $0xFFFFC000  }
0x1d9: {  	[spmem:s2] =	stream.indirect.scatter.add.f32 [tilespmem:s26], [sflag:$0x3], $0x80, s11, s29, $0xb8;
	[tilespmem:$0x1EA80] =	vst v63  }
0x1da: {  	_ =	swait.ge [sflag:s25], $0x4000  }
0x1db: {  	[sflag:s25] =	ssyncset.done $0x0  }
0x1dc: {  	s24 =	sadd.s32 $0x100, s4;
	[sflag:s25] =	ssyncadd.s32 $0xFFFFC000  }
0x1dd: {  	[tilespmem:s26], [sflag:$0x1] =	stream.indirect.gather [hbm4b:s7+s29], $0x80, s24, s29, $0xb8;
	[tilespmem:$0x1EA80] =	vst v63  }
0x1de: {  	_ =	swait.ge [sflag:s1], $0x4000  }
0x1df: {  	[sflag:s1] =	ssyncset.done $0x0  }
0x1e0: {  	s28 =	sadd.s32 $0x1480, s4;
	[sflag:s1] =	ssyncadd.s32 $0xFFFFC000  }
0x1e1: {  	[spmem:s2] =	stream.indirect.scatter.add.f32 [tilespmem:s30], [sflag:$0x3], $0x80, s28, s29, $0xb8;
	[tilespmem:$0x1EA80] =	vst v63  }
0x1e2: {  	_ =	swait.ge [sflag:s25], $0x4000  }
0x1e3: {  	[sflag:s25] =	ssyncset.done $0x0  }
0x1e4: {  	s10 =	simm.s32 $0x1380;
	[sflag:s25] =	ssyncadd.s32 $0xFFFFC000  }
0x1e5: {  	[tilespmem:s30], [sflag:$0x2] =	stream.indirect.gather [hbm4b:s7+s29], $0x80, s10, s29, $0xb8;
	[tilespmem:$0x1EA80] =	vst v63  }
0x1e6: {  	_ =	swait.ge [sflag:s31], $0x4000  }
0x1e7: {  	[sflag:s31] =	ssyncset.done $0x0  }
0x1e8: {  	s11 =	simm.s32 $0x2700;
	[sflag:s31] =	ssyncadd.s32 $0xFFFFC000  }
0x1e9: {  	[spmem:s2] =	stream.indirect.scatter.add.f32 [tilespmem:s26], [sflag:$0x3], $0x80, s11, s29, $0xb8;
	[tilespmem:$0x1EA80] =	vst v63  }
0x1ea: {  	_ =	swait.ge [sflag:s25], $0x4000  }
0x1eb: {  	[sflag:s25] =	ssyncset.done $0x0  }
0x1ec: {  	[sflag:s25] =	ssyncadd.s32 $0xFFFFC000  }
0x1ed: {  	_ =	swait.ge [sflag:s1], $0x4000  }
0x1ee: {  	[sflag:s1] =	ssyncset.done $0x0  }
0x1ef: {  	[sflag:s1] =	ssyncadd.s32 $0xFFFFC000  }
0x1f0: {  	[spmem:s2] =	stream.indirect.scatter.add.f32 [tilespmem:s30], [sflag:$0x3], $0x80, s0, s29, $0xb8;
	[tilespmem:$0x1EA80] =	vst v63  }
0x1f1: {  	_ =	swait.ge [sflag:s25], $0x4000  }
0x1f2: {  	[sflag:s25] =	ssyncset.done $0x0  }
0x1f3: {  	s24 =	stileid.u32;
	[sflag:s25] =	ssyncadd.s32 $0xFFFFC000  }
0x1f4: {  	s4 =	sshll.u32 s24, $0x6;
	[bflag:$0x0] =	sbarrier.arrive $0xFFFF  }
0x1f5: {  	s4 =	sor.u32 $0x1C03, s4;
	s28 =	sshrl.u32 s9, $0x3;
	s11 =	rddreg [dreg:$0x4]  }
0x1f6: {  	[hbm:s11], [sflag:s4] =	dma.local [spmem:s28], $0x800  }
0x1f7: {  	_ =	swait.ge [sflag:s25], $0x800  }
0x1f8: {  	[sflag:s25] =	ssyncset.done $0x0  }
0x1f9: {  	s24 =	sshrl.u32 s12, $0x3;
	[sflag:s25] =	ssyncadd.s32 $0xFFFFF800  }
0x1fa: {  	[hbm:s16], [sflag:s4] =	dma.local [spmem:s24], $0x800  }
0x1fb: {  	_ =	swait.ge [sflag:s25], $0x800  }
0x1fc: {  	[sflag:s25] =	ssyncset.done $0x0  }
0x1fd: {  	s28 =	sshrl.u32 s13, $0x3;
	[sflag:s25] =	ssyncadd.s32 $0xFFFFF800  }
0x1fe: {  	[hbm:s17], [sflag:s4] =	dma.local [spmem:s28], $0x800  }
0x1ff: {  	_ =	swait.ge [sflag:s25], $0x800  }
0x200: {  	[sflag:s25] =	ssyncset.done $0x0  }
0x201: {  	s11 =	sshrl.u32 s14, $0x3;
	[sflag:s25] =	ssyncadd.s32 $0xFFFFF800  }
0x202: {  	[hbm:s18], [sflag:s4] =	dma.local [spmem:s11], $0x800  }
0x203: {  	_ =	swait.ge [sflag:s25], $0x800  }
0x204: {  	[sflag:s25] =	ssyncset.done $0x0  }
0x205: {  	s24 =	sshrl.u32 s15, $0x3;
	[sflag:s25] =	ssyncadd.s32 $0xFFFFF800  }
0x206: {  	[hbm:s19], [sflag:s4] =	dma.local [spmem:s24], $0x800  }
0x207: {  	_ =	swait.ge [sflag:s25], $0x800  }
0x208: {  	s8 =	sadd.s32 $0x1, s8;
	s28 =	rddreg [dreg:$0x5]  }
0x209: {  	p0 =	sne.s32 s8, s28  }
.Ltmp5:
0x20a: {  	_ = 	snop;
	(pc) =	sbr.rel @p0 .LBB2_1-.Ltmp5, $3  }
0x20b: {  	_ =	sdelay $0x1  }
0x20c: {  	[sflag:s25] =	ssyncset.done $0x0  }
0x20d: {  	[sflag:s25] =	ssyncadd.s32 $0xFFFFF800  }
0x20e: {  	_ =	sfence.sel $0x180000  }
0x20f: {  	[bflag:$0x0] =	sbarrier.arrive $0xFFFF  }
0x210: {  	_ =	strace $0x9000004A  }
0x211: {  	s0 =	stileid.u32;
	[bflag:$0x2] =	sbarrier.arrive $0xFFFF  }
0x212: {  	p0 =	sne.s32 s0, $0x0;
	s0 =	rddreg [dreg:$0x2]  }
0x213: {  	s0 =	sadd.s32 @!p0 $0x100000, s0  }
0x214: {  	[sflag:s0] =	ssyncadd.tile.s32 @!p0 $0x1;
	_ =	shalt  }
.Lfunc_end2:
_tile_overlayer_lowered:
.L_overlay_start_2:
0x215: {  	(tag) =	ssettag $0x2  }
0x216: {  	s0 =	rddreg [dreg:$0x0];
	s2 =	stileid.u32  }
0x217: {  	s1 =	rddreg [dreg:$0x1];
	p0 =	sne.s32 s2, $0x0  }
0x218: {  	s3 =	rddreg [dreg:$0x2];
	[bflag:$0x3] =	sbarrier.arrive $0xFFFF;
	s2 =	simm.s32 @!p0 $0x1C03  }
0x219: {  	[timem:s3], [sflag:s2] =	dma.local @!p0 [hbm:s0], s1  }
0x21a: {  	s0 =	simm.s32 @!p0 $0x3  }
0x21b: {  	_ =	swait.ge @!p0 [sflag:s0], s1  }
0x21c: {  	s1 =	ssub.s32 @!p0 $0x0, s1;
	[sflag:s0] =	ssyncset.done @!p0 $0x0  }
0x21d: {  	[sflag:s0] =	ssyncadd.s32 @!p0 s1  }
0x21e: {  	[bflag:$0x3] =	sbarrier.arrive $0xFFFF  }
0x21f: {  	_ =	shalt  }

</sc_bundles>
